<compile_context>
chip_gen: v7x
topology: tpu7x:2x2x1
jax: 0.10.2.dev20260603
libtpu: 0.0.44.dev20260713+nightly
codegen_flags: <defaults>
</compile_context>

<pallas_src>
import functools

import jax
import jax.numpy as jnp
from jax import lax
from jax.experimental import pallas as pl
from jax.experimental.pallas import tpu as pltpu
from jax.experimental.pallas import tpu_sc as plsc

N_NODES = 10000
D_FEAT = 128
HIDDEN = 128
N_CLASSES = 64
N_EDGES = 320000

NC = 2
NS = 16
NW = NC * NS
EPW = N_EDGES // NW
K = 80
CH = EPW // K
N_PAD = 10240
STRIPE = N_PAD // NS
BN = 2000


def _sc_mesh():
    return plsc.VectorSubcoreMesh(core_axis_name="c", subcore_axis_name="s")


def _deg_call(dst, ones_rows, zeros_stripe):

    @functools.partial(
        pl.kernel,
        mesh=_sc_mesh(),
        out_type=jax.ShapeDtypeStruct((NC, N_PAD, HIDDEN), jnp.float32),
        scratch_types=[
            pltpu.VMEM((K,), jnp.int32),
            pltpu.VMEM((K,), jnp.int32),
            pltpu.VMEM((K,), jnp.int32),
            pltpu.VMEM((K,), jnp.int32),
            pltpu.VMEM((K, HIDDEN), jnp.float32),
            pltpu.VMEM_SHARED((N_PAD, HIDDEN), jnp.float32),
            pltpu.SemaphoreType.DMA,
            pltpu.SemaphoreType.DMA,
        ],
    )
    def k(dst_hbm, ones_hbm, zeros_hbm, out_hbm,
          didx0, didx1, didx2, didx3, ones_v, acc, isem, ssem):
        cid = lax.axis_index("c")
        sid = lax.axis_index("s")
        base = (sid * NC + cid) * EPW
        stripe = pl.ds(sid * STRIPE, STRIPE)
        didx = (didx0, didx1, didx2, didx3)
        pltpu.sync_copy(ones_hbm, ones_v)
        pltpu.sync_copy(zeros_hbm, acc.at[stripe])
        plsc.subcore_barrier()

        def istart(cc, q):
            pltpu.async_copy(dst_hbm.at[pl.ds(base + cc * K, K)], didx[q], isem)

        def iwait(q):
            pltpu.make_async_copy(dst_hbm.at[pl.ds(0, K)], didx[q], isem).wait()

        def sstart(q):
            pltpu.async_copy(ones_v, acc.at[didx[q]], ssem, add=True)

        def swait(q):
            pltpu.make_async_copy(ones_v, acc.at[didx[q]], ssem).wait()

        istart(0, 0)
        istart(1, 1)
        iwait(0)
        sstart(0)
        istart(2, 2)
        iwait(1)
        sstart(1)
        swait(0)
        istart(3, 3)

        def body(t, carry):
            for r in range(4):
                cc = 4 * t + 2 + r
                q = (2 + r) % 4
                iwait(q)
                sstart(q)
                swait((q + 3) % 4)
                istart(cc + 2, (q + 2) % 4)
            return carry

        lax.fori_loop(0, 30, body, 0)
        iwait(2)
        sstart(2)
        swait(1)
        istart(124, 0)
        iwait(3)
        sstart(3)
        swait(2)
        iwait(0)
        sstart(0)
        swait(3)
        swait(0)
        plsc.subcore_barrier()
        pltpu.sync_copy(acc.at[stripe], out_hbm.at[cid, stripe])

    return k(dst, ones_rows, zeros_stripe)


def _agg_call(p, src, dst, zeros_stripe, d):

    @functools.partial(
        pl.kernel,
        mesh=_sc_mesh(),
        out_type=jax.ShapeDtypeStruct((NC, N_PAD, d), jnp.float32),
        scratch_types=[
            pltpu.VMEM((K,), jnp.int32),
            pltpu.VMEM((K,), jnp.int32),
            pltpu.VMEM((K,), jnp.int32),
            pltpu.VMEM((K,), jnp.int32),
            pltpu.VMEM((K,), jnp.int32),
            pltpu.VMEM((K,), jnp.int32),
            pltpu.VMEM((K,), jnp.int32),
            pltpu.VMEM((K,), jnp.int32),
            pltpu.VMEM((K, d), jnp.float32),
            pltpu.VMEM((K, d), jnp.float32),
            pltpu.VMEM_SHARED((N_PAD, d), jnp.float32),
            pltpu.SemaphoreType.DMA,
            pltpu.SemaphoreType.DMA,
            pltpu.SemaphoreType.DMA,
        ],
    )
    def k(p_hbm, src_hbm, dst_hbm, zeros_hbm, out_hbm,
          sidx0, sidx1, sidx2, sidx3, didx0, didx1, didx2, didx3,
          rows0, rows1, acc, isem, gsem, ssem):
        cid = lax.axis_index("c")
        sid = lax.axis_index("s")
        base = (sid * NC + cid) * EPW
        stripe = pl.ds(sid * STRIPE, STRIPE)
        sidx = (sidx0, sidx1, sidx2, sidx3)
        didx = (didx0, didx1, didx2, didx3)
        rows = (rows0, rows1)
        pltpu.sync_copy(zeros_hbm, acc.at[stripe])
        plsc.subcore_barrier()

        def istart(cc, q):
            off = base + cc * K
            pltpu.async_copy(src_hbm.at[pl.ds(off, K)], sidx[q], isem)
            pltpu.async_copy(dst_hbm.at[pl.ds(off, K)], didx[q], isem)

        def iwait(q):
            pltpu.make_async_copy(src_hbm.at[pl.ds(0, K)], sidx[q], isem).wait()
            pltpu.make_async_copy(dst_hbm.at[pl.ds(0, K)], didx[q], isem).wait()

        def gstart(b, q):
            pltpu.async_copy(p_hbm.at[sidx[q]], rows[b], gsem)

        def gwait(b, q):
            pltpu.make_async_copy(p_hbm.at[sidx[q]], rows[b], gsem).wait()

        def sstart(b, q):
            pltpu.async_copy(rows[b], acc.at[didx[q]], ssem, add=True)

        def swait(b, q):
            pltpu.make_async_copy(rows[b], acc.at[didx[q]], ssem).wait()

        istart(0, 0)
        istart(1, 1)
        iwait(0)
        gstart(0, 0)
        iwait(1)
        gwait(0, 0)
        sstart(0, 0)
        istart(2, 2)
        gstart(1, 1)
        iwait(2)
        gwait(1, 1)
        sstart(1, 1)
        swait(0, 0)
        istart(3, 3)
        gstart(0, 2)

        def body(t, carry):
            for r in range(4):
                cc = 4 * t + 2 + r
                b = r % 2
                q = (2 + r) % 4
                iwait((q + 1) % 4)
                gwait(b, q)
                sstart(b, q)
                swait(1 - b, (q + 3) % 4)
                istart(cc + 2, (q + 2) % 4)
                gstart(1 - b, (q + 1) % 4)
            return carry

        lax.fori_loop(0, 30, body, 0)
        iwait(3)
        gwait(0, 2)
        sstart(0, 2)
        swait(1, 1)
        istart(124, 0)
        gstart(1, 3)
        iwait(0)
        gwait(1, 3)
        sstart(1, 3)
        swait(0, 2)
        gstart(0, 0)
        gwait(0, 0)
        sstart(0, 0)
        swait(1, 3)
        swait(0, 0)
        plsc.subcore_barrier()
        pltpu.sync_copy(acc.at[stripe], out_hbm.at[cid, stripe])

    return k(p, src, dst, zeros_stripe)


def _dinv_block(dp_ref):
    deg = dp_ref[0, :, 0:1] + dp_ref[1, :, 0:1] + 1.0
    return lax.rsqrt(deg)


def _tc_a_call(dp, x, w1):
    def body(dp_ref, x_ref, w_ref, p_ref):
        dinv = _dinv_block(dp_ref)
        p_ref[...] = jnp.dot(x_ref[...] * dinv, w_ref[...],
                             preferred_element_type=jnp.float32)

    return pl.pallas_call(
        body,
        grid=(N_NODES // BN,),
        in_specs=[
            pl.BlockSpec((NC, BN, HIDDEN), lambda i: (0, i, 0)),
            pl.BlockSpec((BN, D_FEAT), lambda i: (i, 0)),
            pl.BlockSpec((D_FEAT, HIDDEN), lambda i: (0, 0)),
        ],
        out_specs=pl.BlockSpec((BN, HIDDEN), lambda i: (i, 0)),
        out_shape=jax.ShapeDtypeStruct((N_NODES, HIDDEN), jnp.float32),
    )(dp, x, w1)


def _tc_b_call(a1, p1, dp, b1):

    def body(a_ref, p_ref, dp_ref, b_ref, o_ref):
        dinv = _dinv_block(dp_ref)
        s = (a_ref[0] + a_ref[1] + p_ref[...]) * dinv + b_ref[...]
        o_ref[...] = jnp.maximum(s, 0.0) * dinv

    return pl.pallas_call(
        body,
        grid=(N_NODES // BN,),
        in_specs=[
            pl.BlockSpec((NC, BN, HIDDEN), lambda i: (0, i, 0)),
            pl.BlockSpec((BN, HIDDEN), lambda i: (i, 0)),
            pl.BlockSpec((NC, BN, HIDDEN), lambda i: (0, i, 0)),
            pl.BlockSpec((1, HIDDEN), lambda i: (0, 0)),
        ],
        out_specs=pl.BlockSpec((BN, HIDDEN), lambda i: (i, 0)),
        out_shape=jax.ShapeDtypeStruct((N_NODES, HIDDEN), jnp.float32),
    )(a1, p1, dp, b1)


def _tc_c_call(a2, r2, dp, b2, w2):
    def body(a_ref, r_ref, dp_ref, b_ref, w_ref, lp_ref, lg_ref):
        dinv = _dinv_block(dp_ref)
        z = (a_ref[0] + a_ref[1] + r_ref[...]) * dinv
        logits = jnp.dot(z, w_ref[...],
                         preferred_element_type=jnp.float32) + b_ref[...]
        m = jnp.max(logits, axis=-1, keepdims=True)
        lse = m + jnp.log(jnp.sum(jnp.exp(logits - m), axis=-1, keepdims=True))
        lg_ref[...] = logits
        lp_ref[...] = logits - lse

    spec = pl.BlockSpec((BN, N_CLASSES), lambda i: (i, 0))
    return pl.pallas_call(
        body,
        grid=(N_NODES // BN,),
        in_specs=[
            pl.BlockSpec((NC, BN, HIDDEN), lambda i: (0, i, 0)),
            pl.BlockSpec((BN, HIDDEN), lambda i: (i, 0)),
            pl.BlockSpec((NC, BN, HIDDEN), lambda i: (0, i, 0)),
            pl.BlockSpec((1, N_CLASSES), lambda i: (0, 0)),
            pl.BlockSpec((HIDDEN, N_CLASSES), lambda i: (0, 0)),
        ],
        out_specs=[spec, spec],
        out_shape=[
            jax.ShapeDtypeStruct((N_NODES, N_CLASSES), jnp.float32),
            jax.ShapeDtypeStruct((N_NODES, N_CLASSES), jnp.float32),
        ],
    )(a2, r2, dp, b2, w2)


def kernel(x, edge_index, W1, b1, W2, b2):
    src = edge_index[0]
    dst = edge_index[1]
    z_h = jnp.zeros((STRIPE, HIDDEN), jnp.float32)

    ones_rows = jnp.ones((K, HIDDEN), jnp.float32)
    degc = _deg_call(dst, ones_rows, z_h)
    p1 = _tc_a_call(degc, x, W1)
    a1 = _agg_call(p1, src, dst, z_h, HIDDEN)
    r2 = _tc_b_call(a1, p1, degc, b1.reshape(1, HIDDEN))
    a2 = _agg_call(r2, src, dst, z_h, HIDDEN)
    log_probs, logits = _tc_c_call(a2, r2, degc, b2.reshape(1, N_CLASSES), W2)
    return (log_probs, logits)

# --- scband reference (transcript-rebuilt; emitter-appended) ---
"""Pipeline reference for scband-gcnnet-13262859010221 (READ-ONLY COPY).

The authoritative reference and input builder live on the scoring server;
editing this copy changes nothing except your own understanding.
"""

import jax, jax.numpy as jnp
import numpy as np

N_NODES = 10000
N_EDGES = 320000
D_FEAT = 128
HIDDEN = 128
N_CLASSES = 64


def gcn_conv(x, edge_index, W, b):
    N = x.shape[0]
    src = edge_index[0]
    dst = edge_index[1]
    # add self loops (GCNConv default)
    loop = jnp.arange(N, dtype=src.dtype)
    src = jnp.concatenate([src, loop])
    dst = jnp.concatenate([dst, loop])
    # linear transform
    h = x @ W
    # symmetric normalization deg^{-1/2}[src] * deg^{-1/2}[dst]
    deg = jax.ops.segment_sum(jnp.ones_like(dst, dtype=h.dtype), dst, num_segments=N)
    deg_inv_sqrt = jnp.where(deg > 0, jax.lax.rsqrt(jnp.maximum(deg, 1e-12)), 0.0)
    norm = deg_inv_sqrt[src] * deg_inv_sqrt[dst]
    # gather messages from src, scale, scatter-add to dst
    msg = h[src] * norm[:, None]
    out = jax.ops.segment_sum(msg, dst, num_segments=N)
    return out + b


def setup_inputs(seed: int = 0) -> dict:
    key = jax.random.key(seed)
    k1, k2, k3, k4, k5 = jax.random.split(key, 5)
    x = jax.random.normal(k1, (N_NODES, D_FEAT), dtype=jnp.float32)
    edge_index = jax.random.randint(k2, (2, N_EDGES), 0, N_NODES, dtype=jnp.int64 if jax.config.jax_enable_x64 else jnp.int32).astype(jnp.int32)
    # Glorot-style init for GCN layer weights
    W1 = jax.random.normal(k3, (D_FEAT, HIDDEN), dtype=jnp.float32) * (1.0 / np.sqrt(D_FEAT))
    b1 = jnp.zeros((HIDDEN,), dtype=jnp.float32)
    W2 = jax.random.normal(k4, (HIDDEN, N_CLASSES), dtype=jnp.float32) * (1.0 / np.sqrt(HIDDEN))
    b2 = jnp.zeros((N_CLASSES,), dtype=jnp.float32)
    return {"x": x, "edge_index": edge_index, "W1": W1, "b1": b1, "W2": W2, "b2": b2}


def reference(x, edge_index, W1, b1, W2, b2):
    # layer 1 + relu (dropout is identity in eval mode)
    h = gcn_conv(x, edge_index, W1, b1)
    h = jax.nn.relu(h)
    # final layer
    logits = gcn_conv(h, edge_index, W2, b2)
    log_probs = jax.nn.log_softmax(logits, axis=1)
    return (log_probs, logits)

if __name__ == "__main__":
    import jax
    _d = setup_inputs()
    print(jax.jit(kernel)(*tuple(_d.values())))

</pallas_src>

<mosaic_0001>
#map = affine_map<(d0, d1) -> (0)>
#map1 = affine_map<(d0, d1) -> (0, 0)>
#map2 = affine_map<(d0, d1) -> (0, 0, 0)>
module attributes {stable_mosaic.version = 14 : i64} {
  func.func @k(%arg0: i32, %arg1: i32, %arg2: memref<320000xi32, #tpu.memory_space<hbm>>, %arg3: memref<80x128xf32, #tpu.memory_space<hbm>>, %arg4: memref<640x128xf32, #tpu.memory_space<hbm>>, %arg5: memref<2x10240x128xf32, #tpu.memory_space<hbm>>, %arg6: memref<80xi32, #tpu.memory_space<vmem>>, %arg7: memref<80xi32, #tpu.memory_space<vmem>>, %arg8: memref<80xi32, #tpu.memory_space<vmem>>, %arg9: memref<80xi32, #tpu.memory_space<vmem>>, %arg10: memref<80x128xf32, #tpu.memory_space<vmem>>, %arg11: memref<10240x128xf32, #tpu.memory_space<vmem_shared>>, %arg12: memref<!tpu.dma_semaphore, #tpu.memory_space<semaphore_mem>>, %arg13: memref<!tpu.dma_semaphore, #tpu.memory_space<semaphore_mem>>) attributes {dimension_semantics = [#tpu.dimension_semantics<core_parallel>, #tpu.dimension_semantics<subcore_parallel>], iteration_bounds = array<i64: 2, 16>, scalar_prefetch = 0 : i64, scratch_operands = 8 : i64, tpu.core_type = #tpu.core_type<sc_vector_subcore>, window_params = [{transform_indices = #map}, {transform_indices = #map1}, {transform_indices = #map1}, {transform_indices = #map2}]} {
    %mul3A = arith.constant 2 : i32
    %mul3A_0 = arith.muli %arg1, %mul3A : i32
    %add3A = arith.addi %mul3A_0, %arg0 : i32
    %mul3A_1 = arith.constant 10000 : i32
    %mul3A_2 = arith.muli %add3A, %mul3A_1 : i32
    %mul3A_3 = arith.constant 640 : i32
    %mul3A_4 = arith.muli %arg1, %mul3A_3 : i32
    "tpu.region"() ({
      %run_scoped3A = tpu.sem_alloc : memref<!tpu.dma_semaphore, #tpu.memory_space<semaphore_mem>>
      tpu.enqueue_dma source(%arg3 : memref<80x128xf32, #tpu.memory_space<hbm>>) target(%arg10 : memref<80x128xf32, #tpu.memory_space<vmem>>) target_semaphore(%run_scoped3A : memref<!tpu.dma_semaphore, #tpu.memory_space<semaphore_mem>>)
      tpu.wait_dma2 semaphore(%run_scoped3A : memref<!tpu.dma_semaphore, #tpu.memory_space<semaphore_mem>>) src(%arg3 : memref<80x128xf32, #tpu.memory_space<hbm>>) dst(%arg10 : memref<80x128xf32, #tpu.memory_space<vmem>>)
      tpu.yield
    }) : () -> ()
    "tpu.region"() ({
      %run_scoped3A = tpu.sem_alloc : memref<!tpu.dma_semaphore, #tpu.memory_space<semaphore_mem>>
      %dma_start3A_79 = arith.constant 0 : i32
      %dma_start3A_80 = tpu.memref_slice %arg11[%mul3A_4, %dma_start3A_79] : memref<10240x128xf32, #tpu.memory_space<vmem_shared>> -> memref<640x128xf32, #tpu.memory_space<vmem_shared>>
      tpu.enqueue_dma source(%arg4 : memref<640x128xf32, #tpu.memory_space<hbm>>) target(%dma_start3A_80 : memref<640x128xf32, #tpu.memory_space<vmem_shared>>) target_semaphore(%run_scoped3A : memref<!tpu.dma_semaphore, #tpu.memory_space<semaphore_mem>>)
      %dma_wait3A_81 = arith.constant 0 : i32
      %dma_wait3A_82 = tpu.memref_slice %arg11[%mul3A_4, %dma_wait3A_81] : memref<10240x128xf32, #tpu.memory_space<vmem_shared>> -> memref<640x128xf32, #tpu.memory_space<vmem_shared>>
      tpu.wait_dma2 semaphore(%run_scoped3A : memref<!tpu.dma_semaphore, #tpu.memory_space<semaphore_mem>>) src(%arg4 : memref<640x128xf32, #tpu.memory_space<hbm>>) dst(%dma_wait3A_82 : memref<640x128xf32, #tpu.memory_space<vmem_shared>>)
      tpu.yield
    }) : () -> ()
    %barrier3A = arith.constant 0 : index
    tpu.barrier barrier_id(%barrier3A)
    %add3A_5 = arith.constant 0 : i32
    %add3A_6 = arith.addi %mul3A_2, %add3A_5 : i32
    %dma_start3A = tpu.memref_slice %arg2[%add3A_6] : memref<320000xi32, #tpu.memory_space<hbm>> -> memref<80xi32, #tpu.memory_space<hbm>>
    %dma_start3A_7 = tpu.memref_slice %arg2[%add3A_6] : memref<320000xi32, #tpu.memory_space<hbm>> -> memref<80xi32, #tpu.memory_space<hbm>>
    tpu.enqueue_dma source(%dma_start3A_7 : memref<80xi32, #tpu.memory_space<hbm>>) target(%arg6 : memref<80xi32, #tpu.memory_space<vmem>>) target_semaphore(%arg12 : memref<!tpu.dma_semaphore, #tpu.memory_space<semaphore_mem>>)
    %add3A_8 = arith.constant 80 : i32
    %add3A_9 = arith.addi %mul3A_2, %add3A_8 : i32
    %dma_start3A_10 = tpu.memref_slice %arg2[%add3A_9] : memref<320000xi32, #tpu.memory_space<hbm>> -> memref<80xi32, #tpu.memory_space<hbm>>
    %dma_start3A_11 = tpu.memref_slice %arg2[%add3A_9] : memref<320000xi32, #tpu.memory_space<hbm>> -> memref<80xi32, #tpu.memory_space<hbm>>
    tpu.enqueue_dma source(%dma_start3A_11 : memref<80xi32, #tpu.memory_space<hbm>>) target(%arg7 : memref<80xi32, #tpu.memory_space<vmem>>) target_semaphore(%arg12 : memref<!tpu.dma_semaphore, #tpu.memory_space<semaphore_mem>>)
    %dma_wait3A = arith.constant 0 : i32
    %dma_wait3A_12 = tpu.memref_slice %arg2[%dma_wait3A] : memref<320000xi32, #tpu.memory_space<hbm>> -> memref<80xi32, #tpu.memory_space<hbm>>
    %dma_wait3A_13 = arith.constant 0 : i32
    %dma_wait3A_14 = tpu.memref_slice %arg2[%dma_wait3A_13] : memref<320000xi32, #tpu.memory_space<hbm>> -> memref<80xi32, #tpu.memory_space<hbm>>
    tpu.wait_dma2 semaphore(%arg12 : memref<!tpu.dma_semaphore, #tpu.memory_space<semaphore_mem>>) src(%dma_wait3A_14 : memref<80xi32, #tpu.memory_space<hbm>>) dst(%arg6 : memref<80xi32, #tpu.memory_space<vmem>>)
    %dma_start3A_15 = arith.constant 0 : i32
    %dma_start3A_16 = arith.constant 0 : i32
    %dma_start3A_17 = tpu.memref_slice %arg11[%dma_start3A_15, %dma_start3A_16] : memref<10240x128xf32, #tpu.memory_space<vmem_shared>> -> memref<10240x128xf32, #tpu.memory_space<vmem_shared>>
    tpu.enqueue_indirect_dma source(%arg10 : memref<80x128xf32, #tpu.memory_space<vmem>>) target(%dma_start3A_17 : memref<10240x128xf32, #tpu.memory_space<vmem_shared>>) offsets(%arg6 : memref<80xi32, #tpu.memory_space<vmem>>) semaphore(%arg13 : memref<!tpu.dma_semaphore, #tpu.memory_space<semaphore_mem>>) {add = true}
    %add3A_18 = arith.constant 160 : i32
    %add3A_19 = arith.addi %mul3A_2, %add3A_18 : i32
    %dma_start3A_20 = tpu.memref_slice %arg2[%add3A_19] : memref<320000xi32, #tpu.memory_space<hbm>> -> memref<80xi32, #tpu.memory_space<hbm>>
    %dma_start3A_21 = tpu.memref_slice %arg2[%add3A_19] : memref<320000xi32, #tpu.memory_space<hbm>> -> memref<80xi32, #tpu.memory_space<hbm>>
    tpu.enqueue_dma source(%dma_start3A_21 : memref<80xi32, #tpu.memory_space<hbm>>) target(%arg8 : memref<80xi32, #tpu.memory_space<vmem>>) target_semaphore(%arg12 : memref<!tpu.dma_semaphore, #tpu.memory_space<semaphore_mem>>)
    %dma_wait3A_22 = arith.constant 0 : i32
    %dma_wait3A_23 = tpu.memref_slice %arg2[%dma_wait3A_22] : memref<320000xi32, #tpu.memory_space<hbm>> -> memref<80xi32, #tpu.memory_space<hbm>>
    %dma_wait3A_24 = arith.constant 0 : i32
    %dma_wait3A_25 = tpu.memref_slice %arg2[%dma_wait3A_24] : memref<320000xi32, #tpu.memory_space<hbm>> -> memref<80xi32, #tpu.memory_space<hbm>>
    tpu.wait_dma2 semaphore(%arg12 : memref<!tpu.dma_semaphore, #tpu.memory_space<semaphore_mem>>) src(%dma_wait3A_25 : memref<80xi32, #tpu.memory_space<hbm>>) dst(%arg7 : memref<80xi32, #tpu.memory_space<vmem>>)
    %dma_start3A_26 = arith.constant 0 : i32
    %dma_start3A_27 = arith.constant 0 : i32
    %dma_start3A_28 = tpu.memref_slice %arg11[%dma_start3A_26, %dma_start3A_27] : memref<10240x128xf32, #tpu.memory_space<vmem_shared>> -> memref<10240x128xf32, #tpu.memory_space<vmem_shared>>
    tpu.enqueue_indirect_dma source(%arg10 : memref<80x128xf32, #tpu.memory_space<vmem>>) target(%dma_start3A_28 : memref<10240x128xf32, #tpu.memory_space<vmem_shared>>) offsets(%arg7 : memref<80xi32, #tpu.memory_space<vmem>>) semaphore(%arg13 : memref<!tpu.dma_semaphore, #tpu.memory_space<semaphore_mem>>) {add = true}
    %dma_wait3A_29 = arith.constant 0 : i32
    %dma_wait3A_30 = arith.constant 0 : i32
    %dma_wait3A_31 = tpu.memref_slice %arg11[%dma_wait3A_29, %dma_wait3A_30] : memref<10240x128xf32, #tpu.memory_space<vmem_shared>> -> memref<10240x128xf32, #tpu.memory_space<vmem_shared>>
    tpu.wait_indirect_dma semaphore(%arg13 : memref<!tpu.dma_semaphore, #tpu.memory_space<semaphore_mem>>) src(%arg10 : memref<80x128xf32, #tpu.memory_space<vmem>>) dst(%dma_wait3A_31 : memref<10240x128xf32, #tpu.memory_space<vmem_shared>>)
    %add3A_32 = arith.constant 240 : i32
    %add3A_33 = arith.addi %mul3A_2, %add3A_32 : i32
    %dma_start3A_34 = tpu.memref_slice %arg2[%add3A_33] : memref<320000xi32, #tpu.memory_space<hbm>> -> memref<80xi32, #tpu.memory_space<hbm>>
    %dma_start3A_35 = tpu.memref_slice %arg2[%add3A_33] : memref<320000xi32, #tpu.memory_space<hbm>> -> memref<80xi32, #tpu.memory_space<hbm>>
    tpu.enqueue_dma source(%dma_start3A_35 : memref<80xi32, #tpu.memory_space<hbm>>) target(%arg9 : memref<80xi32, #tpu.memory_space<vmem>>) target_semaphore(%arg12 : memref<!tpu.dma_semaphore, #tpu.memory_space<semaphore_mem>>)
    %scan3A = arith.constant 0 : i32
    %scan3A_36 = arith.constant 0 : i32
    %scan3A_37 = arith.constant 30 : i32
    %scan3A_38 = arith.addi %scan3A_36, %scan3A_37 : i32
    %scan3A_39 = arith.constant 1 : i32
    scf.for %scan3A_79 = %scan3A_36 to %scan3A_38 step %scan3A_39  : i32 {
      %mul3A_80 = arith.constant 4 : i32
      %mul3A_81 = arith.muli %mul3A_80, %scan3A_79 : i32
      %add3A_82 = arith.constant 2 : i32
      %add3A_83 = arith.addi %mul3A_81, %add3A_82 : i32
      %add3A_84 = arith.constant 0 : i32
      %add3A_85 = arith.addi %add3A_83, %add3A_84 : i32
      %dma_wait3A_86 = arith.constant 0 : i32
      %dma_wait3A_87 = tpu.memref_slice %arg2[%dma_wait3A_86] : memref<320000xi32, #tpu.memory_space<hbm>> -> memref<80xi32, #tpu.memory_space<hbm>>
      %dma_wait3A_88 = arith.constant 0 : i32
      %dma_wait3A_89 = tpu.memref_slice %arg2[%dma_wait3A_88] : memref<320000xi32, #tpu.memory_space<hbm>> -> memref<80xi32, #tpu.memory_space<hbm>>
      tpu.wait_dma2 semaphore(%arg12 : memref<!tpu.dma_semaphore, #tpu.memory_space<semaphore_mem>>) src(%dma_wait3A_89 : memref<80xi32, #tpu.memory_space<hbm>>) dst(%arg8 : memref<80xi32, #tpu.memory_space<vmem>>)
      %dma_start3A_90 = arith.constant 0 : i32
      %dma_start3A_91 = arith.constant 0 : i32
      %dma_start3A_92 = tpu.memref_slice %arg11[%dma_start3A_90, %dma_start3A_91] : memref<10240x128xf32, #tpu.memory_space<vmem_shared>> -> memref<10240x128xf32, #tpu.memory_space<vmem_shared>>
      tpu.enqueue_indirect_dma source(%arg10 : memref<80x128xf32, #tpu.memory_space<vmem>>) target(%dma_start3A_92 : memref<10240x128xf32, #tpu.memory_space<vmem_shared>>) offsets(%arg8 : memref<80xi32, #tpu.memory_space<vmem>>) semaphore(%arg13 : memref<!tpu.dma_semaphore, #tpu.memory_space<semaphore_mem>>) {add = true}
      %dma_wait3A_93 = arith.constant 0 : i32
      %dma_wait3A_94 = arith.constant 0 : i32
      %dma_wait3A_95 = tpu.memref_slice %arg11[%dma_wait3A_93, %dma_wait3A_94] : memref<10240x128xf32, #tpu.memory_space<vmem_shared>> -> memref<10240x128xf32, #tpu.memory_space<vmem_shared>>
      tpu.wait_indirect_dma semaphore(%arg13 : memref<!tpu.dma_semaphore, #tpu.memory_space<semaphore_mem>>) src(%arg10 : memref<80x128xf32, #tpu.memory_space<vmem>>) dst(%dma_wait3A_95 : memref<10240x128xf32, #tpu.memory_space<vmem_shared>>)
      %add3A_96 = arith.constant 2 : i32
      %add3A_97 = arith.addi %add3A_85, %add3A_96 : i32
      %mul3A_98 = arith.constant 80 : i32
      %mul3A_99 = arith.muli %add3A_97, %mul3A_98 : i32
      %add3A_100 = arith.addi %mul3A_2, %mul3A_99 : i32
      %dma_start3A_101 = tpu.memref_slice %arg2[%add3A_100] : memref<320000xi32, #tpu.memory_space<hbm>> -> memref<80xi32, #tpu.memory_space<hbm>>
      %dma_start3A_102 = tpu.memref_slice %arg2[%add3A_100] : memref<320000xi32, #tpu.memory_space<hbm>> -> memref<80xi32, #tpu.memory_space<hbm>>
      tpu.enqueue_dma source(%dma_start3A_102 : memref<80xi32, #tpu.memory_space<hbm>>) target(%arg6 : memref<80xi32, #tpu.memory_space<vmem>>) target_semaphore(%arg12 : memref<!tpu.dma_semaphore, #tpu.memory_space<semaphore_mem>>)
      %mul3A_103 = arith.constant 4 : i32
      %mul3A_104 = arith.muli %mul3A_103, %scan3A_79 : i32
      %add3A_105 = arith.constant 2 : i32
      %add3A_106 = arith.addi %mul3A_104, %add3A_105 : i32
      %add3A_107 = arith.constant 1 : i32
      %add3A_108 = arith.addi %add3A_106, %add3A_107 : i32
      %dma_wait3A_109 = arith.constant 0 : i32
      %dma_wait3A_110 = tpu.memref_slice %arg2[%dma_wait3A_109] : memref<320000xi32, #tpu.memory_space<hbm>> -> memref<80xi32, #tpu.memory_space<hbm>>
      %dma_wait3A_111 = arith.constant 0 : i32
      %dma_wait3A_112 = tpu.memref_slice %arg2[%dma_wait3A_111] : memref<320000xi32, #tpu.memory_space<hbm>> -> memref<80xi32, #tpu.memory_space<hbm>>
      tpu.wait_dma2 semaphore(%arg12 : memref<!tpu.dma_semaphore, #tpu.memory_space<semaphore_mem>>) src(%dma_wait3A_112 : memref<80xi32, #tpu.memory_space<hbm>>) dst(%arg9 : memref<80xi32, #tpu.memory_space<vmem>>)
      %dma_start3A_113 = arith.constant 0 : i32
      %dma_start3A_114 = arith.constant 0 : i32
      %dma_start3A_115 = tpu.memref_slice %arg11[%dma_start3A_113, %dma_start3A_114] : memref<10240x128xf32, #tpu.memory_space<vmem_shared>> -> memref<10240x128xf32, #tpu.memory_space<vmem_shared>>
      tpu.enqueue_indirect_dma source(%arg10 : memref<80x128xf32, #tpu.memory_space<vmem>>) target(%dma_start3A_115 : memref<10240x128xf32, #tpu.memory_space<vmem_shared>>) offsets(%arg9 : memref<80xi32, #tpu.memory_space<vmem>>) semaphore(%arg13 : memref<!tpu.dma_semaphore, #tpu.memory_space<semaphore_mem>>) {add = true}
      %dma_wait3A_116 = arith.constant 0 : i32
      %dma_wait3A_117 = arith.constant 0 : i32
      %dma_wait3A_118 = tpu.memref_slice %arg11[%dma_wait3A_116, %dma_wait3A_117] : memref<10240x128xf32, #tpu.memory_space<vmem_shared>> -> memref<10240x128xf32, #tpu.memory_space<vmem_shared>>
      tpu.wait_indirect_dma semaphore(%arg13 : memref<!tpu.dma_semaphore, #tpu.memory_space<semaphore_mem>>) src(%arg10 : memref<80x128xf32, #tpu.memory_space<vmem>>) dst(%dma_wait3A_118 : memref<10240x128xf32, #tpu.memory_space<vmem_shared>>)
      %add3A_119 = arith.constant 2 : i32
      %add3A_120 = arith.addi %add3A_108, %add3A_119 : i32
      %mul3A_121 = arith.constant 80 : i32
      %mul3A_122 = arith.muli %add3A_120, %mul3A_121 : i32
      %add3A_123 = arith.addi %mul3A_2, %mul3A_122 : i32
      %dma_start3A_124 = tpu.memref_slice %arg2[%add3A_123] : memref<320000xi32, #tpu.memory_space<hbm>> -> memref<80xi32, #tpu.memory_space<hbm>>
      %dma_start3A_125 = tpu.memref_slice %arg2[%add3A_123] : memref<320000xi32, #tpu.memory_space<hbm>> -> memref<80xi32, #tpu.memory_space<hbm>>
      tpu.enqueue_dma source(%dma_start3A_125 : memref<80xi32, #tpu.memory_space<hbm>>) target(%arg7 : memref<80xi32, #tpu.memory_space<vmem>>) target_semaphore(%arg12 : memref<!tpu.dma_semaphore, #tpu.memory_space<semaphore_mem>>)
      %mul3A_126 = arith.constant 4 : i32
      %mul3A_127 = arith.muli %mul3A_126, %scan3A_79 : i32
      %add3A_128 = arith.constant 2 : i32
      %add3A_129 = arith.addi %mul3A_127, %add3A_128 : i32
      %add3A_130 = arith.constant 2 : i32
      %add3A_131 = arith.addi %add3A_129, %add3A_130 : i32
      %dma_wait3A_132 = arith.constant 0 : i32
      %dma_wait3A_133 = tpu.memref_slice %arg2[%dma_wait3A_132] : memref<320000xi32, #tpu.memory_space<hbm>> -> memref<80xi32, #tpu.memory_space<hbm>>
      %dma_wait3A_134 = arith.constant 0 : i32
      %dma_wait3A_135 = tpu.memref_slice %arg2[%dma_wait3A_134] : memref<320000xi32, #tpu.memory_space<hbm>> -> memref<80xi32, #tpu.memory_space<hbm>>
      tpu.wait_dma2 semaphore(%arg12 : memref<!tpu.dma_semaphore, #tpu.memory_space<semaphore_mem>>) src(%dma_wait3A_135 : memref<80xi32, #tpu.memory_space<hbm>>) dst(%arg6 : memref<80xi32, #tpu.memory_space<vmem>>)
      %dma_start3A_136 = arith.constant 0 : i32
      %dma_start3A_137 = arith.constant 0 : i32
      %dma_start3A_138 = tpu.memref_slice %arg11[%dma_start3A_136, %dma_start3A_137] : memref<10240x128xf32, #tpu.memory_space<vmem_shared>> -> memref<10240x128xf32, #tpu.memory_space<vmem_shared>>
      tpu.enqueue_indirect_dma source(%arg10 : memref<80x128xf32, #tpu.memory_space<vmem>>) target(%dma_start3A_138 : memref<10240x128xf32, #tpu.memory_space<vmem_shared>>) offsets(%arg6 : memref<80xi32, #tpu.memory_space<vmem>>) semaphore(%arg13 : memref<!tpu.dma_semaphore, #tpu.memory_space<semaphore_mem>>) {add = true}
      %dma_wait3A_139 = arith.constant 0 : i32
      %dma_wait3A_140 = arith.constant 0 : i32
      %dma_wait3A_141 = tpu.memref_slice %arg11[%dma_wait3A_139, %dma_wait3A_140] : memref<10240x128xf32, #tpu.memory_space<vmem_shared>> -> memref<10240x128xf32, #tpu.memory_space<vmem_shared>>
      tpu.wait_indirect_dma semaphore(%arg13 : memref<!tpu.dma_semaphore, #tpu.memory_space<semaphore_mem>>) src(%arg10 : memref<80x128xf32, #tpu.memory_space<vmem>>) dst(%dma_wait3A_141 : memref<10240x128xf32, #tpu.memory_space<vmem_shared>>)
      %add3A_142 = arith.constant 2 : i32
      %add3A_143 = arith.addi %add3A_131, %add3A_142 : i32
      %mul3A_144 = arith.constant 80 : i32
      %mul3A_145 = arith.muli %add3A_143, %mul3A_144 : i32
      %add3A_146 = arith.addi %mul3A_2, %mul3A_145 : i32
      %dma_start3A_147 = tpu.memref_slice %arg2[%add3A_146] : memref<320000xi32, #tpu.memory_space<hbm>> -> memref<80xi32, #tpu.memory_space<hbm>>
      %dma_start3A_148 = tpu.memref_slice %arg2[%add3A_146] : memref<320000xi32, #tpu.memory_space<hbm>> -> memref<80xi32, #tpu.memory_space<hbm>>
      tpu.enqueue_dma source(%dma_start3A_148 : memref<80xi32, #tpu.memory_space<hbm>>) target(%arg8 : memref<80xi32, #tpu.memory_space<vmem>>) target_semaphore(%arg12 : memref<!tpu.dma_semaphore, #tpu.memory_space<semaphore_mem>>)
      %mul3A_149 = arith.constant 4 : i32
      %mul3A_150 = arith.muli %mul3A_149, %scan3A_79 : i32
      %add3A_151 = arith.constant 2 : i32
      %add3A_152 = arith.addi %mul3A_150, %add3A_151 : i32
      %add3A_153 = arith.constant 3 : i32
      %add3A_154 = arith.addi %add3A_152, %add3A_153 : i32
      %dma_wait3A_155 = arith.constant 0 : i32
      %dma_wait3A_156 = tpu.memref_slice %arg2[%dma_wait3A_155] : memref<320000xi32, #tpu.memory_space<hbm>> -> memref<80xi32, #tpu.memory_space<hbm>>
      %dma_wait3A_157 = arith.constant 0 : i32
      %dma_wait3A_158 = tpu.memref_slice %arg2[%dma_wait3A_157] : memref<320000xi32, #tpu.memory_space<hbm>> -> memref<80xi32, #tpu.memory_space<hbm>>
      tpu.wait_dma2 semaphore(%arg12 : memref<!tpu.dma_semaphore, #tpu.memory_space<semaphore_mem>>) src(%dma_wait3A_158 : memref<80xi32, #tpu.memory_space<hbm>>) dst(%arg7 : memref<80xi32, #tpu.memory_space<vmem>>)
      %dma_start3A_159 = arith.constant 0 : i32
      %dma_start3A_160 = arith.constant 0 : i32
      %dma_start3A_161 = tpu.memref_slice %arg11[%dma_start3A_159, %dma_start3A_160] : memref<10240x128xf32, #tpu.memory_space<vmem_shared>> -> memref<10240x128xf32, #tpu.memory_space<vmem_shared>>
      tpu.enqueue_indirect_dma source(%arg10 : memref<80x128xf32, #tpu.memory_space<vmem>>) target(%dma_start3A_161 : memref<10240x128xf32, #tpu.memory_space<vmem_shared>>) offsets(%arg7 : memref<80xi32, #tpu.memory_space<vmem>>) semaphore(%arg13 : memref<!tpu.dma_semaphore, #tpu.memory_space<semaphore_mem>>) {add = true}
      %dma_wait3A_162 = arith.constant 0 : i32
      %dma_wait3A_163 = arith.constant 0 : i32
      %dma_wait3A_164 = tpu.memref_slice %arg11[%dma_wait3A_162, %dma_wait3A_163] : memref<10240x128xf32, #tpu.memory_space<vmem_shared>> -> memref<10240x128xf32, #tpu.memory_space<vmem_shared>>
      tpu.wait_indirect_dma semaphore(%arg13 : memref<!tpu.dma_semaphore, #tpu.memory_space<semaphore_mem>>) src(%arg10 : memref<80x128xf32, #tpu.memory_space<vmem>>) dst(%dma_wait3A_164 : memref<10240x128xf32, #tpu.memory_space<vmem_shared>>)
      %add3A_165 = arith.constant 2 : i32
      %add3A_166 = arith.addi %add3A_154, %add3A_165 : i32
      %mul3A_167 = arith.constant 80 : i32
      %mul3A_168 = arith.muli %add3A_166, %mul3A_167 : i32
      %add3A_169 = arith.addi %mul3A_2, %mul3A_168 : i32
      %dma_start3A_170 = tpu.memref_slice %arg2[%add3A_169] : memref<320000xi32, #tpu.memory_space<hbm>> -> memref<80xi32, #tpu.memory_space<hbm>>
      %dma_start3A_171 = tpu.memref_slice %arg2[%add3A_169] : memref<320000xi32, #tpu.memory_space<hbm>> -> memref<80xi32, #tpu.memory_space<hbm>>
      tpu.enqueue_dma source(%dma_start3A_171 : memref<80xi32, #tpu.memory_space<hbm>>) target(%arg9 : memref<80xi32, #tpu.memory_space<vmem>>) target_semaphore(%arg12 : memref<!tpu.dma_semaphore, #tpu.memory_space<semaphore_mem>>)
    }
    %scan3A_40 = arith.constant 30 : i32
    %dma_wait3A_41 = arith.constant 0 : i32
    %dma_wait3A_42 = tpu.memref_slice %arg2[%dma_wait3A_41] : memref<320000xi32, #tpu.memory_space<hbm>> -> memref<80xi32, #tpu.memory_space<hbm>>
    %dma_wait3A_43 = arith.constant 0 : i32
    %dma_wait3A_44 = tpu.memref_slice %arg2[%dma_wait3A_43] : memref<320000xi32, #tpu.memory_space<hbm>> -> memref<80xi32, #tpu.memory_space<hbm>>
    tpu.wait_dma2 semaphore(%arg12 : memref<!tpu.dma_semaphore, #tpu.memory_space<semaphore_mem>>) src(%dma_wait3A_44 : memref<80xi32, #tpu.memory_space<hbm>>) dst(%arg8 : memref<80xi32, #tpu.memory_space<vmem>>)
    %dma_start3A_45 = arith.constant 0 : i32
    %dma_start3A_46 = arith.constant 0 : i32
    %dma_start3A_47 = tpu.memref_slice %arg11[%dma_start3A_45, %dma_start3A_46] : memref<10240x128xf32, #tpu.memory_space<vmem_shared>> -> memref<10240x128xf32, #tpu.memory_space<vmem_shared>>
    tpu.enqueue_indirect_dma source(%arg10 : memref<80x128xf32, #tpu.memory_space<vmem>>) target(%dma_start3A_47 : memref<10240x128xf32, #tpu.memory_space<vmem_shared>>) offsets(%arg8 : memref<80xi32, #tpu.memory_space<vmem>>) semaphore(%arg13 : memref<!tpu.dma_semaphore, #tpu.memory_space<semaphore_mem>>) {add = true}
    %dma_wait3A_48 = arith.constant 0 : i32
    %dma_wait3A_49 = arith.constant 0 : i32
    %dma_wait3A_50 = tpu.memref_slice %arg11[%dma_wait3A_48, %dma_wait3A_49] : memref<10240x128xf32, #tpu.memory_space<vmem_shared>> -> memref<10240x128xf32, #tpu.memory_space<vmem_shared>>
    tpu.wait_indirect_dma semaphore(%arg13 : memref<!tpu.dma_semaphore, #tpu.memory_space<semaphore_mem>>) src(%arg10 : memref<80x128xf32, #tpu.memory_space<vmem>>) dst(%dma_wait3A_50 : memref<10240x128xf32, #tpu.memory_space<vmem_shared>>)
    %add3A_51 = arith.constant 9920 : i32
    %add3A_52 = arith.addi %mul3A_2, %add3A_51 : i32
    %dma_start3A_53 = tpu.memref_slice %arg2[%add3A_52] : memref<320000xi32, #tpu.memory_space<hbm>> -> memref<80xi32, #tpu.memory_space<hbm>>
    %dma_start3A_54 = tpu.memref_slice %arg2[%add3A_52] : memref<320000xi32, #tpu.memory_space<hbm>> -> memref<80xi32, #tpu.memory_space<hbm>>
    tpu.enqueue_dma source(%dma_start3A_54 : memref<80xi32, #tpu.memory_space<hbm>>) target(%arg6 : memref<80xi32, #tpu.memory_space<vmem>>) target_semaphore(%arg12 : memref<!tpu.dma_semaphore, #tpu.memory_space<semaphore_mem>>)
    %dma_wait3A_55 = arith.constant 0 : i32
    %dma_wait3A_56 = tpu.memref_slice %arg2[%dma_wait3A_55] : memref<320000xi32, #tpu.memory_space<hbm>> -> memref<80xi32, #tpu.memory_space<hbm>>
    %dma_wait3A_57 = arith.constant 0 : i32
    %dma_wait3A_58 = tpu.memref_slice %arg2[%dma_wait3A_57] : memref<320000xi32, #tpu.memory_space<hbm>> -> memref<80xi32, #tpu.memory_space<hbm>>
    tpu.wait_dma2 semaphore(%arg12 : memref<!tpu.dma_semaphore, #tpu.memory_space<semaphore_mem>>) src(%dma_wait3A_58 : memref<80xi32, #tpu.memory_space<hbm>>) dst(%arg9 : memref<80xi32, #tpu.memory_space<vmem>>)
    %dma_start3A_59 = arith.constant 0 : i32
    %dma_start3A_60 = arith.constant 0 : i32
    %dma_start3A_61 = tpu.memref_slice %arg11[%dma_start3A_59, %dma_start3A_60] : memref<10240x128xf32, #tpu.memory_space<vmem_shared>> -> memref<10240x128xf32, #tpu.memory_space<vmem_shared>>
    tpu.enqueue_indirect_dma source(%arg10 : memref<80x128xf32, #tpu.memory_space<vmem>>) target(%dma_start3A_61 : memref<10240x128xf32, #tpu.memory_space<vmem_shared>>) offsets(%arg9 : memref<80xi32, #tpu.memory_space<vmem>>) semaphore(%arg13 : memref<!tpu.dma_semaphore, #tpu.memory_space<semaphore_mem>>) {add = true}
    %dma_wait3A_62 = arith.constant 0 : i32
    %dma_wait3A_63 = arith.constant 0 : i32
    %dma_wait3A_64 = tpu.memref_slice %arg11[%dma_wait3A_62, %dma_wait3A_63] : memref<10240x128xf32, #tpu.memory_space<vmem_shared>> -> memref<10240x128xf32, #tpu.memory_space<vmem_shared>>
    tpu.wait_indirect_dma semaphore(%arg13 : memref<!tpu.dma_semaphore, #tpu.memory_space<semaphore_mem>>) src(%arg10 : memref<80x128xf32, #tpu.memory_space<vmem>>) dst(%dma_wait3A_64 : memref<10240x128xf32, #tpu.memory_space<vmem_shared>>)
    %dma_wait3A_65 = arith.constant 0 : i32
    %dma_wait3A_66 = tpu.memref_slice %arg2[%dma_wait3A_65] : memref<320000xi32, #tpu.memory_space<hbm>> -> memref<80xi32, #tpu.memory_space<hbm>>
    %dma_wait3A_67 = arith.constant 0 : i32
    %dma_wait3A_68 = tpu.memref_slice %arg2[%dma_wait3A_67] : memref<320000xi32, #tpu.memory_space<hbm>> -> memref<80xi32, #tpu.memory_space<hbm>>
    tpu.wait_dma2 semaphore(%arg12 : memref<!tpu.dma_semaphore, #tpu.memory_space<semaphore_mem>>) src(%dma_wait3A_68 : memref<80xi32, #tpu.memory_space<hbm>>) dst(%arg6 : memref<80xi32, #tpu.memory_space<vmem>>)
    %dma_start3A_69 = arith.constant 0 : i32
    %dma_start3A_70 = arith.constant 0 : i32
    %dma_start3A_71 = tpu.memref_slice %arg11[%dma_start3A_69, %dma_start3A_70] : memref<10240x128xf32, #tpu.memory_space<vmem_shared>> -> memref<10240x128xf32, #tpu.memory_space<vmem_shared>>
    tpu.enqueue_indirect_dma source(%arg10 : memref<80x128xf32, #tpu.memory_space<vmem>>) target(%dma_start3A_71 : memref<10240x128xf32, #tpu.memory_space<vmem_shared>>) offsets(%arg6 : memref<80xi32, #tpu.memory_space<vmem>>) semaphore(%arg13 : memref<!tpu.dma_semaphore, #tpu.memory_space<semaphore_mem>>) {add = true}
    %dma_wait3A_72 = arith.constant 0 : i32
    %dma_wait3A_73 = arith.constant 0 : i32
    %dma_wait3A_74 = tpu.memref_slice %arg11[%dma_wait3A_72, %dma_wait3A_73] : memref<10240x128xf32, #tpu.memory_space<vmem_shared>> -> memref<10240x128xf32, #tpu.memory_space<vmem_shared>>
    tpu.wait_indirect_dma semaphore(%arg13 : memref<!tpu.dma_semaphore, #tpu.memory_space<semaphore_mem>>) src(%arg10 : memref<80x128xf32, #tpu.memory_space<vmem>>) dst(%dma_wait3A_74 : memref<10240x128xf32, #tpu.memory_space<vmem_shared>>)
    %dma_wait3A_75 = arith.constant 0 : i32
    %dma_wait3A_76 = arith.constant 0 : i32
    %dma_wait3A_77 = tpu.memref_slice %arg11[%dma_wait3A_75, %dma_wait3A_76] : memref<10240x128xf32, #tpu.memory_space<vmem_shared>> -> memref<10240x128xf32, #tpu.memory_space<vmem_shared>>
    tpu.wait_indirect_dma semaphore(%arg13 : memref<!tpu.dma_semaphore, #tpu.memory_space<semaphore_mem>>) src(%arg10 : memref<80x128xf32, #tpu.memory_space<vmem>>) dst(%dma_wait3A_77 : memref<10240x128xf32, #tpu.memory_space<vmem_shared>>)
    %barrier3A_78 = arith.constant 0 : index
    tpu.barrier barrier_id(%barrier3A_78)
    "tpu.region"() ({
      %run_scoped3A = tpu.sem_alloc : memref<!tpu.dma_semaphore, #tpu.memory_space<semaphore_mem>>
      %dma_start3A_79 = arith.constant 0 : i32
      %dma_start3A_80 = tpu.memref_slice %arg5[%arg0, %mul3A_4, %dma_start3A_79] : memref<2x10240x128xf32, #tpu.memory_space<hbm>> -> memref<1x640x128xf32, #tpu.memory_space<hbm>>
      %dma_start3A_81 = tpu.memref_squeeze %dma_start3A_80 : memref<1x640x128xf32, #tpu.memory_space<hbm>> -> memref<640x128xf32, #tpu.memory_space<hbm>>
      %dma_start3A_82 = arith.constant 0 : i32
      %dma_start3A_83 = tpu.memref_slice %arg11[%mul3A_4, %dma_start3A_82] : memref<10240x128xf32, #tpu.memory_space<vmem_shared>> -> memref<640x128xf32, #tpu.memory_space<vmem_shared>>
      tpu.enqueue_dma source(%dma_start3A_83 : memref<640x128xf32, #tpu.memory_space<vmem_shared>>) target(%dma_start3A_81 : memref<640x128xf32, #tpu.memory_space<hbm>>) target_semaphore(%run_scoped3A : memref<!tpu.dma_semaphore, #tpu.memory_space<semaphore_mem>>)
      %dma_wait3A_84 = arith.constant 0 : i32
      %dma_wait3A_85 = tpu.memref_slice %arg5[%arg0, %mul3A_4, %dma_wait3A_84] : memref<2x10240x128xf32, #tpu.memory_space<hbm>> -> memref<1x640x128xf32, #tpu.memory_space<hbm>>
      %dma_wait3A_86 = tpu.memref_squeeze %dma_wait3A_85 : memref<1x640x128xf32, #tpu.memory_space<hbm>> -> memref<640x128xf32, #tpu.memory_space<hbm>>
      %dma_wait3A_87 = arith.constant 0 : i32
      %dma_wait3A_88 = tpu.memref_slice %arg11[%mul3A_4, %dma_wait3A_87] : memref<10240x128xf32, #tpu.memory_space<vmem_shared>> -> memref<640x128xf32, #tpu.memory_space<vmem_shared>>
      tpu.wait_dma2 semaphore(%run_scoped3A : memref<!tpu.dma_semaphore, #tpu.memory_space<semaphore_mem>>) src(%dma_wait3A_88 : memref<640x128xf32, #tpu.memory_space<vmem_shared>>) dst(%dma_wait3A_86 : memref<640x128xf32, #tpu.memory_space<hbm>>)
      tpu.yield
    }) : () -> ()
    return
  }
}

#map = affine_map<(d0, d1) -> (0, 0)>
#map1 = affine_map<(d0, d1) -> (0)>
#map2 = affine_map<(d0, d1) -> (0, 0, 0)>
module attributes {stable_mosaic.version = 14 : i64} {
  func.func @k(%arg0: i32, %arg1: i32, %arg2: memref<10000x128xf32, #tpu.memory_space<hbm>>, %arg3: memref<320000xi32, #tpu.memory_space<hbm>>, %arg4: memref<320000xi32, #tpu.memory_space<hbm>>, %arg5: memref<640x128xf32, #tpu.memory_space<hbm>>, %arg6: memref<2x10240x128xf32, #tpu.memory_space<hbm>>, %arg7: memref<80xi32, #tpu.memory_space<vmem>>, %arg8: memref<80xi32, #tpu.memory_space<vmem>>, %arg9: memref<80xi32, #tpu.memory_space<vmem>>, %arg10: memref<80xi32, #tpu.memory_space<vmem>>, %arg11: memref<80xi32, #tpu.memory_space<vmem>>, %arg12: memref<80xi32, #tpu.memory_space<vmem>>, %arg13: memref<80xi32, #tpu.memory_space<vmem>>, %arg14: memref<80xi32, #tpu.memory_space<vmem>>, %arg15: memref<80x128xf32, #tpu.memory_space<vmem>>, %arg16: memref<80x128xf32, #tpu.memory_space<vmem>>, %arg17: memref<10240x128xf32, #tpu.memory_space<vmem_shared>>, %arg18: memref<!tpu.dma_semaphore, #tpu.memory_space<semaphore_mem>>, %arg19: memref<!tpu.dma_semaphore, #tpu.memory_space<semaphore_mem>>, %arg20: memref<!tpu.dma_semaphore, #tpu.memory_space<semaphore_mem>>) attributes {dimension_semantics = [#tpu.dimension_semantics<core_parallel>, #tpu.dimension_semantics<subcore_parallel>], iteration_bounds = array<i64: 2, 16>, scalar_prefetch = 0 : i64, scratch_operands = 14 : i64, tpu.core_type = #tpu.core_type<sc_vector_subcore>, window_params = [{transform_indices = #map}, {transform_indices = #map1}, {transform_indices = #map1}, {transform_indices = #map}, {transform_indices = #map2}]} {
    %mul3A = arith.constant 2 : i32
    %mul3A_0 = arith.muli %arg1, %mul3A : i32
    %add3A = arith.addi %mul3A_0, %arg0 : i32
    %mul3A_1 = arith.constant 10000 : i32
    %mul3A_2 = arith.muli %add3A, %mul3A_1 : i32
    %mul3A_3 = arith.constant 640 : i32
    %mul3A_4 = arith.muli %arg1, %mul3A_3 : i32
    "tpu.region"() ({
      %run_scoped3A = tpu.sem_alloc : memref<!tpu.dma_semaphore, #tpu.memory_space<semaphore_mem>>
      %dma_start3A_139 = arith.constant 0 : i32
      %dma_start3A_140 = tpu.memref_slice %arg17[%mul3A_4, %dma_start3A_139] : memref<10240x128xf32, #tpu.memory_space<vmem_shared>> -> memref<640x128xf32, #tpu.memory_space<vmem_shared>>
      tpu.enqueue_dma source(%arg5 : memref<640x128xf32, #tpu.memory_space<hbm>>) target(%dma_start3A_140 : memref<640x128xf32, #tpu.memory_space<vmem_shared>>) target_semaphore(%run_scoped3A : memref<!tpu.dma_semaphore, #tpu.memory_space<semaphore_mem>>)
      %dma_wait3A_141 = arith.constant 0 : i32
      %dma_wait3A_142 = tpu.memref_slice %arg17[%mul3A_4, %dma_wait3A_141] : memref<10240x128xf32, #tpu.memory_space<vmem_shared>> -> memref<640x128xf32, #tpu.memory_space<vmem_shared>>
      tpu.wait_dma2 semaphore(%run_scoped3A : memref<!tpu.dma_semaphore, #tpu.memory_space<semaphore_mem>>) src(%arg5 : memref<640x128xf32, #tpu.memory_space<hbm>>) dst(%dma_wait3A_142 : memref<640x128xf32, #tpu.memory_space<vmem_shared>>)
      tpu.yield
    }) : () -> ()
    %barrier3A = arith.constant 0 : index
    tpu.barrier barrier_id(%barrier3A)
    %add3A_5 = arith.constant 0 : i32
    %add3A_6 = arith.addi %mul3A_2, %add3A_5 : i32
    %dma_start3A = tpu.memref_slice %arg3[%add3A_6] : memref<320000xi32, #tpu.memory_space<hbm>> -> memref<80xi32, #tpu.memory_space<hbm>>
    %dma_start3A_7 = tpu.memref_slice %arg3[%add3A_6] : memref<320000xi32, #tpu.memory_space<hbm>> -> memref<80xi32, #tpu.memory_space<hbm>>
    tpu.enqueue_dma source(%dma_start3A_7 : memref<80xi32, #tpu.memory_space<hbm>>) target(%arg7 : memref<80xi32, #tpu.memory_space<vmem>>) target_semaphore(%arg18 : memref<!tpu.dma_semaphore, #tpu.memory_space<semaphore_mem>>)
    %dma_start3A_8 = tpu.memref_slice %arg4[%add3A_6] : memref<320000xi32, #tpu.memory_space<hbm>> -> memref<80xi32, #tpu.memory_space<hbm>>
    %dma_start3A_9 = tpu.memref_slice %arg4[%add3A_6] : memref<320000xi32, #tpu.memory_space<hbm>> -> memref<80xi32, #tpu.memory_space<hbm>>
    tpu.enqueue_dma source(%dma_start3A_9 : memref<80xi32, #tpu.memory_space<hbm>>) target(%arg11 : memref<80xi32, #tpu.memory_space<vmem>>) target_semaphore(%arg18 : memref<!tpu.dma_semaphore, #tpu.memory_space<semaphore_mem>>)
    %add3A_10 = arith.constant 80 : i32
    %add3A_11 = arith.addi %mul3A_2, %add3A_10 : i32
    %dma_start3A_12 = tpu.memref_slice %arg3[%add3A_11] : memref<320000xi32, #tpu.memory_space<hbm>> -> memref<80xi32, #tpu.memory_space<hbm>>
    %dma_start3A_13 = tpu.memref_slice %arg3[%add3A_11] : memref<320000xi32, #tpu.memory_space<hbm>> -> memref<80xi32, #tpu.memory_space<hbm>>
    tpu.enqueue_dma source(%dma_start3A_13 : memref<80xi32, #tpu.memory_space<hbm>>) target(%arg8 : memref<80xi32, #tpu.memory_space<vmem>>) target_semaphore(%arg18 : memref<!tpu.dma_semaphore, #tpu.memory_space<semaphore_mem>>)
    %dma_start3A_14 = tpu.memref_slice %arg4[%add3A_11] : memref<320000xi32, #tpu.memory_space<hbm>> -> memref<80xi32, #tpu.memory_space<hbm>>
    %dma_start3A_15 = tpu.memref_slice %arg4[%add3A_11] : memref<320000xi32, #tpu.memory_space<hbm>> -> memref<80xi32, #tpu.memory_space<hbm>>
    tpu.enqueue_dma source(%dma_start3A_15 : memref<80xi32, #tpu.memory_space<hbm>>) target(%arg12 : memref<80xi32, #tpu.memory_space<vmem>>) target_semaphore(%arg18 : memref<!tpu.dma_semaphore, #tpu.memory_space<semaphore_mem>>)
    %dma_wait3A = arith.constant 0 : i32
    %dma_wait3A_16 = tpu.memref_slice %arg3[%dma_wait3A] : memref<320000xi32, #tpu.memory_space<hbm>> -> memref<80xi32, #tpu.memory_space<hbm>>
    %dma_wait3A_17 = arith.constant 0 : i32
    %dma_wait3A_18 = tpu.memref_slice %arg3[%dma_wait3A_17] : memref<320000xi32, #tpu.memory_space<hbm>> -> memref<80xi32, #tpu.memory_space<hbm>>
    tpu.wait_dma2 semaphore(%arg18 : memref<!tpu.dma_semaphore, #tpu.memory_space<semaphore_mem>>) src(%dma_wait3A_18 : memref<80xi32, #tpu.memory_space<hbm>>) dst(%arg7 : memref<80xi32, #tpu.memory_space<vmem>>)
    %dma_wait3A_19 = arith.constant 0 : i32
    %dma_wait3A_20 = tpu.memref_slice %arg4[%dma_wait3A_19] : memref<320000xi32, #tpu.memory_space<hbm>> -> memref<80xi32, #tpu.memory_space<hbm>>
    %dma_wait3A_21 = arith.constant 0 : i32
    %dma_wait3A_22 = tpu.memref_slice %arg4[%dma_wait3A_21] : memref<320000xi32, #tpu.memory_space<hbm>> -> memref<80xi32, #tpu.memory_space<hbm>>
    tpu.wait_dma2 semaphore(%arg18 : memref<!tpu.dma_semaphore, #tpu.memory_space<semaphore_mem>>) src(%dma_wait3A_22 : memref<80xi32, #tpu.memory_space<hbm>>) dst(%arg11 : memref<80xi32, #tpu.memory_space<vmem>>)
    %dma_start3A_23 = arith.constant 0 : i32
    %dma_start3A_24 = arith.constant 0 : i32
    %dma_start3A_25 = tpu.memref_slice %arg2[%dma_start3A_23, %dma_start3A_24] : memref<10000x128xf32, #tpu.memory_space<hbm>> -> memref<10000x128xf32, #tpu.memory_space<hbm>>
    tpu.enqueue_indirect_dma source(%dma_start3A_25 : memref<10000x128xf32, #tpu.memory_space<hbm>>) target(%arg15 : memref<80x128xf32, #tpu.memory_space<vmem>>) offsets(%arg7 : memref<80xi32, #tpu.memory_space<vmem>>) semaphore(%arg19 : memref<!tpu.dma_semaphore, #tpu.memory_space<semaphore_mem>>)
    %dma_wait3A_26 = arith.constant 0 : i32
    %dma_wait3A_27 = tpu.memref_slice %arg3[%dma_wait3A_26] : memref<320000xi32, #tpu.memory_space<hbm>> -> memref<80xi32, #tpu.memory_space<hbm>>
    %dma_wait3A_28 = arith.constant 0 : i32
    %dma_wait3A_29 = tpu.memref_slice %arg3[%dma_wait3A_28] : memref<320000xi32, #tpu.memory_space<hbm>> -> memref<80xi32, #tpu.memory_space<hbm>>
    tpu.wait_dma2 semaphore(%arg18 : memref<!tpu.dma_semaphore, #tpu.memory_space<semaphore_mem>>) src(%dma_wait3A_29 : memref<80xi32, #tpu.memory_space<hbm>>) dst(%arg8 : memref<80xi32, #tpu.memory_space<vmem>>)
    %dma_wait3A_30 = arith.constant 0 : i32
    %dma_wait3A_31 = tpu.memref_slice %arg4[%dma_wait3A_30] : memref<320000xi32, #tpu.memory_space<hbm>> -> memref<80xi32, #tpu.memory_space<hbm>>
    %dma_wait3A_32 = arith.constant 0 : i32
    %dma_wait3A_33 = tpu.memref_slice %arg4[%dma_wait3A_32] : memref<320000xi32, #tpu.memory_space<hbm>> -> memref<80xi32, #tpu.memory_space<hbm>>
    tpu.wait_dma2 semaphore(%arg18 : memref<!tpu.dma_semaphore, #tpu.memory_space<semaphore_mem>>) src(%dma_wait3A_33 : memref<80xi32, #tpu.memory_space<hbm>>) dst(%arg12 : memref<80xi32, #tpu.memory_space<vmem>>)
    %dma_wait3A_34 = arith.constant 0 : i32
    %dma_wait3A_35 = arith.constant 0 : i32
    %dma_wait3A_36 = tpu.memref_slice %arg2[%dma_wait3A_34, %dma_wait3A_35] : memref<10000x128xf32, #tpu.memory_space<hbm>> -> memref<10000x128xf32, #tpu.memory_space<hbm>>
    tpu.wait_indirect_dma semaphore(%arg19 : memref<!tpu.dma_semaphore, #tpu.memory_space<semaphore_mem>>) src(%dma_wait3A_36 : memref<10000x128xf32, #tpu.memory_space<hbm>>) dst(%arg15 : memref<80x128xf32, #tpu.memory_space<vmem>>)
    %dma_start3A_37 = arith.constant 0 : i32
    %dma_start3A_38 = arith.constant 0 : i32
    %dma_start3A_39 = tpu.memref_slice %arg17[%dma_start3A_37, %dma_start3A_38] : memref<10240x128xf32, #tpu.memory_space<vmem_shared>> -> memref<10240x128xf32, #tpu.memory_space<vmem_shared>>
    tpu.enqueue_indirect_dma source(%arg15 : memref<80x128xf32, #tpu.memory_space<vmem>>) target(%dma_start3A_39 : memref<10240x128xf32, #tpu.memory_space<vmem_shared>>) offsets(%arg11 : memref<80xi32, #tpu.memory_space<vmem>>) semaphore(%arg20 : memref<!tpu.dma_semaphore, #tpu.memory_space<semaphore_mem>>) {add = true}
    %add3A_40 = arith.constant 160 : i32
    %add3A_41 = arith.addi %mul3A_2, %add3A_40 : i32
    %dma_start3A_42 = tpu.memref_slice %arg3[%add3A_41] : memref<320000xi32, #tpu.memory_space<hbm>> -> memref<80xi32, #tpu.memory_space<hbm>>
    %dma_start3A_43 = tpu.memref_slice %arg3[%add3A_41] : memref<320000xi32, #tpu.memory_space<hbm>> -> memref<80xi32, #tpu.memory_space<hbm>>
    tpu.enqueue_dma source(%dma_start3A_43 : memref<80xi32, #tpu.memory_space<hbm>>) target(%arg9 : memref<80xi32, #tpu.memory_space<vmem>>) target_semaphore(%arg18 : memref<!tpu.dma_semaphore, #tpu.memory_space<semaphore_mem>>)
    %dma_start3A_44 = tpu.memref_slice %arg4[%add3A_41] : memref<320000xi32, #tpu.memory_space<hbm>> -> memref<80xi32, #tpu.memory_space<hbm>>
    %dma_start3A_45 = tpu.memref_slice %arg4[%add3A_41] : memref<320000xi32, #tpu.memory_space<hbm>> -> memref<80xi32, #tpu.memory_space<hbm>>
    tpu.enqueue_dma source(%dma_start3A_45 : memref<80xi32, #tpu.memory_space<hbm>>) target(%arg13 : memref<80xi32, #tpu.memory_space<vmem>>) target_semaphore(%arg18 : memref<!tpu.dma_semaphore, #tpu.memory_space<semaphore_mem>>)
    %dma_start3A_46 = arith.constant 0 : i32
    %dma_start3A_47 = arith.constant 0 : i32
    %dma_start3A_48 = tpu.memref_slice %arg2[%dma_start3A_46, %dma_start3A_47] : memref<10000x128xf32, #tpu.memory_space<hbm>> -> memref<10000x128xf32, #tpu.memory_space<hbm>>
    tpu.enqueue_indirect_dma source(%dma_start3A_48 : memref<10000x128xf32, #tpu.memory_space<hbm>>) target(%arg16 : memref<80x128xf32, #tpu.memory_space<vmem>>) offsets(%arg8 : memref<80xi32, #tpu.memory_space<vmem>>) semaphore(%arg19 : memref<!tpu.dma_semaphore, #tpu.memory_space<semaphore_mem>>)
    %dma_wait3A_49 = arith.constant 0 : i32
    %dma_wait3A_50 = tpu.memref_slice %arg3[%dma_wait3A_49] : memref<320000xi32, #tpu.memory_space<hbm>> -> memref<80xi32, #tpu.memory_space<hbm>>
    %dma_wait3A_51 = arith.constant 0 : i32
    %dma_wait3A_52 = tpu.memref_slice %arg3[%dma_wait3A_51] : memref<320000xi32, #tpu.memory_space<hbm>> -> memref<80xi32, #tpu.memory_space<hbm>>
    tpu.wait_dma2 semaphore(%arg18 : memref<!tpu.dma_semaphore, #tpu.memory_space<semaphore_mem>>) src(%dma_wait3A_52 : memref<80xi32, #tpu.memory_space<hbm>>) dst(%arg9 : memref<80xi32, #tpu.memory_space<vmem>>)
    %dma_wait3A_53 = arith.constant 0 : i32
    %dma_wait3A_54 = tpu.memref_slice %arg4[%dma_wait3A_53] : memref<320000xi32, #tpu.memory_space<hbm>> -> memref<80xi32, #tpu.memory_space<hbm>>
    %dma_wait3A_55 = arith.constant 0 : i32
    %dma_wait3A_56 = tpu.memref_slice %arg4[%dma_wait3A_55] : memref<320000xi32, #tpu.memory_space<hbm>> -> memref<80xi32, #tpu.memory_space<hbm>>
    tpu.wait_dma2 semaphore(%arg18 : memref<!tpu.dma_semaphore, #tpu.memory_space<semaphore_mem>>) src(%dma_wait3A_56 : memref<80xi32, #tpu.memory_space<hbm>>) dst(%arg13 : memref<80xi32, #tpu.memory_space<vmem>>)
    %dma_wait3A_57 = arith.constant 0 : i32
    %dma_wait3A_58 = arith.constant 0 : i32
    %dma_wait3A_59 = tpu.memref_slice %arg2[%dma_wait3A_57, %dma_wait3A_58] : memref<10000x128xf32, #tpu.memory_space<hbm>> -> memref<10000x128xf32, #tpu.memory_space<hbm>>
    tpu.wait_indirect_dma semaphore(%arg19 : memref<!tpu.dma_semaphore, #tpu.memory_space<semaphore_mem>>) src(%dma_wait3A_59 : memref<10000x128xf32, #tpu.memory_space<hbm>>) dst(%arg16 : memref<80x128xf32, #tpu.memory_space<vmem>>)
    %dma_start3A_60 = arith.constant 0 : i32
    %dma_start3A_61 = arith.constant 0 : i32
    %dma_start3A_62 = tpu.memref_slice %arg17[%dma_start3A_60, %dma_start3A_61] : memref<10240x128xf32, #tpu.memory_space<vmem_shared>> -> memref<10240x128xf32, #tpu.memory_space<vmem_shared>>
    tpu.enqueue_indirect_dma source(%arg16 : memref<80x128xf32, #tpu.memory_space<vmem>>) target(%dma_start3A_62 : memref<10240x128xf32, #tpu.memory_space<vmem_shared>>) offsets(%arg12 : memref<80xi32, #tpu.memory_space<vmem>>) semaphore(%arg20 : memref<!tpu.dma_semaphore, #tpu.memory_space<semaphore_mem>>) {add = true}
    %dma_wait3A_63 = arith.constant 0 : i32
    %dma_wait3A_64 = arith.constant 0 : i32
    %dma_wait3A_65 = tpu.memref_slice %arg17[%dma_wait3A_63, %dma_wait3A_64] : memref<10240x128xf32, #tpu.memory_space<vmem_shared>> -> memref<10240x128xf32, #tpu.memory_space<vmem_shared>>
    tpu.wait_indirect_dma semaphore(%arg20 : memref<!tpu.dma_semaphore, #tpu.memory_space<semaphore_mem>>) src(%arg15 : memref<80x128xf32, #tpu.memory_space<vmem>>) dst(%dma_wait3A_65 : memref<10240x128xf32, #tpu.memory_space<vmem_shared>>)
    %add3A_66 = arith.constant 240 : i32
    %add3A_67 = arith.addi %mul3A_2, %add3A_66 : i32
    %dma_start3A_68 = tpu.memref_slice %arg3[%add3A_67] : memref<320000xi32, #tpu.memory_space<hbm>> -> memref<80xi32, #tpu.memory_space<hbm>>
    %dma_start3A_69 = tpu.memref_slice %arg3[%add3A_67] : memref<320000xi32, #tpu.memory_space<hbm>> -> memref<80xi32, #tpu.memory_space<hbm>>
    tpu.enqueue_dma source(%dma_start3A_69 : memref<80xi32, #tpu.memory_space<hbm>>) target(%arg10 : memref<80xi32, #tpu.memory_space<vmem>>) target_semaphore(%arg18 : memref<!tpu.dma_semaphore, #tpu.memory_space<semaphore_mem>>)
    %dma_start3A_70 = tpu.memref_slice %arg4[%add3A_67] : memref<320000xi32, #tpu.memory_space<hbm>> -> memref<80xi32, #tpu.memory_space<hbm>>
    %dma_start3A_71 = tpu.memref_slice %arg4[%add3A_67] : memref<320000xi32, #tpu.memory_space<hbm>> -> memref<80xi32, #tpu.memory_space<hbm>>
    tpu.enqueue_dma source(%dma_start3A_71 : memref<80xi32, #tpu.memory_space<hbm>>) target(%arg14 : memref<80xi32, #tpu.memory_space<vmem>>) target_semaphore(%arg18 : memref<!tpu.dma_semaphore, #tpu.memory_space<semaphore_mem>>)
    %dma_start3A_72 = arith.constant 0 : i32
    %dma_start3A_73 = arith.constant 0 : i32
    %dma_start3A_74 = tpu.memref_slice %arg2[%dma_start3A_72, %dma_start3A_73] : memref<10000x128xf32, #tpu.memory_space<hbm>> -> memref<10000x128xf32, #tpu.memory_space<hbm>>
    tpu.enqueue_indirect_dma source(%dma_start3A_74 : memref<10000x128xf32, #tpu.memory_space<hbm>>) target(%arg15 : memref<80x128xf32, #tpu.memory_space<vmem>>) offsets(%arg9 : memref<80xi32, #tpu.memory_space<vmem>>) semaphore(%arg19 : memref<!tpu.dma_semaphore, #tpu.memory_space<semaphore_mem>>)
    %scan3A = arith.constant 0 : i32
    %scan3A_75 = arith.constant 0 : i32
    %scan3A_76 = arith.constant 30 : i32
    %scan3A_77 = arith.addi %scan3A_75, %scan3A_76 : i32
    %scan3A_78 = arith.constant 1 : i32
    scf.for %scan3A_139 = %scan3A_75 to %scan3A_77 step %scan3A_78  : i32 {
      %mul3A_140 = arith.constant 4 : i32
      %mul3A_141 = arith.muli %mul3A_140, %scan3A_139 : i32
      %add3A_142 = arith.constant 2 : i32
      %add3A_143 = arith.addi %mul3A_141, %add3A_142 : i32
      %add3A_144 = arith.constant 0 : i32
      %add3A_145 = arith.addi %add3A_143, %add3A_144 : i32
      %dma_wait3A_146 = arith.constant 0 : i32
      %dma_wait3A_147 = tpu.memref_slice %arg3[%dma_wait3A_146] : memref<320000xi32, #tpu.memory_space<hbm>> -> memref<80xi32, #tpu.memory_space<hbm>>
      %dma_wait3A_148 = arith.constant 0 : i32
      %dma_wait3A_149 = tpu.memref_slice %arg3[%dma_wait3A_148] : memref<320000xi32, #tpu.memory_space<hbm>> -> memref<80xi32, #tpu.memory_space<hbm>>
      tpu.wait_dma2 semaphore(%arg18 : memref<!tpu.dma_semaphore, #tpu.memory_space<semaphore_mem>>) src(%dma_wait3A_149 : memref<80xi32, #tpu.memory_space<hbm>>) dst(%arg10 : memref<80xi32, #tpu.memory_space<vmem>>)
      %dma_wait3A_150 = arith.constant 0 : i32
      %dma_wait3A_151 = tpu.memref_slice %arg4[%dma_wait3A_150] : memref<320000xi32, #tpu.memory_space<hbm>> -> memref<80xi32, #tpu.memory_space<hbm>>
      %dma_wait3A_152 = arith.constant 0 : i32
      %dma_wait3A_153 = tpu.memref_slice %arg4[%dma_wait3A_152] : memref<320000xi32, #tpu.memory_space<hbm>> -> memref<80xi32, #tpu.memory_space<hbm>>
      tpu.wait_dma2 semaphore(%arg18 : memref<!tpu.dma_semaphore, #tpu.memory_space<semaphore_mem>>) src(%dma_wait3A_153 : memref<80xi32, #tpu.memory_space<hbm>>) dst(%arg14 : memref<80xi32, #tpu.memory_space<vmem>>)
      %dma_wait3A_154 = arith.constant 0 : i32
      %dma_wait3A_155 = arith.constant 0 : i32
      %dma_wait3A_156 = tpu.memref_slice %arg2[%dma_wait3A_154, %dma_wait3A_155] : memref<10000x128xf32, #tpu.memory_space<hbm>> -> memref<10000x128xf32, #tpu.memory_space<hbm>>
      tpu.wait_indirect_dma semaphore(%arg19 : memref<!tpu.dma_semaphore, #tpu.memory_space<semaphore_mem>>) src(%dma_wait3A_156 : memref<10000x128xf32, #tpu.memory_space<hbm>>) dst(%arg15 : memref<80x128xf32, #tpu.memory_space<vmem>>)
      %dma_start3A_157 = arith.constant 0 : i32
      %dma_start3A_158 = arith.constant 0 : i32
      %dma_start3A_159 = tpu.memref_slice %arg17[%dma_start3A_157, %dma_start3A_158] : memref<10240x128xf32, #tpu.memory_space<vmem_shared>> -> memref<10240x128xf32, #tpu.memory_space<vmem_shared>>
      tpu.enqueue_indirect_dma source(%arg15 : memref<80x128xf32, #tpu.memory_space<vmem>>) target(%dma_start3A_159 : memref<10240x128xf32, #tpu.memory_space<vmem_shared>>) offsets(%arg13 : memref<80xi32, #tpu.memory_space<vmem>>) semaphore(%arg20 : memref<!tpu.dma_semaphore, #tpu.memory_space<semaphore_mem>>) {add = true}
      %dma_wait3A_160 = arith.constant 0 : i32
      %dma_wait3A_161 = arith.constant 0 : i32
      %dma_wait3A_162 = tpu.memref_slice %arg17[%dma_wait3A_160, %dma_wait3A_161] : memref<10240x128xf32, #tpu.memory_space<vmem_shared>> -> memref<10240x128xf32, #tpu.memory_space<vmem_shared>>
      tpu.wait_indirect_dma semaphore(%arg20 : memref<!tpu.dma_semaphore, #tpu.memory_space<semaphore_mem>>) src(%arg16 : memref<80x128xf32, #tpu.memory_space<vmem>>) dst(%dma_wait3A_162 : memref<10240x128xf32, #tpu.memory_space<vmem_shared>>)
      %add3A_163 = arith.constant 2 : i32
      %add3A_164 = arith.addi %add3A_145, %add3A_163 : i32
      %mul3A_165 = arith.constant 80 : i32
      %mul3A_166 = arith.muli %add3A_164, %mul3A_165 : i32
      %add3A_167 = arith.addi %mul3A_2, %mul3A_166 : i32
      %dma_start3A_168 = tpu.memref_slice %arg3[%add3A_167] : memref<320000xi32, #tpu.memory_space<hbm>> -> memref<80xi32, #tpu.memory_space<hbm>>
      %dma_start3A_169 = tpu.memref_slice %arg3[%add3A_167] : memref<320000xi32, #tpu.memory_space<hbm>> -> memref<80xi32, #tpu.memory_space<hbm>>
      tpu.enqueue_dma source(%dma_start3A_169 : memref<80xi32, #tpu.memory_space<hbm>>) target(%arg7 : memref<80xi32, #tpu.memory_space<vmem>>) target_semaphore(%arg18 : memref<!tpu.dma_semaphore, #tpu.memory_space<semaphore_mem>>)
      %dma_start3A_170 = tpu.memref_slice %arg4[%add3A_167] : memref<320000xi32, #tpu.memory_space<hbm>> -> memref<80xi32, #tpu.memory_space<hbm>>
      %dma_start3A_171 = tpu.memref_slice %arg4[%add3A_167] : memref<320000xi32, #tpu.memory_space<hbm>> -> memref<80xi32, #tpu.memory_space<hbm>>
      tpu.enqueue_dma source(%dma_start3A_171 : memref<80xi32, #tpu.memory_space<hbm>>) target(%arg11 : memref<80xi32, #tpu.memory_space<vmem>>) target_semaphore(%arg18 : memref<!tpu.dma_semaphore, #tpu.memory_space<semaphore_mem>>)
      %dma_start3A_172 = arith.constant 0 : i32
      %dma_start3A_173 = arith.constant 0 : i32
      %dma_start3A_174 = tpu.memref_slice %arg2[%dma_start3A_172, %dma_start3A_173] : memref<10000x128xf32, #tpu.memory_space<hbm>> -> memref<10000x128xf32, #tpu.memory_space<hbm>>
      tpu.enqueue_indirect_dma source(%dma_start3A_174 : memref<10000x128xf32, #tpu.memory_space<hbm>>) target(%arg16 : memref<80x128xf32, #tpu.memory_space<vmem>>) offsets(%arg10 : memref<80xi32, #tpu.memory_space<vmem>>) semaphore(%arg19 : memref<!tpu.dma_semaphore, #tpu.memory_space<semaphore_mem>>)
      %mul3A_175 = arith.constant 4 : i32
      %mul3A_176 = arith.muli %mul3A_175, %scan3A_139 : i32
      %add3A_177 = arith.constant 2 : i32
      %add3A_178 = arith.addi %mul3A_176, %add3A_177 : i32
      %add3A_179 = arith.constant 1 : i32
      %add3A_180 = arith.addi %add3A_178, %add3A_179 : i32
      %dma_wait3A_181 = arith.constant 0 : i32
      %dma_wait3A_182 = tpu.memref_slice %arg3[%dma_wait3A_181] : memref<320000xi32, #tpu.memory_space<hbm>> -> memref<80xi32, #tpu.memory_space<hbm>>
      %dma_wait3A_183 = arith.constant 0 : i32
      %dma_wait3A_184 = tpu.memref_slice %arg3[%dma_wait3A_183] : memref<320000xi32, #tpu.memory_space<hbm>> -> memref<80xi32, #tpu.memory_space<hbm>>
      tpu.wait_dma2 semaphore(%arg18 : memref<!tpu.dma_semaphore, #tpu.memory_space<semaphore_mem>>) src(%dma_wait3A_184 : memref<80xi32, #tpu.memory_space<hbm>>) dst(%arg7 : memref<80xi32, #tpu.memory_space<vmem>>)
      %dma_wait3A_185 = arith.constant 0 : i32
      %dma_wait3A_186 = tpu.memref_slice %arg4[%dma_wait3A_185] : memref<320000xi32, #tpu.memory_space<hbm>> -> memref<80xi32, #tpu.memory_space<hbm>>
      %dma_wait3A_187 = arith.constant 0 : i32
      %dma_wait3A_188 = tpu.memref_slice %arg4[%dma_wait3A_187] : memref<320000xi32, #tpu.memory_space<hbm>> -> memref<80xi32, #tpu.memory_space<hbm>>
      tpu.wait_dma2 semaphore(%arg18 : memref<!tpu.dma_semaphore, #tpu.memory_space<semaphore_mem>>) src(%dma_wait3A_188 : memref<80xi32, #tpu.memory_space<hbm>>) dst(%arg11 : memref<80xi32, #tpu.memory_space<vmem>>)
      %dma_wait3A_189 = arith.constant 0 : i32
      %dma_wait3A_190 = arith.constant 0 : i32
      %dma_wait3A_191 = tpu.memref_slice %arg2[%dma_wait3A_189, %dma_wait3A_190] : memref<10000x128xf32, #tpu.memory_space<hbm>> -> memref<10000x128xf32, #tpu.memory_space<hbm>>
      tpu.wait_indirect_dma semaphore(%arg19 : memref<!tpu.dma_semaphore, #tpu.memory_space<semaphore_mem>>) src(%dma_wait3A_191 : memref<10000x128xf32, #tpu.memory_space<hbm>>) dst(%arg16 : memref<80x128xf32, #tpu.memory_space<vmem>>)
      %dma_start3A_192 = arith.constant 0 : i32
      %dma_start3A_193 = arith.constant 0 : i32
      %dma_start3A_194 = tpu.memref_slice %arg17[%dma_start3A_192, %dma_start3A_193] : memref<10240x128xf32, #tpu.memory_space<vmem_shared>> -> memref<10240x128xf32, #tpu.memory_space<vmem_shared>>
      tpu.enqueue_indirect_dma source(%arg16 : memref<80x128xf32, #tpu.memory_space<vmem>>) target(%dma_start3A_194 : memref<10240x128xf32, #tpu.memory_space<vmem_shared>>) offsets(%arg14 : memref<80xi32, #tpu.memory_space<vmem>>) semaphore(%arg20 : memref<!tpu.dma_semaphore, #tpu.memory_space<semaphore_mem>>) {add = true}
      %dma_wait3A_195 = arith.constant 0 : i32
      %dma_wait3A_196 = arith.constant 0 : i32
      %dma_wait3A_197 = tpu.memref_slice %arg17[%dma_wait3A_195, %dma_wait3A_196] : memref<10240x128xf32, #tpu.memory_space<vmem_shared>> -> memref<10240x128xf32, #tpu.memory_space<vmem_shared>>
      tpu.wait_indirect_dma semaphore(%arg20 : memref<!tpu.dma_semaphore, #tpu.memory_space<semaphore_mem>>) src(%arg15 : memref<80x128xf32, #tpu.memory_space<vmem>>) dst(%dma_wait3A_197 : memref<10240x128xf32, #tpu.memory_space<vmem_shared>>)
      %add3A_198 = arith.constant 2 : i32
      %add3A_199 = arith.addi %add3A_180, %add3A_198 : i32
      %mul3A_200 = arith.constant 80 : i32
      %mul3A_201 = arith.muli %add3A_199, %mul3A_200 : i32
      %add3A_202 = arith.addi %mul3A_2, %mul3A_201 : i32
      %dma_start3A_203 = tpu.memref_slice %arg3[%add3A_202] : memref<320000xi32, #tpu.memory_space<hbm>> -> memref<80xi32, #tpu.memory_space<hbm>>
      %dma_start3A_204 = tpu.memref_slice %arg3[%add3A_202] : memref<320000xi32, #tpu.memory_space<hbm>> -> memref<80xi32, #tpu.memory_space<hbm>>
      tpu.enqueue_dma source(%dma_start3A_204 : memref<80xi32, #tpu.memory_space<hbm>>) target(%arg8 : memref<80xi32, #tpu.memory_space<vmem>>) target_semaphore(%arg18 : memref<!tpu.dma_semaphore, #tpu.memory_space<semaphore_mem>>)
      %dma_start3A_205 = tpu.memref_slice %arg4[%add3A_202] : memref<320000xi32, #tpu.memory_space<hbm>> -> memref<80xi32, #tpu.memory_space<hbm>>
      %dma_start3A_206 = tpu.memref_slice %arg4[%add3A_202] : memref<320000xi32, #tpu.memory_space<hbm>> -> memref<80xi32, #tpu.memory_space<hbm>>
      tpu.enqueue_dma source(%dma_start3A_206 : memref<80xi32, #tpu.memory_space<hbm>>) target(%arg12 : memref<80xi32, #tpu.memory_space<vmem>>) target_semaphore(%arg18 : memref<!tpu.dma_semaphore, #tpu.memory_space<semaphore_mem>>)
      %dma_start3A_207 = arith.constant 0 : i32
      %dma_start3A_208 = arith.constant 0 : i32
      %dma_start3A_209 = tpu.memref_slice %arg2[%dma_start3A_207, %dma_start3A_208] : memref<10000x128xf32, #tpu.memory_space<hbm>> -> memref<10000x128xf32, #tpu.memory_space<hbm>>
      tpu.enqueue_indirect_dma source(%dma_start3A_209 : memref<10000x128xf32, #tpu.memory_space<hbm>>) target(%arg15 : memref<80x128xf32, #tpu.memory_space<vmem>>) offsets(%arg7 : memref<80xi32, #tpu.memory_space<vmem>>) semaphore(%arg19 : memref<!tpu.dma_semaphore, #tpu.memory_space<semaphore_mem>>)
      %mul3A_210 = arith.constant 4 : i32
      %mul3A_211 = arith.muli %mul3A_210, %scan3A_139 : i32
      %add3A_212 = arith.constant 2 : i32
      %add3A_213 = arith.addi %mul3A_211, %add3A_212 : i32
      %add3A_214 = arith.constant 2 : i32
      %add3A_215 = arith.addi %add3A_213, %add3A_214 : i32
      %dma_wait3A_216 = arith.constant 0 : i32
      %dma_wait3A_217 = tpu.memref_slice %arg3[%dma_wait3A_216] : memref<320000xi32, #tpu.memory_space<hbm>> -> memref<80xi32, #tpu.memory_space<hbm>>
      %dma_wait3A_218 = arith.constant 0 : i32
      %dma_wait3A_219 = tpu.memref_slice %arg3[%dma_wait3A_218] : memref<320000xi32, #tpu.memory_space<hbm>> -> memref<80xi32, #tpu.memory_space<hbm>>
      tpu.wait_dma2 semaphore(%arg18 : memref<!tpu.dma_semaphore, #tpu.memory_space<semaphore_mem>>) src(%dma_wait3A_219 : memref<80xi32, #tpu.memory_space<hbm>>) dst(%arg8 : memref<80xi32, #tpu.memory_space<vmem>>)
      %dma_wait3A_220 = arith.constant 0 : i32
      %dma_wait3A_221 = tpu.memref_slice %arg4[%dma_wait3A_220] : memref<320000xi32, #tpu.memory_space<hbm>> -> memref<80xi32, #tpu.memory_space<hbm>>
      %dma_wait3A_222 = arith.constant 0 : i32
      %dma_wait3A_223 = tpu.memref_slice %arg4[%dma_wait3A_222] : memref<320000xi32, #tpu.memory_space<hbm>> -> memref<80xi32, #tpu.memory_space<hbm>>
      tpu.wait_dma2 semaphore(%arg18 : memref<!tpu.dma_semaphore, #tpu.memory_space<semaphore_mem>>) src(%dma_wait3A_223 : memref<80xi32, #tpu.memory_space<hbm>>) dst(%arg12 : memref<80xi32, #tpu.memory_space<vmem>>)
      %dma_wait3A_224 = arith.constant 0 : i32
      %dma_wait3A_225 = arith.constant 0 : i32
      %dma_wait3A_226 = tpu.memref_slice %arg2[%dma_wait3A_224, %dma_wait3A_225] : memref<10000x128xf32, #tpu.memory_space<hbm>> -> memref<10000x128xf32, #tpu.memory_space<hbm>>
      tpu.wait_indirect_dma semaphore(%arg19 : memref<!tpu.dma_semaphore, #tpu.memory_space<semaphore_mem>>) src(%dma_wait3A_226 : memref<10000x128xf32, #tpu.memory_space<hbm>>) dst(%arg15 : memref<80x128xf32, #tpu.memory_space<vmem>>)
      %dma_start3A_227 = arith.constant 0 : i32
      %dma_start3A_228 = arith.constant 0 : i32
      %dma_start3A_229 = tpu.memref_slice %arg17[%dma_start3A_227, %dma_start3A_228] : memref<10240x128xf32, #tpu.memory_space<vmem_shared>> -> memref<10240x128xf32, #tpu.memory_space<vmem_shared>>
      tpu.enqueue_indirect_dma source(%arg15 : memref<80x128xf32, #tpu.memory_space<vmem>>) target(%dma_start3A_229 : memref<10240x128xf32, #tpu.memory_space<vmem_shared>>) offsets(%arg11 : memref<80xi32, #tpu.memory_space<vmem>>) semaphore(%arg20 : memref<!tpu.dma_semaphore, #tpu.memory_space<semaphore_mem>>) {add = true}
      %dma_wait3A_230 = arith.constant 0 : i32
      %dma_wait3A_231 = arith.constant 0 : i32
      %dma_wait3A_232 = tpu.memref_slice %arg17[%dma_wait3A_230, %dma_wait3A_231] : memref<10240x128xf32, #tpu.memory_space<vmem_shared>> -> memref<10240x128xf32, #tpu.memory_space<vmem_shared>>
      tpu.wait_indirect_dma semaphore(%arg20 : memref<!tpu.dma_semaphore, #tpu.memory_space<semaphore_mem>>) src(%arg16 : memref<80x128xf32, #tpu.memory_space<vmem>>) dst(%dma_wait3A_232 : memref<10240x128xf32, #tpu.memory_space<vmem_shared>>)
      %add3A_233 = arith.constant 2 : i32
      %add3A_234 = arith.addi %add3A_215, %add3A_233 : i32
      %mul3A_235 = arith.constant 80 : i32
      %mul3A_236 = arith.muli %add3A_234, %mul3A_235 : i32
      %add3A_237 = arith.addi %mul3A_2, %mul3A_236 : i32
      %dma_start3A_238 = tpu.memref_slice %arg3[%add3A_237] : memref<320000xi32, #tpu.memory_space<hbm>> -> memref<80xi32, #tpu.memory_space<hbm>>
      %dma_start3A_239 = tpu.memref_slice %arg3[%add3A_237] : memref<320000xi32, #tpu.memory_space<hbm>> -> memref<80xi32, #tpu.memory_space<hbm>>
      tpu.enqueue_dma source(%dma_start3A_239 : memref<80xi32, #tpu.memory_space<hbm>>) target(%arg9 : memref<80xi32, #tpu.memory_space<vmem>>) target_semaphore(%arg18 : memref<!tpu.dma_semaphore, #tpu.memory_space<semaphore_mem>>)
      %dma_start3A_240 = tpu.memref_slice %arg4[%add3A_237] : memref<320000xi32, #tpu.memory_space<hbm>> -> memref<80xi32, #tpu.memory_space<hbm>>
      %dma_start3A_241 = tpu.memref_slice %arg4[%add3A_237] : memref<320000xi32, #tpu.memory_space<hbm>> -> memref<80xi32, #tpu.memory_space<hbm>>
      tpu.enqueue_dma source(%dma_start3A_241 : memref<80xi32, #tpu.memory_space<hbm>>) target(%arg13 : memref<80xi32, #tpu.memory_space<vmem>>) target_semaphore(%arg18 : memref<!tpu.dma_semaphore, #tpu.memory_space<semaphore_mem>>)
      %dma_start3A_242 = arith.constant 0 : i32
      %dma_start3A_243 = arith.constant 0 : i32
      %dma_start3A_244 = tpu.memref_slice %arg2[%dma_start3A_242, %dma_start3A_243] : memref<10000x128xf32, #tpu.memory_space<hbm>> -> memref<10000x128xf32, #tpu.memory_space<hbm>>
      tpu.enqueue_indirect_dma source(%dma_start3A_244 : memref<10000x128xf32, #tpu.memory_space<hbm>>) target(%arg16 : memref<80x128xf32, #tpu.memory_space<vmem>>) offsets(%arg8 : memref<80xi32, #tpu.memory_space<vmem>>) semaphore(%arg19 : memref<!tpu.dma_semaphore, #tpu.memory_space<semaphore_mem>>)
      %mul3A_245 = arith.constant 4 : i32
      %mul3A_246 = arith.muli %mul3A_245, %scan3A_139 : i32
      %add3A_247 = arith.constant 2 : i32
      %add3A_248 = arith.addi %mul3A_246, %add3A_247 : i32
      %add3A_249 = arith.constant 3 : i32
      %add3A_250 = arith.addi %add3A_248, %add3A_249 : i32
      %dma_wait3A_251 = arith.constant 0 : i32
      %dma_wait3A_252 = tpu.memref_slice %arg3[%dma_wait3A_251] : memref<320000xi32, #tpu.memory_space<hbm>> -> memref<80xi32, #tpu.memory_space<hbm>>
      %dma_wait3A_253 = arith.constant 0 : i32
      %dma_wait3A_254 = tpu.memref_slice %arg3[%dma_wait3A_253] : memref<320000xi32, #tpu.memory_space<hbm>> -> memref<80xi32, #tpu.memory_space<hbm>>
      tpu.wait_dma2 semaphore(%arg18 : memref<!tpu.dma_semaphore, #tpu.memory_space<semaphore_mem>>) src(%dma_wait3A_254 : memref<80xi32, #tpu.memory_space<hbm>>) dst(%arg9 : memref<80xi32, #tpu.memory_space<vmem>>)
      %dma_wait3A_255 = arith.constant 0 : i32
      %dma_wait3A_256 = tpu.memref_slice %arg4[%dma_wait3A_255] : memref<320000xi32, #tpu.memory_space<hbm>> -> memref<80xi32, #tpu.memory_space<hbm>>
      %dma_wait3A_257 = arith.constant 0 : i32
      %dma_wait3A_258 = tpu.memref_slice %arg4[%dma_wait3A_257] : memref<320000xi32, #tpu.memory_space<hbm>> -> memref<80xi32, #tpu.memory_space<hbm>>
      tpu.wait_dma2 semaphore(%arg18 : memref<!tpu.dma_semaphore, #tpu.memory_space<semaphore_mem>>) src(%dma_wait3A_258 : memref<80xi32, #tpu.memory_space<hbm>>) dst(%arg13 : memref<80xi32, #tpu.memory_space<vmem>>)
      %dma_wait3A_259 = arith.constant 0 : i32
      %dma_wait3A_260 = arith.constant 0 : i32
      %dma_wait3A_261 = tpu.memref_slice %arg2[%dma_wait3A_259, %dma_wait3A_260] : memref<10000x128xf32, #tpu.memory_space<hbm>> -> memref<10000x128xf32, #tpu.memory_space<hbm>>
      tpu.wait_indirect_dma semaphore(%arg19 : memref<!tpu.dma_semaphore, #tpu.memory_space<semaphore_mem>>) src(%dma_wait3A_261 : memref<10000x128xf32, #tpu.memory_space<hbm>>) dst(%arg16 : memref<80x128xf32, #tpu.memory_space<vmem>>)
      %dma_start3A_262 = arith.constant 0 : i32
      %dma_start3A_263 = arith.constant 0 : i32
      %dma_start3A_264 = tpu.memref_slice %arg17[%dma_start3A_262, %dma_start3A_263] : memref<10240x128xf32, #tpu.memory_space<vmem_shared>> -> memref<10240x128xf32, #tpu.memory_space<vmem_shared>>
      tpu.enqueue_indirect_dma source(%arg16 : memref<80x128xf32, #tpu.memory_space<vmem>>) target(%dma_start3A_264 : memref<10240x128xf32, #tpu.memory_space<vmem_shared>>) offsets(%arg12 : memref<80xi32, #tpu.memory_space<vmem>>) semaphore(%arg20 : memref<!tpu.dma_semaphore, #tpu.memory_space<semaphore_mem>>) {add = true}
      %dma_wait3A_265 = arith.constant 0 : i32
      %dma_wait3A_266 = arith.constant 0 : i32
      %dma_wait3A_267 = tpu.memref_slice %arg17[%dma_wait3A_265, %dma_wait3A_266] : memref<10240x128xf32, #tpu.memory_space<vmem_shared>> -> memref<10240x128xf32, #tpu.memory_space<vmem_shared>>
      tpu.wait_indirect_dma semaphore(%arg20 : memref<!tpu.dma_semaphore, #tpu.memory_space<semaphore_mem>>) src(%arg15 : memref<80x128xf32, #tpu.memory_space<vmem>>) dst(%dma_wait3A_267 : memref<10240x128xf32, #tpu.memory_space<vmem_shared>>)
      %add3A_268 = arith.constant 2 : i32
      %add3A_269 = arith.addi %add3A_250, %add3A_268 : i32
      %mul3A_270 = arith.constant 80 : i32
      %mul3A_271 = arith.muli %add3A_269, %mul3A_270 : i32
      %add3A_272 = arith.addi %mul3A_2, %mul3A_271 : i32
      %dma_start3A_273 = tpu.memref_slice %arg3[%add3A_272] : memref<320000xi32, #tpu.memory_space<hbm>> -> memref<80xi32, #tpu.memory_space<hbm>>
      %dma_start3A_274 = tpu.memref_slice %arg3[%add3A_272] : memref<320000xi32, #tpu.memory_space<hbm>> -> memref<80xi32, #tpu.memory_space<hbm>>
      tpu.enqueue_dma source(%dma_start3A_274 : memref<80xi32, #tpu.memory_space<hbm>>) target(%arg10 : memref<80xi32, #tpu.memory_space<vmem>>) target_semaphore(%arg18 : memref<!tpu.dma_semaphore, #tpu.memory_space<semaphore_mem>>)
      %dma_start3A_275 = tpu.memref_slice %arg4[%add3A_272] : memref<320000xi32, #tpu.memory_space<hbm>> -> memref<80xi32, #tpu.memory_space<hbm>>
      %dma_start3A_276 = tpu.memref_slice %arg4[%add3A_272] : memref<320000xi32, #tpu.memory_space<hbm>> -> memref<80xi32, #tpu.memory_space<hbm>>
      tpu.enqueue_dma source(%dma_start3A_276 : memref<80xi32, #tpu.memory_space<hbm>>) target(%arg14 : memref<80xi32, #tpu.memory_space<vmem>>) target_semaphore(%arg18 : memref<!tpu.dma_semaphore, #tpu.memory_space<semaphore_mem>>)
      %dma_start3A_277 = arith.constant 0 : i32
      %dma_start3A_278 = arith.constant 0 : i32
      %dma_start3A_279 = tpu.memref_slice %arg2[%dma_start3A_277, %dma_start3A_278] : memref<10000x128xf32, #tpu.memory_space<hbm>> -> memref<10000x128xf32, #tpu.memory_space<hbm>>
      tpu.enqueue_indirect_dma source(%dma_start3A_279 : memref<10000x128xf32, #tpu.memory_space<hbm>>) target(%arg15 : memref<80x128xf32, #tpu.memory_space<vmem>>) offsets(%arg9 : memref<80xi32, #tpu.memory_space<vmem>>) semaphore(%arg19 : memref<!tpu.dma_semaphore, #tpu.memory_space<semaphore_mem>>)
    }
    %scan3A_79 = arith.constant 30 : i32
    %dma_wait3A_80 = arith.constant 0 : i32
    %dma_wait3A_81 = tpu.memref_slice %arg3[%dma_wait3A_80] : memref<320000xi32, #tpu.memory_space<hbm>> -> memref<80xi32, #tpu.memory_space<hbm>>
    %dma_wait3A_82 = arith.constant 0 : i32
    %dma_wait3A_83 = tpu.memref_slice %arg3[%dma_wait3A_82] : memref<320000xi32, #tpu.memory_space<hbm>> -> memref<80xi32, #tpu.memory_space<hbm>>
    tpu.wait_dma2 semaphore(%arg18 : memref<!tpu.dma_semaphore, #tpu.memory_space<semaphore_mem>>) src(%dma_wait3A_83 : memref<80xi32, #tpu.memory_space<hbm>>) dst(%arg10 : memref<80xi32, #tpu.memory_space<vmem>>)
    %dma_wait3A_84 = arith.constant 0 : i32
    %dma_wait3A_85 = tpu.memref_slice %arg4[%dma_wait3A_84] : memref<320000xi32, #tpu.memory_space<hbm>> -> memref<80xi32, #tpu.memory_space<hbm>>
    %dma_wait3A_86 = arith.constant 0 : i32
    %dma_wait3A_87 = tpu.memref_slice %arg4[%dma_wait3A_86] : memref<320000xi32, #tpu.memory_space<hbm>> -> memref<80xi32, #tpu.memory_space<hbm>>
    tpu.wait_dma2 semaphore(%arg18 : memref<!tpu.dma_semaphore, #tpu.memory_space<semaphore_mem>>) src(%dma_wait3A_87 : memref<80xi32, #tpu.memory_space<hbm>>) dst(%arg14 : memref<80xi32, #tpu.memory_space<vmem>>)
    %dma_wait3A_88 = arith.constant 0 : i32
    %dma_wait3A_89 = arith.constant 0 : i32
    %dma_wait3A_90 = tpu.memref_slice %arg2[%dma_wait3A_88, %dma_wait3A_89] : memref<10000x128xf32, #tpu.memory_space<hbm>> -> memref<10000x128xf32, #tpu.memory_space<hbm>>
    tpu.wait_indirect_dma semaphore(%arg19 : memref<!tpu.dma_semaphore, #tpu.memory_space<semaphore_mem>>) src(%dma_wait3A_90 : memref<10000x128xf32, #tpu.memory_space<hbm>>) dst(%arg15 : memref<80x128xf32, #tpu.memory_space<vmem>>)
    %dma_start3A_91 = arith.constant 0 : i32
    %dma_start3A_92 = arith.constant 0 : i32
    %dma_start3A_93 = tpu.memref_slice %arg17[%dma_start3A_91, %dma_start3A_92] : memref<10240x128xf32, #tpu.memory_space<vmem_shared>> -> memref<10240x128xf32, #tpu.memory_space<vmem_shared>>
    tpu.enqueue_indirect_dma source(%arg15 : memref<80x128xf32, #tpu.memory_space<vmem>>) target(%dma_start3A_93 : memref<10240x128xf32, #tpu.memory_space<vmem_shared>>) offsets(%arg13 : memref<80xi32, #tpu.memory_space<vmem>>) semaphore(%arg20 : memref<!tpu.dma_semaphore, #tpu.memory_space<semaphore_mem>>) {add = true}
    %dma_wait3A_94 = arith.constant 0 : i32
    %dma_wait3A_95 = arith.constant 0 : i32
    %dma_wait3A_96 = tpu.memref_slice %arg17[%dma_wait3A_94, %dma_wait3A_95] : memref<10240x128xf32, #tpu.memory_space<vmem_shared>> -> memref<10240x128xf32, #tpu.memory_space<vmem_shared>>
    tpu.wait_indirect_dma semaphore(%arg20 : memref<!tpu.dma_semaphore, #tpu.memory_space<semaphore_mem>>) src(%arg16 : memref<80x128xf32, #tpu.memory_space<vmem>>) dst(%dma_wait3A_96 : memref<10240x128xf32, #tpu.memory_space<vmem_shared>>)
    %add3A_97 = arith.constant 9920 : i32
    %add3A_98 = arith.addi %mul3A_2, %add3A_97 : i32
    %dma_start3A_99 = tpu.memref_slice %arg3[%add3A_98] : memref<320000xi32, #tpu.memory_space<hbm>> -> memref<80xi32, #tpu.memory_space<hbm>>
    %dma_start3A_100 = tpu.memref_slice %arg3[%add3A_98] : memref<320000xi32, #tpu.memory_space<hbm>> -> memref<80xi32, #tpu.memory_space<hbm>>
    tpu.enqueue_dma source(%dma_start3A_100 : memref<80xi32, #tpu.memory_space<hbm>>) target(%arg7 : memref<80xi32, #tpu.memory_space<vmem>>) target_semaphore(%arg18 : memref<!tpu.dma_semaphore, #tpu.memory_space<semaphore_mem>>)
    %dma_start3A_101 = tpu.memref_slice %arg4[%add3A_98] : memref<320000xi32, #tpu.memory_space<hbm>> -> memref<80xi32, #tpu.memory_space<hbm>>
    %dma_start3A_102 = tpu.memref_slice %arg4[%add3A_98] : memref<320000xi32, #tpu.memory_space<hbm>> -> memref<80xi32, #tpu.memory_space<hbm>>
    tpu.enqueue_dma source(%dma_start3A_102 : memref<80xi32, #tpu.memory_space<hbm>>) target(%arg11 : memref<80xi32, #tpu.memory_space<vmem>>) target_semaphore(%arg18 : memref<!tpu.dma_semaphore, #tpu.memory_space<semaphore_mem>>)
    %dma_start3A_103 = arith.constant 0 : i32
    %dma_start3A_104 = arith.constant 0 : i32
    %dma_start3A_105 = tpu.memref_slice %arg2[%dma_start3A_103, %dma_start3A_104] : memref<10000x128xf32, #tpu.memory_space<hbm>> -> memref<10000x128xf32, #tpu.memory_space<hbm>>
    tpu.enqueue_indirect_dma source(%dma_start3A_105 : memref<10000x128xf32, #tpu.memory_space<hbm>>) target(%arg16 : memref<80x128xf32, #tpu.memory_space<vmem>>) offsets(%arg10 : memref<80xi32, #tpu.memory_space<vmem>>) semaphore(%arg19 : memref<!tpu.dma_semaphore, #tpu.memory_space<semaphore_mem>>)
    %dma_wait3A_106 = arith.constant 0 : i32
    %dma_wait3A_107 = tpu.memref_slice %arg3[%dma_wait3A_106] : memref<320000xi32, #tpu.memory_space<hbm>> -> memref<80xi32, #tpu.memory_space<hbm>>
    %dma_wait3A_108 = arith.constant 0 : i32
    %dma_wait3A_109 = tpu.memref_slice %arg3[%dma_wait3A_108] : memref<320000xi32, #tpu.memory_space<hbm>> -> memref<80xi32, #tpu.memory_space<hbm>>
    tpu.wait_dma2 semaphore(%arg18 : memref<!tpu.dma_semaphore, #tpu.memory_space<semaphore_mem>>) src(%dma_wait3A_109 : memref<80xi32, #tpu.memory_space<hbm>>) dst(%arg7 : memref<80xi32, #tpu.memory_space<vmem>>)
    %dma_wait3A_110 = arith.constant 0 : i32
    %dma_wait3A_111 = tpu.memref_slice %arg4[%dma_wait3A_110] : memref<320000xi32, #tpu.memory_space<hbm>> -> memref<80xi32, #tpu.memory_space<hbm>>
    %dma_wait3A_112 = arith.constant 0 : i32
    %dma_wait3A_113 = tpu.memref_slice %arg4[%dma_wait3A_112] : memref<320000xi32, #tpu.memory_space<hbm>> -> memref<80xi32, #tpu.memory_space<hbm>>
    tpu.wait_dma2 semaphore(%arg18 : memref<!tpu.dma_semaphore, #tpu.memory_space<semaphore_mem>>) src(%dma_wait3A_113 : memref<80xi32, #tpu.memory_space<hbm>>) dst(%arg11 : memref<80xi32, #tpu.memory_space<vmem>>)
    %dma_wait3A_114 = arith.constant 0 : i32
    %dma_wait3A_115 = arith.constant 0 : i32
    %dma_wait3A_116 = tpu.memref_slice %arg2[%dma_wait3A_114, %dma_wait3A_115] : memref<10000x128xf32, #tpu.memory_space<hbm>> -> memref<10000x128xf32, #tpu.memory_space<hbm>>
    tpu.wait_indirect_dma semaphore(%arg19 : memref<!tpu.dma_semaphore, #tpu.memory_space<semaphore_mem>>) src(%dma_wait3A_116 : memref<10000x128xf32, #tpu.memory_space<hbm>>) dst(%arg16 : memref<80x128xf32, #tpu.memory_space<vmem>>)
    %dma_start3A_117 = arith.constant 0 : i32
    %dma_start3A_118 = arith.constant 0 : i32
    %dma_start3A_119 = tpu.memref_slice %arg17[%dma_start3A_117, %dma_start3A_118] : memref<10240x128xf32, #tpu.memory_space<vmem_shared>> -> memref<10240x128xf32, #tpu.memory_space<vmem_shared>>
    tpu.enqueue_indirect_dma source(%arg16 : memref<80x128xf32, #tpu.memory_space<vmem>>) target(%dma_start3A_119 : memref<10240x128xf32, #tpu.memory_space<vmem_shared>>) offsets(%arg14 : memref<80xi32, #tpu.memory_space<vmem>>) semaphore(%arg20 : memref<!tpu.dma_semaphore, #tpu.memory_space<semaphore_mem>>) {add = true}
    %dma_wait3A_120 = arith.constant 0 : i32
    %dma_wait3A_121 = arith.constant 0 : i32
    %dma_wait3A_122 = tpu.memref_slice %arg17[%dma_wait3A_120, %dma_wait3A_121] : memref<10240x128xf32, #tpu.memory_space<vmem_shared>> -> memref<10240x128xf32, #tpu.memory_space<vmem_shared>>
    tpu.wait_indirect_dma semaphore(%arg20 : memref<!tpu.dma_semaphore, #tpu.memory_space<semaphore_mem>>) src(%arg15 : memref<80x128xf32, #tpu.memory_space<vmem>>) dst(%dma_wait3A_122 : memref<10240x128xf32, #tpu.memory_space<vmem_shared>>)
    %dma_start3A_123 = arith.constant 0 : i32
    %dma_start3A_124 = arith.constant 0 : i32
    %dma_start3A_125 = tpu.memref_slice %arg2[%dma_start3A_123, %dma_start3A_124] : memref<10000x128xf32, #tpu.memory_space<hbm>> -> memref<10000x128xf32, #tpu.memory_space<hbm>>
    tpu.enqueue_indirect_dma source(%dma_start3A_125 : memref<10000x128xf32, #tpu.memory_space<hbm>>) target(%arg15 : memref<80x128xf32, #tpu.memory_space<vmem>>) offsets(%arg7 : memref<80xi32, #tpu.memory_space<vmem>>) semaphore(%arg19 : memref<!tpu.dma_semaphore, #tpu.memory_space<semaphore_mem>>)
    %dma_wait3A_126 = arith.constant 0 : i32
    %dma_wait3A_127 = arith.constant 0 : i32
    %dma_wait3A_128 = tpu.memref_slice %arg2[%dma_wait3A_126, %dma_wait3A_127] : memref<10000x128xf32, #tpu.memory_space<hbm>> -> memref<10000x128xf32, #tpu.memory_space<hbm>>
    tpu.wait_indirect_dma semaphore(%arg19 : memref<!tpu.dma_semaphore, #tpu.memory_space<semaphore_mem>>) src(%dma_wait3A_128 : memref<10000x128xf32, #tpu.memory_space<hbm>>) dst(%arg15 : memref<80x128xf32, #tpu.memory_space<vmem>>)
    %dma_start3A_129 = arith.constant 0 : i32
    %dma_start3A_130 = arith.constant 0 : i32
    %dma_start3A_131 = tpu.memref_slice %arg17[%dma_start3A_129, %dma_start3A_130] : memref<10240x128xf32, #tpu.memory_space<vmem_shared>> -> memref<10240x128xf32, #tpu.memory_space<vmem_shared>>
    tpu.enqueue_indirect_dma source(%arg15 : memref<80x128xf32, #tpu.memory_space<vmem>>) target(%dma_start3A_131 : memref<10240x128xf32, #tpu.memory_space<vmem_shared>>) offsets(%arg11 : memref<80xi32, #tpu.memory_space<vmem>>) semaphore(%arg20 : memref<!tpu.dma_semaphore, #tpu.memory_space<semaphore_mem>>) {add = true}
    %dma_wait3A_132 = arith.constant 0 : i32
    %dma_wait3A_133 = arith.constant 0 : i32
    %dma_wait3A_134 = tpu.memref_slice %arg17[%dma_wait3A_132, %dma_wait3A_133] : memref<10240x128xf32, #tpu.memory_space<vmem_shared>> -> memref<10240x128xf32, #tpu.memory_space<vmem_shared>>
    tpu.wait_indirect_dma semaphore(%arg20 : memref<!tpu.dma_semaphore, #tpu.memory_space<semaphore_mem>>) src(%arg16 : memref<80x128xf32, #tpu.memory_space<vmem>>) dst(%dma_wait3A_134 : memref<10240x128xf32, #tpu.memory_space<vmem_shared>>)
    %dma_wait3A_135 = arith.constant 0 : i32
    %dma_wait3A_136 = arith.constant 0 : i32
    %dma_wait3A_137 = tpu.memref_slice %arg17[%dma_wait3A_135, %dma_wait3A_136] : memref<10240x128xf32, #tpu.memory_space<vmem_shared>> -> memref<10240x128xf32, #tpu.memory_space<vmem_shared>>
    tpu.wait_indirect_dma semaphore(%arg20 : memref<!tpu.dma_semaphore, #tpu.memory_space<semaphore_mem>>) src(%arg15 : memref<80x128xf32, #tpu.memory_space<vmem>>) dst(%dma_wait3A_137 : memref<10240x128xf32, #tpu.memory_space<vmem_shared>>)
    %barrier3A_138 = arith.constant 0 : index
    tpu.barrier barrier_id(%barrier3A_138)
    "tpu.region"() ({
      %run_scoped3A = tpu.sem_alloc : memref<!tpu.dma_semaphore, #tpu.memory_space<semaphore_mem>>
      %dma_start3A_139 = arith.constant 0 : i32
      %dma_start3A_140 = tpu.memref_slice %arg6[%arg0, %mul3A_4, %dma_start3A_139] : memref<2x10240x128xf32, #tpu.memory_space<hbm>> -> memref<1x640x128xf32, #tpu.memory_space<hbm>>
      %dma_start3A_141 = tpu.memref_squeeze %dma_start3A_140 : memref<1x640x128xf32, #tpu.memory_space<hbm>> -> memref<640x128xf32, #tpu.memory_space<hbm>>
      %dma_start3A_142 = arith.constant 0 : i32
      %dma_start3A_143 = tpu.memref_slice %arg17[%mul3A_4, %dma_start3A_142] : memref<10240x128xf32, #tpu.memory_space<vmem_shared>> -> memref<640x128xf32, #tpu.memory_space<vmem_shared>>
      tpu.enqueue_dma source(%dma_start3A_143 : memref<640x128xf32, #tpu.memory_space<vmem_shared>>) target(%dma_start3A_141 : memref<640x128xf32, #tpu.memory_space<hbm>>) target_semaphore(%run_scoped3A : memref<!tpu.dma_semaphore, #tpu.memory_space<semaphore_mem>>)
      %dma_wait3A_144 = arith.constant 0 : i32
      %dma_wait3A_145 = tpu.memref_slice %arg6[%arg0, %mul3A_4, %dma_wait3A_144] : memref<2x10240x128xf32, #tpu.memory_space<hbm>> -> memref<1x640x128xf32, #tpu.memory_space<hbm>>
      %dma_wait3A_146 = tpu.memref_squeeze %dma_wait3A_145 : memref<1x640x128xf32, #tpu.memory_space<hbm>> -> memref<640x128xf32, #tpu.memory_space<hbm>>
      %dma_wait3A_147 = arith.constant 0 : i32
      %dma_wait3A_148 = tpu.memref_slice %arg17[%mul3A_4, %dma_wait3A_147] : memref<10240x128xf32, #tpu.memory_space<vmem_shared>> -> memref<640x128xf32, #tpu.memory_space<vmem_shared>>
      tpu.wait_dma2 semaphore(%run_scoped3A : memref<!tpu.dma_semaphore, #tpu.memory_space<semaphore_mem>>) src(%dma_wait3A_148 : memref<640x128xf32, #tpu.memory_space<vmem_shared>>) dst(%dma_wait3A_146 : memref<640x128xf32, #tpu.memory_space<hbm>>)
      tpu.yield
    }) : () -> ()
    return
  }
}

#map = affine_map<(d0, d1) -> (0, 0)>
#map1 = affine_map<(d0, d1) -> (0)>
#map2 = affine_map<(d0, d1) -> (0, 0, 0)>
module attributes {stable_mosaic.version = 14 : i64} {
  func.func @k(%arg0: i32, %arg1: i32, %arg2: memref<10000x128xf32, #tpu.memory_space<hbm>>, %arg3: memref<320000xi32, #tpu.memory_space<hbm>>, %arg4: memref<320000xi32, #tpu.memory_space<hbm>>, %arg5: memref<640x128xf32, #tpu.memory_space<hbm>>, %arg6: memref<2x10240x128xf32, #tpu.memory_space<hbm>>, %arg7: memref<80xi32, #tpu.memory_space<vmem>>, %arg8: memref<80xi32, #tpu.memory_space<vmem>>, %arg9: memref<80xi32, #tpu.memory_space<vmem>>, %arg10: memref<80xi32, #tpu.memory_space<vmem>>, %arg11: memref<80xi32, #tpu.memory_space<vmem>>, %arg12: memref<80xi32, #tpu.memory_space<vmem>>, %arg13: memref<80xi32, #tpu.memory_space<vmem>>, %arg14: memref<80xi32, #tpu.memory_space<vmem>>, %arg15: memref<80x128xf32, #tpu.memory_space<vmem>>, %arg16: memref<80x128xf32, #tpu.memory_space<vmem>>, %arg17: memref<10240x128xf32, #tpu.memory_space<vmem_shared>>, %arg18: memref<!tpu.dma_semaphore, #tpu.memory_space<semaphore_mem>>, %arg19: memref<!tpu.dma_semaphore, #tpu.memory_space<semaphore_mem>>, %arg20: memref<!tpu.dma_semaphore, #tpu.memory_space<semaphore_mem>>) attributes {dimension_semantics = [#tpu.dimension_semantics<core_parallel>, #tpu.dimension_semantics<subcore_parallel>], iteration_bounds = array<i64: 2, 16>, scalar_prefetch = 0 : i64, scratch_operands = 14 : i64, tpu.core_type = #tpu.core_type<sc_vector_subcore>, window_params = [{transform_indices = #map}, {transform_indices = #map1}, {transform_indices = #map1}, {transform_indices = #map}, {transform_indices = #map2}]} {
    %mul3A = arith.constant 2 : i32
    %mul3A_0 = arith.muli %arg1, %mul3A : i32
    %add3A = arith.addi %mul3A_0, %arg0 : i32
    %mul3A_1 = arith.constant 10000 : i32
    %mul3A_2 = arith.muli %add3A, %mul3A_1 : i32
    %mul3A_3 = arith.constant 640 : i32
    %mul3A_4 = arith.muli %arg1, %mul3A_3 : i32
    "tpu.region"() ({
      %run_scoped3A = tpu.sem_alloc : memref<!tpu.dma_semaphore, #tpu.memory_space<semaphore_mem>>
      %dma_start3A_139 = arith.constant 0 : i32
      %dma_start3A_140 = tpu.memref_slice %arg17[%mul3A_4, %dma_start3A_139] : memref<10240x128xf32, #tpu.memory_space<vmem_shared>> -> memref<640x128xf32, #tpu.memory_space<vmem_shared>>
      tpu.enqueue_dma source(%arg5 : memref<640x128xf32, #tpu.memory_space<hbm>>) target(%dma_start3A_140 : memref<640x128xf32, #tpu.memory_space<vmem_shared>>) target_semaphore(%run_scoped3A : memref<!tpu.dma_semaphore, #tpu.memory_space<semaphore_mem>>)
      %dma_wait3A_141 = arith.constant 0 : i32
      %dma_wait3A_142 = tpu.memref_slice %arg17[%mul3A_4, %dma_wait3A_141] : memref<10240x128xf32, #tpu.memory_space<vmem_shared>> -> memref<640x128xf32, #tpu.memory_space<vmem_shared>>
      tpu.wait_dma2 semaphore(%run_scoped3A : memref<!tpu.dma_semaphore, #tpu.memory_space<semaphore_mem>>) src(%arg5 : memref<640x128xf32, #tpu.memory_space<hbm>>) dst(%dma_wait3A_142 : memref<640x128xf32, #tpu.memory_space<vmem_shared>>)
      tpu.yield
    }) : () -> ()
    %barrier3A = arith.constant 0 : index
    tpu.barrier barrier_id(%barrier3A)
    %add3A_5 = arith.constant 0 : i32
    %add3A_6 = arith.addi %mul3A_2, %add3A_5 : i32
    %dma_start3A = tpu.memref_slice %arg3[%add3A_6] : memref<320000xi32, #tpu.memory_space<hbm>> -> memref<80xi32, #tpu.memory_space<hbm>>
    %dma_start3A_7 = tpu.memref_slice %arg3[%add3A_6] : memref<320000xi32, #tpu.memory_space<hbm>> -> memref<80xi32, #tpu.memory_space<hbm>>
    tpu.enqueue_dma source(%dma_start3A_7 : memref<80xi32, #tpu.memory_space<hbm>>) target(%arg7 : memref<80xi32, #tpu.memory_space<vmem>>) target_semaphore(%arg18 : memref<!tpu.dma_semaphore, #tpu.memory_space<semaphore_mem>>)
    %dma_start3A_8 = tpu.memref_slice %arg4[%add3A_6] : memref<320000xi32, #tpu.memory_space<hbm>> -> memref<80xi32, #tpu.memory_space<hbm>>
    %dma_start3A_9 = tpu.memref_slice %arg4[%add3A_6] : memref<320000xi32, #tpu.memory_space<hbm>> -> memref<80xi32, #tpu.memory_space<hbm>>
    tpu.enqueue_dma source(%dma_start3A_9 : memref<80xi32, #tpu.memory_space<hbm>>) target(%arg11 : memref<80xi32, #tpu.memory_space<vmem>>) target_semaphore(%arg18 : memref<!tpu.dma_semaphore, #tpu.memory_space<semaphore_mem>>)
    %add3A_10 = arith.constant 80 : i32
    %add3A_11 = arith.addi %mul3A_2, %add3A_10 : i32
    %dma_start3A_12 = tpu.memref_slice %arg3[%add3A_11] : memref<320000xi32, #tpu.memory_space<hbm>> -> memref<80xi32, #tpu.memory_space<hbm>>
    %dma_start3A_13 = tpu.memref_slice %arg3[%add3A_11] : memref<320000xi32, #tpu.memory_space<hbm>> -> memref<80xi32, #tpu.memory_space<hbm>>
    tpu.enqueue_dma source(%dma_start3A_13 : memref<80xi32, #tpu.memory_space<hbm>>) target(%arg8 : memref<80xi32, #tpu.memory_space<vmem>>) target_semaphore(%arg18 : memref<!tpu.dma_semaphore, #tpu.memory_space<semaphore_mem>>)
    %dma_start3A_14 = tpu.memref_slice %arg4[%add3A_11] : memref<320000xi32, #tpu.memory_space<hbm>> -> memref<80xi32, #tpu.memory_space<hbm>>
    %dma_start3A_15 = tpu.memref_slice %arg4[%add3A_11] : memref<320000xi32, #tpu.memory_space<hbm>> -> memref<80xi32, #tpu.memory_space<hbm>>
    tpu.enqueue_dma source(%dma_start3A_15 : memref<80xi32, #tpu.memory_space<hbm>>) target(%arg12 : memref<80xi32, #tpu.memory_space<vmem>>) target_semaphore(%arg18 : memref<!tpu.dma_semaphore, #tpu.memory_space<semaphore_mem>>)
    %dma_wait3A = arith.constant 0 : i32
    %dma_wait3A_16 = tpu.memref_slice %arg3[%dma_wait3A] : memref<320000xi32, #tpu.memory_space<hbm>> -> memref<80xi32, #tpu.memory_space<hbm>>
    %dma_wait3A_17 = arith.constant 0 : i32
    %dma_wait3A_18 = tpu.memref_slice %arg3[%dma_wait3A_17] : memref<320000xi32, #tpu.memory_space<hbm>> -> memref<80xi32, #tpu.memory_space<hbm>>
    tpu.wait_dma2 semaphore(%arg18 : memref<!tpu.dma_semaphore, #tpu.memory_space<semaphore_mem>>) src(%dma_wait3A_18 : memref<80xi32, #tpu.memory_space<hbm>>) dst(%arg7 : memref<80xi32, #tpu.memory_space<vmem>>)
    %dma_wait3A_19 = arith.constant 0 : i32
    %dma_wait3A_20 = tpu.memref_slice %arg4[%dma_wait3A_19] : memref<320000xi32, #tpu.memory_space<hbm>> -> memref<80xi32, #tpu.memory_space<hbm>>
    %dma_wait3A_21 = arith.constant 0 : i32
    %dma_wait3A_22 = tpu.memref_slice %arg4[%dma_wait3A_21] : memref<320000xi32, #tpu.memory_space<hbm>> -> memref<80xi32, #tpu.memory_space<hbm>>
    tpu.wait_dma2 semaphore(%arg18 : memref<!tpu.dma_semaphore, #tpu.memory_space<semaphore_mem>>) src(%dma_wait3A_22 : memref<80xi32, #tpu.memory_space<hbm>>) dst(%arg11 : memref<80xi32, #tpu.memory_space<vmem>>)
    %dma_start3A_23 = arith.constant 0 : i32
    %dma_start3A_24 = arith.constant 0 : i32
    %dma_start3A_25 = tpu.memref_slice %arg2[%dma_start3A_23, %dma_start3A_24] : memref<10000x128xf32, #tpu.memory_space<hbm>> -> memref<10000x128xf32, #tpu.memory_space<hbm>>
    tpu.enqueue_indirect_dma source(%dma_start3A_25 : memref<10000x128xf32, #tpu.memory_space<hbm>>) target(%arg15 : memref<80x128xf32, #tpu.memory_space<vmem>>) offsets(%arg7 : memref<80xi32, #tpu.memory_space<vmem>>) semaphore(%arg19 : memref<!tpu.dma_semaphore, #tpu.memory_space<semaphore_mem>>)
    %dma_wait3A_26 = arith.constant 0 : i32
    %dma_wait3A_27 = tpu.memref_slice %arg3[%dma_wait3A_26] : memref<320000xi32, #tpu.memory_space<hbm>> -> memref<80xi32, #tpu.memory_space<hbm>>
    %dma_wait3A_28 = arith.constant 0 : i32
    %dma_wait3A_29 = tpu.memref_slice %arg3[%dma_wait3A_28] : memref<320000xi32, #tpu.memory_space<hbm>> -> memref<80xi32, #tpu.memory_space<hbm>>
    tpu.wait_dma2 semaphore(%arg18 : memref<!tpu.dma_semaphore, #tpu.memory_space<semaphore_mem>>) src(%dma_wait3A_29 : memref<80xi32, #tpu.memory_space<hbm>>) dst(%arg8 : memref<80xi32, #tpu.memory_space<vmem>>)
    %dma_wait3A_30 = arith.constant 0 : i32
    %dma_wait3A_31 = tpu.memref_slice %arg4[%dma_wait3A_30] : memref<320000xi32, #tpu.memory_space<hbm>> -> memref<80xi32, #tpu.memory_space<hbm>>
    %dma_wait3A_32 = arith.constant 0 : i32
    %dma_wait3A_33 = tpu.memref_slice %arg4[%dma_wait3A_32] : memref<320000xi32, #tpu.memory_space<hbm>> -> memref<80xi32, #tpu.memory_space<hbm>>
    tpu.wait_dma2 semaphore(%arg18 : memref<!tpu.dma_semaphore, #tpu.memory_space<semaphore_mem>>) src(%dma_wait3A_33 : memref<80xi32, #tpu.memory_space<hbm>>) dst(%arg12 : memref<80xi32, #tpu.memory_space<vmem>>)
    %dma_wait3A_34 = arith.constant 0 : i32
    %dma_wait3A_35 = arith.constant 0 : i32
    %dma_wait3A_36 = tpu.memref_slice %arg2[%dma_wait3A_34, %dma_wait3A_35] : memref<10000x128xf32, #tpu.memory_space<hbm>> -> memref<10000x128xf32, #tpu.memory_space<hbm>>
    tpu.wait_indirect_dma semaphore(%arg19 : memref<!tpu.dma_semaphore, #tpu.memory_space<semaphore_mem>>) src(%dma_wait3A_36 : memref<10000x128xf32, #tpu.memory_space<hbm>>) dst(%arg15 : memref<80x128xf32, #tpu.memory_space<vmem>>)
    %dma_start3A_37 = arith.constant 0 : i32
    %dma_start3A_38 = arith.constant 0 : i32
    %dma_start3A_39 = tpu.memref_slice %arg17[%dma_start3A_37, %dma_start3A_38] : memref<10240x128xf32, #tpu.memory_space<vmem_shared>> -> memref<10240x128xf32, #tpu.memory_space<vmem_shared>>
    tpu.enqueue_indirect_dma source(%arg15 : memref<80x128xf32, #tpu.memory_space<vmem>>) target(%dma_start3A_39 : memref<10240x128xf32, #tpu.memory_space<vmem_shared>>) offsets(%arg11 : memref<80xi32, #tpu.memory_space<vmem>>) semaphore(%arg20 : memref<!tpu.dma_semaphore, #tpu.memory_space<semaphore_mem>>) {add = true}
    %add3A_40 = arith.constant 160 : i32
    %add3A_41 = arith.addi %mul3A_2, %add3A_40 : i32
    %dma_start3A_42 = tpu.memref_slice %arg3[%add3A_41] : memref<320000xi32, #tpu.memory_space<hbm>> -> memref<80xi32, #tpu.memory_space<hbm>>
    %dma_start3A_43 = tpu.memref_slice %arg3[%add3A_41] : memref<320000xi32, #tpu.memory_space<hbm>> -> memref<80xi32, #tpu.memory_space<hbm>>
    tpu.enqueue_dma source(%dma_start3A_43 : memref<80xi32, #tpu.memory_space<hbm>>) target(%arg9 : memref<80xi32, #tpu.memory_space<vmem>>) target_semaphore(%arg18 : memref<!tpu.dma_semaphore, #tpu.memory_space<semaphore_mem>>)
    %dma_start3A_44 = tpu.memref_slice %arg4[%add3A_41] : memref<320000xi32, #tpu.memory_space<hbm>> -> memref<80xi32, #tpu.memory_space<hbm>>
    %dma_start3A_45 = tpu.memref_slice %arg4[%add3A_41] : memref<320000xi32, #tpu.memory_space<hbm>> -> memref<80xi32, #tpu.memory_space<hbm>>
    tpu.enqueue_dma source(%dma_start3A_45 : memref<80xi32, #tpu.memory_space<hbm>>) target(%arg13 : memref<80xi32, #tpu.memory_space<vmem>>) target_semaphore(%arg18 : memref<!tpu.dma_semaphore, #tpu.memory_space<semaphore_mem>>)
    %dma_start3A_46 = arith.constant 0 : i32
    %dma_start3A_47 = arith.constant 0 : i32
    %dma_start3A_48 = tpu.memref_slice %arg2[%dma_start3A_46, %dma_start3A_47] : memref<10000x128xf32, #tpu.memory_space<hbm>> -> memref<10000x128xf32, #tpu.memory_space<hbm>>
    tpu.enqueue_indirect_dma source(%dma_start3A_48 : memref<10000x128xf32, #tpu.memory_space<hbm>>) target(%arg16 : memref<80x128xf32, #tpu.memory_space<vmem>>) offsets(%arg8 : memref<80xi32, #tpu.memory_space<vmem>>) semaphore(%arg19 : memref<!tpu.dma_semaphore, #tpu.memory_space<semaphore_mem>>)
    %dma_wait3A_49 = arith.constant 0 : i32
    %dma_wait3A_50 = tpu.memref_slice %arg3[%dma_wait3A_49] : memref<320000xi32, #tpu.memory_space<hbm>> -> memref<80xi32, #tpu.memory_space<hbm>>
    %dma_wait3A_51 = arith.constant 0 : i32
    %dma_wait3A_52 = tpu.memref_slice %arg3[%dma_wait3A_51] : memref<320000xi32, #tpu.memory_space<hbm>> -> memref<80xi32, #tpu.memory_space<hbm>>
    tpu.wait_dma2 semaphore(%arg18 : memref<!tpu.dma_semaphore, #tpu.memory_space<semaphore_mem>>) src(%dma_wait3A_52 : memref<80xi32, #tpu.memory_space<hbm>>) dst(%arg9 : memref<80xi32, #tpu.memory_space<vmem>>)
    %dma_wait3A_53 = arith.constant 0 : i32
    %dma_wait3A_54 = tpu.memref_slice %arg4[%dma_wait3A_53] : memref<320000xi32, #tpu.memory_space<hbm>> -> memref<80xi32, #tpu.memory_space<hbm>>
    %dma_wait3A_55 = arith.constant 0 : i32
    %dma_wait3A_56 = tpu.memref_slice %arg4[%dma_wait3A_55] : memref<320000xi32, #tpu.memory_space<hbm>> -> memref<80xi32, #tpu.memory_space<hbm>>
    tpu.wait_dma2 semaphore(%arg18 : memref<!tpu.dma_semaphore, #tpu.memory_space<semaphore_mem>>) src(%dma_wait3A_56 : memref<80xi32, #tpu.memory_space<hbm>>) dst(%arg13 : memref<80xi32, #tpu.memory_space<vmem>>)
    %dma_wait3A_57 = arith.constant 0 : i32
    %dma_wait3A_58 = arith.constant 0 : i32
    %dma_wait3A_59 = tpu.memref_slice %arg2[%dma_wait3A_57, %dma_wait3A_58] : memref<10000x128xf32, #tpu.memory_space<hbm>> -> memref<10000x128xf32, #tpu.memory_space<hbm>>
    tpu.wait_indirect_dma semaphore(%arg19 : memref<!tpu.dma_semaphore, #tpu.memory_space<semaphore_mem>>) src(%dma_wait3A_59 : memref<10000x128xf32, #tpu.memory_space<hbm>>) dst(%arg16 : memref<80x128xf32, #tpu.memory_space<vmem>>)
    %dma_start3A_60 = arith.constant 0 : i32
    %dma_start3A_61 = arith.constant 0 : i32
    %dma_start3A_62 = tpu.memref_slice %arg17[%dma_start3A_60, %dma_start3A_61] : memref<10240x128xf32, #tpu.memory_space<vmem_shared>> -> memref<10240x128xf32, #tpu.memory_space<vmem_shared>>
    tpu.enqueue_indirect_dma source(%arg16 : memref<80x128xf32, #tpu.memory_space<vmem>>) target(%dma_start3A_62 : memref<10240x128xf32, #tpu.memory_space<vmem_shared>>) offsets(%arg12 : memref<80xi32, #tpu.memory_space<vmem>>) semaphore(%arg20 : memref<!tpu.dma_semaphore, #tpu.memory_space<semaphore_mem>>) {add = true}
    %dma_wait3A_63 = arith.constant 0 : i32
    %dma_wait3A_64 = arith.constant 0 : i32
    %dma_wait3A_65 = tpu.memref_slice %arg17[%dma_wait3A_63, %dma_wait3A_64] : memref<10240x128xf32, #tpu.memory_space<vmem_shared>> -> memref<10240x128xf32, #tpu.memory_space<vmem_shared>>
    tpu.wait_indirect_dma semaphore(%arg20 : memref<!tpu.dma_semaphore, #tpu.memory_space<semaphore_mem>>) src(%arg15 : memref<80x128xf32, #tpu.memory_space<vmem>>) dst(%dma_wait3A_65 : memref<10240x128xf32, #tpu.memory_space<vmem_shared>>)
    %add3A_66 = arith.constant 240 : i32
    %add3A_67 = arith.addi %mul3A_2, %add3A_66 : i32
    %dma_start3A_68 = tpu.memref_slice %arg3[%add3A_67] : memref<320000xi32, #tpu.memory_space<hbm>> -> memref<80xi32, #tpu.memory_space<hbm>>
    %dma_start3A_69 = tpu.memref_slice %arg3[%add3A_67] : memref<320000xi32, #tpu.memory_space<hbm>> -> memref<80xi32, #tpu.memory_space<hbm>>
    tpu.enqueue_dma source(%dma_start3A_69 : memref<80xi32, #tpu.memory_space<hbm>>) target(%arg10 : memref<80xi32, #tpu.memory_space<vmem>>) target_semaphore(%arg18 : memref<!tpu.dma_semaphore, #tpu.memory_space<semaphore_mem>>)
    %dma_start3A_70 = tpu.memref_slice %arg4[%add3A_67] : memref<320000xi32, #tpu.memory_space<hbm>> -> memref<80xi32, #tpu.memory_space<hbm>>
    %dma_start3A_71 = tpu.memref_slice %arg4[%add3A_67] : memref<320000xi32, #tpu.memory_space<hbm>> -> memref<80xi32, #tpu.memory_space<hbm>>
    tpu.enqueue_dma source(%dma_start3A_71 : memref<80xi32, #tpu.memory_space<hbm>>) target(%arg14 : memref<80xi32, #tpu.memory_space<vmem>>) target_semaphore(%arg18 : memref<!tpu.dma_semaphore, #tpu.memory_space<semaphore_mem>>)
    %dma_start3A_72 = arith.constant 0 : i32
    %dma_start3A_73 = arith.constant 0 : i32
    %dma_start3A_74 = tpu.memref_slice %arg2[%dma_start3A_72, %dma_start3A_73] : memref<10000x128xf32, #tpu.memory_space<hbm>> -> memref<10000x128xf32, #tpu.memory_space<hbm>>
    tpu.enqueue_indirect_dma source(%dma_start3A_74 : memref<10000x128xf32, #tpu.memory_space<hbm>>) target(%arg15 : memref<80x128xf32, #tpu.memory_space<vmem>>) offsets(%arg9 : memref<80xi32, #tpu.memory_space<vmem>>) semaphore(%arg19 : memref<!tpu.dma_semaphore, #tpu.memory_space<semaphore_mem>>)
    %scan3A = arith.constant 0 : i32
    %scan3A_75 = arith.constant 0 : i32
    %scan3A_76 = arith.constant 30 : i32
    %scan3A_77 = arith.addi %scan3A_75, %scan3A_76 : i32
    %scan3A_78 = arith.constant 1 : i32
    scf.for %scan3A_139 = %scan3A_75 to %scan3A_77 step %scan3A_78  : i32 {
      %mul3A_140 = arith.constant 4 : i32
      %mul3A_141 = arith.muli %mul3A_140, %scan3A_139 : i32
      %add3A_142 = arith.constant 2 : i32
      %add3A_143 = arith.addi %mul3A_141, %add3A_142 : i32
      %add3A_144 = arith.constant 0 : i32
      %add3A_145 = arith.addi %add3A_143, %add3A_144 : i32
      %dma_wait3A_146 = arith.constant 0 : i32
      %dma_wait3A_147 = tpu.memref_slice %arg3[%dma_wait3A_146] : memref<320000xi32, #tpu.memory_space<hbm>> -> memref<80xi32, #tpu.memory_space<hbm>>
      %dma_wait3A_148 = arith.constant 0 : i32
      %dma_wait3A_149 = tpu.memref_slice %arg3[%dma_wait3A_148] : memref<320000xi32, #tpu.memory_space<hbm>> -> memref<80xi32, #tpu.memory_space<hbm>>
      tpu.wait_dma2 semaphore(%arg18 : memref<!tpu.dma_semaphore, #tpu.memory_space<semaphore_mem>>) src(%dma_wait3A_149 : memref<80xi32, #tpu.memory_space<hbm>>) dst(%arg10 : memref<80xi32, #tpu.memory_space<vmem>>)
      %dma_wait3A_150 = arith.constant 0 : i32
      %dma_wait3A_151 = tpu.memref_slice %arg4[%dma_wait3A_150] : memref<320000xi32, #tpu.memory_space<hbm>> -> memref<80xi32, #tpu.memory_space<hbm>>
      %dma_wait3A_152 = arith.constant 0 : i32
      %dma_wait3A_153 = tpu.memref_slice %arg4[%dma_wait3A_152] : memref<320000xi32, #tpu.memory_space<hbm>> -> memref<80xi32, #tpu.memory_space<hbm>>
      tpu.wait_dma2 semaphore(%arg18 : memref<!tpu.dma_semaphore, #tpu.memory_space<semaphore_mem>>) src(%dma_wait3A_153 : memref<80xi32, #tpu.memory_space<hbm>>) dst(%arg14 : memref<80xi32, #tpu.memory_space<vmem>>)
      %dma_wait3A_154 = arith.constant 0 : i32
      %dma_wait3A_155 = arith.constant 0 : i32
      %dma_wait3A_156 = tpu.memref_slice %arg2[%dma_wait3A_154, %dma_wait3A_155] : memref<10000x128xf32, #tpu.memory_space<hbm>> -> memref<10000x128xf32, #tpu.memory_space<hbm>>
      tpu.wait_indirect_dma semaphore(%arg19 : memref<!tpu.dma_semaphore, #tpu.memory_space<semaphore_mem>>) src(%dma_wait3A_156 : memref<10000x128xf32, #tpu.memory_space<hbm>>) dst(%arg15 : memref<80x128xf32, #tpu.memory_space<vmem>>)
      %dma_start3A_157 = arith.constant 0 : i32
      %dma_start3A_158 = arith.constant 0 : i32
      %dma_start3A_159 = tpu.memref_slice %arg17[%dma_start3A_157, %dma_start3A_158] : memref<10240x128xf32, #tpu.memory_space<vmem_shared>> -> memref<10240x128xf32, #tpu.memory_space<vmem_shared>>
      tpu.enqueue_indirect_dma source(%arg15 : memref<80x128xf32, #tpu.memory_space<vmem>>) target(%dma_start3A_159 : memref<10240x128xf32, #tpu.memory_space<vmem_shared>>) offsets(%arg13 : memref<80xi32, #tpu.memory_space<vmem>>) semaphore(%arg20 : memref<!tpu.dma_semaphore, #tpu.memory_space<semaphore_mem>>) {add = true}
      %dma_wait3A_160 = arith.constant 0 : i32
      %dma_wait3A_161 = arith.constant 0 : i32
      %dma_wait3A_162 = tpu.memref_slice %arg17[%dma_wait3A_160, %dma_wait3A_161] : memref<10240x128xf32, #tpu.memory_space<vmem_shared>> -> memref<10240x128xf32, #tpu.memory_space<vmem_shared>>
      tpu.wait_indirect_dma semaphore(%arg20 : memref<!tpu.dma_semaphore, #tpu.memory_space<semaphore_mem>>) src(%arg16 : memref<80x128xf32, #tpu.memory_space<vmem>>) dst(%dma_wait3A_162 : memref<10240x128xf32, #tpu.memory_space<vmem_shared>>)
      %add3A_163 = arith.constant 2 : i32
      %add3A_164 = arith.addi %add3A_145, %add3A_163 : i32
      %mul3A_165 = arith.constant 80 : i32
      %mul3A_166 = arith.muli %add3A_164, %mul3A_165 : i32
      %add3A_167 = arith.addi %mul3A_2, %mul3A_166 : i32
      %dma_start3A_168 = tpu.memref_slice %arg3[%add3A_167] : memref<320000xi32, #tpu.memory_space<hbm>> -> memref<80xi32, #tpu.memory_space<hbm>>
      %dma_start3A_169 = tpu.memref_slice %arg3[%add3A_167] : memref<320000xi32, #tpu.memory_space<hbm>> -> memref<80xi32, #tpu.memory_space<hbm>>
      tpu.enqueue_dma source(%dma_start3A_169 : memref<80xi32, #tpu.memory_space<hbm>>) target(%arg7 : memref<80xi32, #tpu.memory_space<vmem>>) target_semaphore(%arg18 : memref<!tpu.dma_semaphore, #tpu.memory_space<semaphore_mem>>)
      %dma_start3A_170 = tpu.memref_slice %arg4[%add3A_167] : memref<320000xi32, #tpu.memory_space<hbm>> -> memref<80xi32, #tpu.memory_space<hbm>>
      %dma_start3A_171 = tpu.memref_slice %arg4[%add3A_167] : memref<320000xi32, #tpu.memory_space<hbm>> -> memref<80xi32, #tpu.memory_space<hbm>>
      tpu.enqueue_dma source(%dma_start3A_171 : memref<80xi32, #tpu.memory_space<hbm>>) target(%arg11 : memref<80xi32, #tpu.memory_space<vmem>>) target_semaphore(%arg18 : memref<!tpu.dma_semaphore, #tpu.memory_space<semaphore_mem>>)
      %dma_start3A_172 = arith.constant 0 : i32
      %dma_start3A_173 = arith.constant 0 : i32
      %dma_start3A_174 = tpu.memref_slice %arg2[%dma_start3A_172, %dma_start3A_173] : memref<10000x128xf32, #tpu.memory_space<hbm>> -> memref<10000x128xf32, #tpu.memory_space<hbm>>
      tpu.enqueue_indirect_dma source(%dma_start3A_174 : memref<10000x128xf32, #tpu.memory_space<hbm>>) target(%arg16 : memref<80x128xf32, #tpu.memory_space<vmem>>) offsets(%arg10 : memref<80xi32, #tpu.memory_space<vmem>>) semaphore(%arg19 : memref<!tpu.dma_semaphore, #tpu.memory_space<semaphore_mem>>)
      %mul3A_175 = arith.constant 4 : i32
      %mul3A_176 = arith.muli %mul3A_175, %scan3A_139 : i32
      %add3A_177 = arith.constant 2 : i32
      %add3A_178 = arith.addi %mul3A_176, %add3A_177 : i32
      %add3A_179 = arith.constant 1 : i32
      %add3A_180 = arith.addi %add3A_178, %add3A_179 : i32
      %dma_wait3A_181 = arith.constant 0 : i32
      %dma_wait3A_182 = tpu.memref_slice %arg3[%dma_wait3A_181] : memref<320000xi32, #tpu.memory_space<hbm>> -> memref<80xi32, #tpu.memory_space<hbm>>
      %dma_wait3A_183 = arith.constant 0 : i32
      %dma_wait3A_184 = tpu.memref_slice %arg3[%dma_wait3A_183] : memref<320000xi32, #tpu.memory_space<hbm>> -> memref<80xi32, #tpu.memory_space<hbm>>
      tpu.wait_dma2 semaphore(%arg18 : memref<!tpu.dma_semaphore, #tpu.memory_space<semaphore_mem>>) src(%dma_wait3A_184 : memref<80xi32, #tpu.memory_space<hbm>>) dst(%arg7 : memref<80xi32, #tpu.memory_space<vmem>>)
      %dma_wait3A_185 = arith.constant 0 : i32
      %dma_wait3A_186 = tpu.memref_slice %arg4[%dma_wait3A_185] : memref<320000xi32, #tpu.memory_space<hbm>> -> memref<80xi32, #tpu.memory_space<hbm>>
      %dma_wait3A_187 = arith.constant 0 : i32
      %dma_wait3A_188 = tpu.memref_slice %arg4[%dma_wait3A_187] : memref<320000xi32, #tpu.memory_space<hbm>> -> memref<80xi32, #tpu.memory_space<hbm>>
      tpu.wait_dma2 semaphore(%arg18 : memref<!tpu.dma_semaphore, #tpu.memory_space<semaphore_mem>>) src(%dma_wait3A_188 : memref<80xi32, #tpu.memory_space<hbm>>) dst(%arg11 : memref<80xi32, #tpu.memory_space<vmem>>)
      %dma_wait3A_189 = arith.constant 0 : i32
      %dma_wait3A_190 = arith.constant 0 : i32
      %dma_wait3A_191 = tpu.memref_slice %arg2[%dma_wait3A_189, %dma_wait3A_190] : memref<10000x128xf32, #tpu.memory_space<hbm>> -> memref<10000x128xf32, #tpu.memory_space<hbm>>
      tpu.wait_indirect_dma semaphore(%arg19 : memref<!tpu.dma_semaphore, #tpu.memory_space<semaphore_mem>>) src(%dma_wait3A_191 : memref<10000x128xf32, #tpu.memory_space<hbm>>) dst(%arg16 : memref<80x128xf32, #tpu.memory_space<vmem>>)
      %dma_start3A_192 = arith.constant 0 : i32
      %dma_start3A_193 = arith.constant 0 : i32
      %dma_start3A_194 = tpu.memref_slice %arg17[%dma_start3A_192, %dma_start3A_193] : memref<10240x128xf32, #tpu.memory_space<vmem_shared>> -> memref<10240x128xf32, #tpu.memory_space<vmem_shared>>
      tpu.enqueue_indirect_dma source(%arg16 : memref<80x128xf32, #tpu.memory_space<vmem>>) target(%dma_start3A_194 : memref<10240x128xf32, #tpu.memory_space<vmem_shared>>) offsets(%arg14 : memref<80xi32, #tpu.memory_space<vmem>>) semaphore(%arg20 : memref<!tpu.dma_semaphore, #tpu.memory_space<semaphore_mem>>) {add = true}
      %dma_wait3A_195 = arith.constant 0 : i32
      %dma_wait3A_196 = arith.constant 0 : i32
      %dma_wait3A_197 = tpu.memref_slice %arg17[%dma_wait3A_195, %dma_wait3A_196] : memref<10240x128xf32, #tpu.memory_space<vmem_shared>> -> memref<10240x128xf32, #tpu.memory_space<vmem_shared>>
      tpu.wait_indirect_dma semaphore(%arg20 : memref<!tpu.dma_semaphore, #tpu.memory_space<semaphore_mem>>) src(%arg15 : memref<80x128xf32, #tpu.memory_space<vmem>>) dst(%dma_wait3A_197 : memref<10240x128xf32, #tpu.memory_space<vmem_shared>>)
      %add3A_198 = arith.constant 2 : i32
      %add3A_199 = arith.addi %add3A_180, %add3A_198 : i32
      %mul3A_200 = arith.constant 80 : i32
      %mul3A_201 = arith.muli %add3A_199, %mul3A_200 : i32
      %add3A_202 = arith.addi %mul3A_2, %mul3A_201 : i32
      %dma_start3A_203 = tpu.memref_slice %arg3[%add3A_202] : memref<320000xi32, #tpu.memory_space<hbm>> -> memref<80xi32, #tpu.memory_space<hbm>>
      %dma_start3A_204 = tpu.memref_slice %arg3[%add3A_202] : memref<320000xi32, #tpu.memory_space<hbm>> -> memref<80xi32, #tpu.memory_space<hbm>>
      tpu.enqueue_dma source(%dma_start3A_204 : memref<80xi32, #tpu.memory_space<hbm>>) target(%arg8 : memref<80xi32, #tpu.memory_space<vmem>>) target_semaphore(%arg18 : memref<!tpu.dma_semaphore, #tpu.memory_space<semaphore_mem>>)
      %dma_start3A_205 = tpu.memref_slice %arg4[%add3A_202] : memref<320000xi32, #tpu.memory_space<hbm>> -> memref<80xi32, #tpu.memory_space<hbm>>
      %dma_start3A_206 = tpu.memref_slice %arg4[%add3A_202] : memref<320000xi32, #tpu.memory_space<hbm>> -> memref<80xi32, #tpu.memory_space<hbm>>
      tpu.enqueue_dma source(%dma_start3A_206 : memref<80xi32, #tpu.memory_space<hbm>>) target(%arg12 : memref<80xi32, #tpu.memory_space<vmem>>) target_semaphore(%arg18 : memref<!tpu.dma_semaphore, #tpu.memory_space<semaphore_mem>>)
      %dma_start3A_207 = arith.constant 0 : i32
      %dma_start3A_208 = arith.constant 0 : i32
      %dma_start3A_209 = tpu.memref_slice %arg2[%dma_start3A_207, %dma_start3A_208] : memref<10000x128xf32, #tpu.memory_space<hbm>> -> memref<10000x128xf32, #tpu.memory_space<hbm>>
      tpu.enqueue_indirect_dma source(%dma_start3A_209 : memref<10000x128xf32, #tpu.memory_space<hbm>>) target(%arg15 : memref<80x128xf32, #tpu.memory_space<vmem>>) offsets(%arg7 : memref<80xi32, #tpu.memory_space<vmem>>) semaphore(%arg19 : memref<!tpu.dma_semaphore, #tpu.memory_space<semaphore_mem>>)
      %mul3A_210 = arith.constant 4 : i32
      %mul3A_211 = arith.muli %mul3A_210, %scan3A_139 : i32
      %add3A_212 = arith.constant 2 : i32
      %add3A_213 = arith.addi %mul3A_211, %add3A_212 : i32
      %add3A_214 = arith.constant 2 : i32
      %add3A_215 = arith.addi %add3A_213, %add3A_214 : i32
      %dma_wait3A_216 = arith.constant 0 : i32
      %dma_wait3A_217 = tpu.memref_slice %arg3[%dma_wait3A_216] : memref<320000xi32, #tpu.memory_space<hbm>> -> memref<80xi32, #tpu.memory_space<hbm>>
      %dma_wait3A_218 = arith.constant 0 : i32
      %dma_wait3A_219 = tpu.memref_slice %arg3[%dma_wait3A_218] : memref<320000xi32, #tpu.memory_space<hbm>> -> memref<80xi32, #tpu.memory_space<hbm>>
      tpu.wait_dma2 semaphore(%arg18 : memref<!tpu.dma_semaphore, #tpu.memory_space<semaphore_mem>>) src(%dma_wait3A_219 : memref<80xi32, #tpu.memory_space<hbm>>) dst(%arg8 : memref<80xi32, #tpu.memory_space<vmem>>)
      %dma_wait3A_220 = arith.constant 0 : i32
      %dma_wait3A_221 = tpu.memref_slice %arg4[%dma_wait3A_220] : memref<320000xi32, #tpu.memory_space<hbm>> -> memref<80xi32, #tpu.memory_space<hbm>>
      %dma_wait3A_222 = arith.constant 0 : i32
      %dma_wait3A_223 = tpu.memref_slice %arg4[%dma_wait3A_222] : memref<320000xi32, #tpu.memory_space<hbm>> -> memref<80xi32, #tpu.memory_space<hbm>>
      tpu.wait_dma2 semaphore(%arg18 : memref<!tpu.dma_semaphore, #tpu.memory_space<semaphore_mem>>) src(%dma_wait3A_223 : memref<80xi32, #tpu.memory_space<hbm>>) dst(%arg12 : memref<80xi32, #tpu.memory_space<vmem>>)
      %dma_wait3A_224 = arith.constant 0 : i32
      %dma_wait3A_225 = arith.constant 0 : i32
      %dma_wait3A_226 = tpu.memref_slice %arg2[%dma_wait3A_224, %dma_wait3A_225] : memref<10000x128xf32, #tpu.memory_space<hbm>> -> memref<10000x128xf32, #tpu.memory_space<hbm>>
      tpu.wait_indirect_dma semaphore(%arg19 : memref<!tpu.dma_semaphore, #tpu.memory_space<semaphore_mem>>) src(%dma_wait3A_226 : memref<10000x128xf32, #tpu.memory_space<hbm>>) dst(%arg15 : memref<80x128xf32, #tpu.memory_space<vmem>>)
      %dma_start3A_227 = arith.constant 0 : i32
      %dma_start3A_228 = arith.constant 0 : i32
      %dma_start3A_229 = tpu.memref_slice %arg17[%dma_start3A_227, %dma_start3A_228] : memref<10240x128xf32, #tpu.memory_space<vmem_shared>> -> memref<10240x128xf32, #tpu.memory_space<vmem_shared>>
      tpu.enqueue_indirect_dma source(%arg15 : memref<80x128xf32, #tpu.memory_space<vmem>>) target(%dma_start3A_229 : memref<10240x128xf32, #tpu.memory_space<vmem_shared>>) offsets(%arg11 : memref<80xi32, #tpu.memory_space<vmem>>) semaphore(%arg20 : memref<!tpu.dma_semaphore, #tpu.memory_space<semaphore_mem>>) {add = true}
      %dma_wait3A_230 = arith.constant 0 : i32
      %dma_wait3A_231 = arith.constant 0 : i32
      %dma_wait3A_232 = tpu.memref_slice %arg17[%dma_wait3A_230, %dma_wait3A_231] : memref<10240x128xf32, #tpu.memory_space<vmem_shared>> -> memref<10240x128xf32, #tpu.memory_space<vmem_shared>>
      tpu.wait_indirect_dma semaphore(%arg20 : memref<!tpu.dma_semaphore, #tpu.memory_space<semaphore_mem>>) src(%arg16 : memref<80x128xf32, #tpu.memory_space<vmem>>) dst(%dma_wait3A_232 : memref<10240x128xf32, #tpu.memory_space<vmem_shared>>)
      %add3A_233 = arith.constant 2 : i32
      %add3A_234 = arith.addi %add3A_215, %add3A_233 : i32
      %mul3A_235 = arith.constant 80 : i32
      %mul3A_236 = arith.muli %add3A_234, %mul3A_235 : i32
      %add3A_237 = arith.addi %mul3A_2, %mul3A_236 : i32
      %dma_start3A_238 = tpu.memref_slice %arg3[%add3A_237] : memref<320000xi32, #tpu.memory_space<hbm>> -> memref<80xi32, #tpu.memory_space<hbm>>
      %dma_start3A_239 = tpu.memref_slice %arg3[%add3A_237] : memref<320000xi32, #tpu.memory_space<hbm>> -> memref<80xi32, #tpu.memory_space<hbm>>
      tpu.enqueue_dma source(%dma_start3A_239 : memref<80xi32, #tpu.memory_space<hbm>>) target(%arg9 : memref<80xi32, #tpu.memory_space<vmem>>) target_semaphore(%arg18 : memref<!tpu.dma_semaphore, #tpu.memory_space<semaphore_mem>>)
      %dma_start3A_240 = tpu.memref_slice %arg4[%add3A_237] : memref<320000xi32, #tpu.memory_space<hbm>> -> memref<80xi32, #tpu.memory_space<hbm>>
      %dma_start3A_241 = tpu.memref_slice %arg4[%add3A_237] : memref<320000xi32, #tpu.memory_space<hbm>> -> memref<80xi32, #tpu.memory_space<hbm>>
      tpu.enqueue_dma source(%dma_start3A_241 : memref<80xi32, #tpu.memory_space<hbm>>) target(%arg13 : memref<80xi32, #tpu.memory_space<vmem>>) target_semaphore(%arg18 : memref<!tpu.dma_semaphore, #tpu.memory_space<semaphore_mem>>)
      %dma_start3A_242 = arith.constant 0 : i32
      %dma_start3A_243 = arith.constant 0 : i32
      %dma_start3A_244 = tpu.memref_slice %arg2[%dma_start3A_242, %dma_start3A_243] : memref<10000x128xf32, #tpu.memory_space<hbm>> -> memref<10000x128xf32, #tpu.memory_space<hbm>>
      tpu.enqueue_indirect_dma source(%dma_start3A_244 : memref<10000x128xf32, #tpu.memory_space<hbm>>) target(%arg16 : memref<80x128xf32, #tpu.memory_space<vmem>>) offsets(%arg8 : memref<80xi32, #tpu.memory_space<vmem>>) semaphore(%arg19 : memref<!tpu.dma_semaphore, #tpu.memory_space<semaphore_mem>>)
      %mul3A_245 = arith.constant 4 : i32
      %mul3A_246 = arith.muli %mul3A_245, %scan3A_139 : i32
      %add3A_247 = arith.constant 2 : i32
      %add3A_248 = arith.addi %mul3A_246, %add3A_247 : i32
      %add3A_249 = arith.constant 3 : i32
      %add3A_250 = arith.addi %add3A_248, %add3A_249 : i32
      %dma_wait3A_251 = arith.constant 0 : i32
      %dma_wait3A_252 = tpu.memref_slice %arg3[%dma_wait3A_251] : memref<320000xi32, #tpu.memory_space<hbm>> -> memref<80xi32, #tpu.memory_space<hbm>>
      %dma_wait3A_253 = arith.constant 0 : i32
      %dma_wait3A_254 = tpu.memref_slice %arg3[%dma_wait3A_253] : memref<320000xi32, #tpu.memory_space<hbm>> -> memref<80xi32, #tpu.memory_space<hbm>>
      tpu.wait_dma2 semaphore(%arg18 : memref<!tpu.dma_semaphore, #tpu.memory_space<semaphore_mem>>) src(%dma_wait3A_254 : memref<80xi32, #tpu.memory_space<hbm>>) dst(%arg9 : memref<80xi32, #tpu.memory_space<vmem>>)
      %dma_wait3A_255 = arith.constant 0 : i32
      %dma_wait3A_256 = tpu.memref_slice %arg4[%dma_wait3A_255] : memref<320000xi32, #tpu.memory_space<hbm>> -> memref<80xi32, #tpu.memory_space<hbm>>
      %dma_wait3A_257 = arith.constant 0 : i32
      %dma_wait3A_258 = tpu.memref_slice %arg4[%dma_wait3A_257] : memref<320000xi32, #tpu.memory_space<hbm>> -> memref<80xi32, #tpu.memory_space<hbm>>
      tpu.wait_dma2 semaphore(%arg18 : memref<!tpu.dma_semaphore, #tpu.memory_space<semaphore_mem>>) src(%dma_wait3A_258 : memref<80xi32, #tpu.memory_space<hbm>>) dst(%arg13 : memref<80xi32, #tpu.memory_space<vmem>>)
      %dma_wait3A_259 = arith.constant 0 : i32
      %dma_wait3A_260 = arith.constant 0 : i32
      %dma_wait3A_261 = tpu.memref_slice %arg2[%dma_wait3A_259, %dma_wait3A_260] : memref<10000x128xf32, #tpu.memory_space<hbm>> -> memref<10000x128xf32, #tpu.memory_space<hbm>>
      tpu.wait_indirect_dma semaphore(%arg19 : memref<!tpu.dma_semaphore, #tpu.memory_space<semaphore_mem>>) src(%dma_wait3A_261 : memref<10000x128xf32, #tpu.memory_space<hbm>>) dst(%arg16 : memref<80x128xf32, #tpu.memory_space<vmem>>)
      %dma_start3A_262 = arith.constant 0 : i32
      %dma_start3A_263 = arith.constant 0 : i32
      %dma_start3A_264 = tpu.memref_slice %arg17[%dma_start3A_262, %dma_start3A_263] : memref<10240x128xf32, #tpu.memory_space<vmem_shared>> -> memref<10240x128xf32, #tpu.memory_space<vmem_shared>>
      tpu.enqueue_indirect_dma source(%arg16 : memref<80x128xf32, #tpu.memory_space<vmem>>) target(%dma_start3A_264 : memref<10240x128xf32, #tpu.memory_space<vmem_shared>>) offsets(%arg12 : memref<80xi32, #tpu.memory_space<vmem>>) semaphore(%arg20 : memref<!tpu.dma_semaphore, #tpu.memory_space<semaphore_mem>>) {add = true}
      %dma_wait3A_265 = arith.constant 0 : i32
      %dma_wait3A_266 = arith.constant 0 : i32
      %dma_wait3A_267 = tpu.memref_slice %arg17[%dma_wait3A_265, %dma_wait3A_266] : memref<10240x128xf32, #tpu.memory_space<vmem_shared>> -> memref<10240x128xf32, #tpu.memory_space<vmem_shared>>
      tpu.wait_indirect_dma semaphore(%arg20 : memref<!tpu.dma_semaphore, #tpu.memory_space<semaphore_mem>>) src(%arg15 : memref<80x128xf32, #tpu.memory_space<vmem>>) dst(%dma_wait3A_267 : memref<10240x128xf32, #tpu.memory_space<vmem_shared>>)
      %add3A_268 = arith.constant 2 : i32
      %add3A_269 = arith.addi %add3A_250, %add3A_268 : i32
      %mul3A_270 = arith.constant 80 : i32
      %mul3A_271 = arith.muli %add3A_269, %mul3A_270 : i32
      %add3A_272 = arith.addi %mul3A_2, %mul3A_271 : i32
      %dma_start3A_273 = tpu.memref_slice %arg3[%add3A_272] : memref<320000xi32, #tpu.memory_space<hbm>> -> memref<80xi32, #tpu.memory_space<hbm>>
      %dma_start3A_274 = tpu.memref_slice %arg3[%add3A_272] : memref<320000xi32, #tpu.memory_space<hbm>> -> memref<80xi32, #tpu.memory_space<hbm>>
      tpu.enqueue_dma source(%dma_start3A_274 : memref<80xi32, #tpu.memory_space<hbm>>) target(%arg10 : memref<80xi32, #tpu.memory_space<vmem>>) target_semaphore(%arg18 : memref<!tpu.dma_semaphore, #tpu.memory_space<semaphore_mem>>)
      %dma_start3A_275 = tpu.memref_slice %arg4[%add3A_272] : memref<320000xi32, #tpu.memory_space<hbm>> -> memref<80xi32, #tpu.memory_space<hbm>>
      %dma_start3A_276 = tpu.memref_slice %arg4[%add3A_272] : memref<320000xi32, #tpu.memory_space<hbm>> -> memref<80xi32, #tpu.memory_space<hbm>>
      tpu.enqueue_dma source(%dma_start3A_276 : memref<80xi32, #tpu.memory_space<hbm>>) target(%arg14 : memref<80xi32, #tpu.memory_space<vmem>>) target_semaphore(%arg18 : memref<!tpu.dma_semaphore, #tpu.memory_space<semaphore_mem>>)
      %dma_start3A_277 = arith.constant 0 : i32
      %dma_start3A_278 = arith.constant 0 : i32
      %dma_start3A_279 = tpu.memref_slice %arg2[%dma_start3A_277, %dma_start3A_278] : memref<10000x128xf32, #tpu.memory_space<hbm>> -> memref<10000x128xf32, #tpu.memory_space<hbm>>
      tpu.enqueue_indirect_dma source(%dma_start3A_279 : memref<10000x128xf32, #tpu.memory_space<hbm>>) target(%arg15 : memref<80x128xf32, #tpu.memory_space<vmem>>) offsets(%arg9 : memref<80xi32, #tpu.memory_space<vmem>>) semaphore(%arg19 : memref<!tpu.dma_semaphore, #tpu.memory_space<semaphore_mem>>)
    }
    %scan3A_79 = arith.constant 30 : i32
    %dma_wait3A_80 = arith.constant 0 : i32
    %dma_wait3A_81 = tpu.memref_slice %arg3[%dma_wait3A_80] : memref<320000xi32, #tpu.memory_space<hbm>> -> memref<80xi32, #tpu.memory_space<hbm>>
    %dma_wait3A_82 = arith.constant 0 : i32
    %dma_wait3A_83 = tpu.memref_slice %arg3[%dma_wait3A_82] : memref<320000xi32, #tpu.memory_space<hbm>> -> memref<80xi32, #tpu.memory_space<hbm>>
    tpu.wait_dma2 semaphore(%arg18 : memref<!tpu.dma_semaphore, #tpu.memory_space<semaphore_mem>>) src(%dma_wait3A_83 : memref<80xi32, #tpu.memory_space<hbm>>) dst(%arg10 : memref<80xi32, #tpu.memory_space<vmem>>)
    %dma_wait3A_84 = arith.constant 0 : i32
    %dma_wait3A_85 = tpu.memref_slice %arg4[%dma_wait3A_84] : memref<320000xi32, #tpu.memory_space<hbm>> -> memref<80xi32, #tpu.memory_space<hbm>>
    %dma_wait3A_86 = arith.constant 0 : i32
    %dma_wait3A_87 = tpu.memref_slice %arg4[%dma_wait3A_86] : memref<320000xi32, #tpu.memory_space<hbm>> -> memref<80xi32, #tpu.memory_space<hbm>>
    tpu.wait_dma2 semaphore(%arg18 : memref<!tpu.dma_semaphore, #tpu.memory_space<semaphore_mem>>) src(%dma_wait3A_87 : memref<80xi32, #tpu.memory_space<hbm>>) dst(%arg14 : memref<80xi32, #tpu.memory_space<vmem>>)
    %dma_wait3A_88 = arith.constant 0 : i32
    %dma_wait3A_89 = arith.constant 0 : i32
    %dma_wait3A_90 = tpu.memref_slice %arg2[%dma_wait3A_88, %dma_wait3A_89] : memref<10000x128xf32, #tpu.memory_space<hbm>> -> memref<10000x128xf32, #tpu.memory_space<hbm>>
    tpu.wait_indirect_dma semaphore(%arg19 : memref<!tpu.dma_semaphore, #tpu.memory_space<semaphore_mem>>) src(%dma_wait3A_90 : memref<10000x128xf32, #tpu.memory_space<hbm>>) dst(%arg15 : memref<80x128xf32, #tpu.memory_space<vmem>>)
    %dma_start3A_91 = arith.constant 0 : i32
    %dma_start3A_92 = arith.constant 0 : i32
    %dma_start3A_93 = tpu.memref_slice %arg17[%dma_start3A_91, %dma_start3A_92] : memref<10240x128xf32, #tpu.memory_space<vmem_shared>> -> memref<10240x128xf32, #tpu.memory_space<vmem_shared>>
    tpu.enqueue_indirect_dma source(%arg15 : memref<80x128xf32, #tpu.memory_space<vmem>>) target(%dma_start3A_93 : memref<10240x128xf32, #tpu.memory_space<vmem_shared>>) offsets(%arg13 : memref<80xi32, #tpu.memory_space<vmem>>) semaphore(%arg20 : memref<!tpu.dma_semaphore, #tpu.memory_space<semaphore_mem>>) {add = true}
    %dma_wait3A_94 = arith.constant 0 : i32
    %dma_wait3A_95 = arith.constant 0 : i32
    %dma_wait3A_96 = tpu.memref_slice %arg17[%dma_wait3A_94, %dma_wait3A_95] : memref<10240x128xf32, #tpu.memory_space<vmem_shared>> -> memref<10240x128xf32, #tpu.memory_space<vmem_shared>>
    tpu.wait_indirect_dma semaphore(%arg20 : memref<!tpu.dma_semaphore, #tpu.memory_space<semaphore_mem>>) src(%arg16 : memref<80x128xf32, #tpu.memory_space<vmem>>) dst(%dma_wait3A_96 : memref<10240x128xf32, #tpu.memory_space<vmem_shared>>)
    %add3A_97 = arith.constant 9920 : i32
    %add3A_98 = arith.addi %mul3A_2, %add3A_97 : i32
    %dma_start3A_99 = tpu.memref_slice %arg3[%add3A_98] : memref<320000xi32, #tpu.memory_space<hbm>> -> memref<80xi32, #tpu.memory_space<hbm>>
    %dma_start3A_100 = tpu.memref_slice %arg3[%add3A_98] : memref<320000xi32, #tpu.memory_space<hbm>> -> memref<80xi32, #tpu.memory_space<hbm>>
    tpu.enqueue_dma source(%dma_start3A_100 : memref<80xi32, #tpu.memory_space<hbm>>) target(%arg7 : memref<80xi32, #tpu.memory_space<vmem>>) target_semaphore(%arg18 : memref<!tpu.dma_semaphore, #tpu.memory_space<semaphore_mem>>)
    %dma_start3A_101 = tpu.memref_slice %arg4[%add3A_98] : memref<320000xi32, #tpu.memory_space<hbm>> -> memref<80xi32, #tpu.memory_space<hbm>>
    %dma_start3A_102 = tpu.memref_slice %arg4[%add3A_98] : memref<320000xi32, #tpu.memory_space<hbm>> -> memref<80xi32, #tpu.memory_space<hbm>>
    tpu.enqueue_dma source(%dma_start3A_102 : memref<80xi32, #tpu.memory_space<hbm>>) target(%arg11 : memref<80xi32, #tpu.memory_space<vmem>>) target_semaphore(%arg18 : memref<!tpu.dma_semaphore, #tpu.memory_space<semaphore_mem>>)
    %dma_start3A_103 = arith.constant 0 : i32
    %dma_start3A_104 = arith.constant 0 : i32
    %dma_start3A_105 = tpu.memref_slice %arg2[%dma_start3A_103, %dma_start3A_104] : memref<10000x128xf32, #tpu.memory_space<hbm>> -> memref<10000x128xf32, #tpu.memory_space<hbm>>
    tpu.enqueue_indirect_dma source(%dma_start3A_105 : memref<10000x128xf32, #tpu.memory_space<hbm>>) target(%arg16 : memref<80x128xf32, #tpu.memory_space<vmem>>) offsets(%arg10 : memref<80xi32, #tpu.memory_space<vmem>>) semaphore(%arg19 : memref<!tpu.dma_semaphore, #tpu.memory_space<semaphore_mem>>)
    %dma_wait3A_106 = arith.constant 0 : i32
    %dma_wait3A_107 = tpu.memref_slice %arg3[%dma_wait3A_106] : memref<320000xi32, #tpu.memory_space<hbm>> -> memref<80xi32, #tpu.memory_space<hbm>>
    %dma_wait3A_108 = arith.constant 0 : i32
    %dma_wait3A_109 = tpu.memref_slice %arg3[%dma_wait3A_108] : memref<320000xi32, #tpu.memory_space<hbm>> -> memref<80xi32, #tpu.memory_space<hbm>>
    tpu.wait_dma2 semaphore(%arg18 : memref<!tpu.dma_semaphore, #tpu.memory_space<semaphore_mem>>) src(%dma_wait3A_109 : memref<80xi32, #tpu.memory_space<hbm>>) dst(%arg7 : memref<80xi32, #tpu.memory_space<vmem>>)
    %dma_wait3A_110 = arith.constant 0 : i32
    %dma_wait3A_111 = tpu.memref_slice %arg4[%dma_wait3A_110] : memref<320000xi32, #tpu.memory_space<hbm>> -> memref<80xi32, #tpu.memory_space<hbm>>
    %dma_wait3A_112 = arith.constant 0 : i32
    %dma_wait3A_113 = tpu.memref_slice %arg4[%dma_wait3A_112] : memref<320000xi32, #tpu.memory_space<hbm>> -> memref<80xi32, #tpu.memory_space<hbm>>
    tpu.wait_dma2 semaphore(%arg18 : memref<!tpu.dma_semaphore, #tpu.memory_space<semaphore_mem>>) src(%dma_wait3A_113 : memref<80xi32, #tpu.memory_space<hbm>>) dst(%arg11 : memref<80xi32, #tpu.memory_space<vmem>>)
    %dma_wait3A_114 = arith.constant 0 : i32
    %dma_wait3A_115 = arith.constant 0 : i32
    %dma_wait3A_116 = tpu.memref_slice %arg2[%dma_wait3A_114, %dma_wait3A_115] : memref<10000x128xf32, #tpu.memory_space<hbm>> -> memref<10000x128xf32, #tpu.memory_space<hbm>>
    tpu.wait_indirect_dma semaphore(%arg19 : memref<!tpu.dma_semaphore, #tpu.memory_space<semaphore_mem>>) src(%dma_wait3A_116 : memref<10000x128xf32, #tpu.memory_space<hbm>>) dst(%arg16 : memref<80x128xf32, #tpu.memory_space<vmem>>)
    %dma_start3A_117 = arith.constant 0 : i32
    %dma_start3A_118 = arith.constant 0 : i32
    %dma_start3A_119 = tpu.memref_slice %arg17[%dma_start3A_117, %dma_start3A_118] : memref<10240x128xf32, #tpu.memory_space<vmem_shared>> -> memref<10240x128xf32, #tpu.memory_space<vmem_shared>>
    tpu.enqueue_indirect_dma source(%arg16 : memref<80x128xf32, #tpu.memory_space<vmem>>) target(%dma_start3A_119 : memref<10240x128xf32, #tpu.memory_space<vmem_shared>>) offsets(%arg14 : memref<80xi32, #tpu.memory_space<vmem>>) semaphore(%arg20 : memref<!tpu.dma_semaphore, #tpu.memory_space<semaphore_mem>>) {add = true}
    %dma_wait3A_120 = arith.constant 0 : i32
    %dma_wait3A_121 = arith.constant 0 : i32
    %dma_wait3A_122 = tpu.memref_slice %arg17[%dma_wait3A_120, %dma_wait3A_121] : memref<10240x128xf32, #tpu.memory_space<vmem_shared>> -> memref<10240x128xf32, #tpu.memory_space<vmem_shared>>
    tpu.wait_indirect_dma semaphore(%arg20 : memref<!tpu.dma_semaphore, #tpu.memory_space<semaphore_mem>>) src(%arg15 : memref<80x128xf32, #tpu.memory_space<vmem>>) dst(%dma_wait3A_122 : memref<10240x128xf32, #tpu.memory_space<vmem_shared>>)
    %dma_start3A_123 = arith.constant 0 : i32
    %dma_start3A_124 = arith.constant 0 : i32
    %dma_start3A_125 = tpu.memref_slice %arg2[%dma_start3A_123, %dma_start3A_124] : memref<10000x128xf32, #tpu.memory_space<hbm>> -> memref<10000x128xf32, #tpu.memory_space<hbm>>
    tpu.enqueue_indirect_dma source(%dma_start3A_125 : memref<10000x128xf32, #tpu.memory_space<hbm>>) target(%arg15 : memref<80x128xf32, #tpu.memory_space<vmem>>) offsets(%arg7 : memref<80xi32, #tpu.memory_space<vmem>>) semaphore(%arg19 : memref<!tpu.dma_semaphore, #tpu.memory_space<semaphore_mem>>)
    %dma_wait3A_126 = arith.constant 0 : i32
    %dma_wait3A_127 = arith.constant 0 : i32
    %dma_wait3A_128 = tpu.memref_slice %arg2[%dma_wait3A_126, %dma_wait3A_127] : memref<10000x128xf32, #tpu.memory_space<hbm>> -> memref<10000x128xf32, #tpu.memory_space<hbm>>
    tpu.wait_indirect_dma semaphore(%arg19 : memref<!tpu.dma_semaphore, #tpu.memory_space<semaphore_mem>>) src(%dma_wait3A_128 : memref<10000x128xf32, #tpu.memory_space<hbm>>) dst(%arg15 : memref<80x128xf32, #tpu.memory_space<vmem>>)
    %dma_start3A_129 = arith.constant 0 : i32
    %dma_start3A_130 = arith.constant 0 : i32
    %dma_start3A_131 = tpu.memref_slice %arg17[%dma_start3A_129, %dma_start3A_130] : memref<10240x128xf32, #tpu.memory_space<vmem_shared>> -> memref<10240x128xf32, #tpu.memory_space<vmem_shared>>
    tpu.enqueue_indirect_dma source(%arg15 : memref<80x128xf32, #tpu.memory_space<vmem>>) target(%dma_start3A_131 : memref<10240x128xf32, #tpu.memory_space<vmem_shared>>) offsets(%arg11 : memref<80xi32, #tpu.memory_space<vmem>>) semaphore(%arg20 : memref<!tpu.dma_semaphore, #tpu.memory_space<semaphore_mem>>) {add = true}
    %dma_wait3A_132 = arith.constant 0 : i32
    %dma_wait3A_133 = arith.constant 0 : i32
    %dma_wait3A_134 = tpu.memref_slice %arg17[%dma_wait3A_132, %dma_wait3A_133] : memref<10240x128xf32, #tpu.memory_space<vmem_shared>> -> memref<10240x128xf32, #tpu.memory_space<vmem_shared>>
    tpu.wait_indirect_dma semaphore(%arg20 : memref<!tpu.dma_semaphore, #tpu.memory_space<semaphore_mem>>) src(%arg16 : memref<80x128xf32, #tpu.memory_space<vmem>>) dst(%dma_wait3A_134 : memref<10240x128xf32, #tpu.memory_space<vmem_shared>>)
    %dma_wait3A_135 = arith.constant 0 : i32
    %dma_wait3A_136 = arith.constant 0 : i32
    %dma_wait3A_137 = tpu.memref_slice %arg17[%dma_wait3A_135, %dma_wait3A_136] : memref<10240x128xf32, #tpu.memory_space<vmem_shared>> -> memref<10240x128xf32, #tpu.memory_space<vmem_shared>>
    tpu.wait_indirect_dma semaphore(%arg20 : memref<!tpu.dma_semaphore, #tpu.memory_space<semaphore_mem>>) src(%arg15 : memref<80x128xf32, #tpu.memory_space<vmem>>) dst(%dma_wait3A_137 : memref<10240x128xf32, #tpu.memory_space<vmem_shared>>)
    %barrier3A_138 = arith.constant 0 : index
    tpu.barrier barrier_id(%barrier3A_138)
    "tpu.region"() ({
      %run_scoped3A = tpu.sem_alloc : memref<!tpu.dma_semaphore, #tpu.memory_space<semaphore_mem>>
      %dma_start3A_139 = arith.constant 0 : i32
      %dma_start3A_140 = tpu.memref_slice %arg6[%arg0, %mul3A_4, %dma_start3A_139] : memref<2x10240x128xf32, #tpu.memory_space<hbm>> -> memref<1x640x128xf32, #tpu.memory_space<hbm>>
      %dma_start3A_141 = tpu.memref_squeeze %dma_start3A_140 : memref<1x640x128xf32, #tpu.memory_space<hbm>> -> memref<640x128xf32, #tpu.memory_space<hbm>>
      %dma_start3A_142 = arith.constant 0 : i32
      %dma_start3A_143 = tpu.memref_slice %arg17[%mul3A_4, %dma_start3A_142] : memref<10240x128xf32, #tpu.memory_space<vmem_shared>> -> memref<640x128xf32, #tpu.memory_space<vmem_shared>>
      tpu.enqueue_dma source(%dma_start3A_143 : memref<640x128xf32, #tpu.memory_space<vmem_shared>>) target(%dma_start3A_141 : memref<640x128xf32, #tpu.memory_space<hbm>>) target_semaphore(%run_scoped3A : memref<!tpu.dma_semaphore, #tpu.memory_space<semaphore_mem>>)
      %dma_wait3A_144 = arith.constant 0 : i32
      %dma_wait3A_145 = tpu.memref_slice %arg6[%arg0, %mul3A_4, %dma_wait3A_144] : memref<2x10240x128xf32, #tpu.memory_space<hbm>> -> memref<1x640x128xf32, #tpu.memory_space<hbm>>
      %dma_wait3A_146 = tpu.memref_squeeze %dma_wait3A_145 : memref<1x640x128xf32, #tpu.memory_space<hbm>> -> memref<640x128xf32, #tpu.memory_space<hbm>>
      %dma_wait3A_147 = arith.constant 0 : i32
      %dma_wait3A_148 = tpu.memref_slice %arg17[%mul3A_4, %dma_wait3A_147] : memref<10240x128xf32, #tpu.memory_space<vmem_shared>> -> memref<640x128xf32, #tpu.memory_space<vmem_shared>>
      tpu.wait_dma2 semaphore(%run_scoped3A : memref<!tpu.dma_semaphore, #tpu.memory_space<semaphore_mem>>) src(%dma_wait3A_148 : memref<640x128xf32, #tpu.memory_space<vmem_shared>>) dst(%dma_wait3A_146 : memref<640x128xf32, #tpu.memory_space<hbm>>)
      tpu.yield
    }) : () -> ()
    return
  }
}

module attributes {stable_mosaic.version = 14 : i64} {
  func.func @body(%arg0: i32, %arg1: memref<2x2000x128xf32, #tpu.memory_space<vmem>>, %arg2: memref<2000x128xf32, #tpu.memory_space<vmem>>, %arg3: memref<2x2000x128xf32, #tpu.memory_space<vmem>>, %arg4: memref<1x128xf32, #tpu.memory_space<vmem>>, %arg5: memref<2000x128xf32, #tpu.memory_space<vmem>>) attributes {dimension_semantics = [#tpu.dimension_semantics<arbitrary>], iteration_bounds = array<i64: 5>, scalar_prefetch = 0 : i64, scratch_operands = 0 : i64, tpu.core_type = #tpu.core_type<tc>, window_params = [{transform_indices = @transform_0, window_bounds = array<i64: 2, 2000, 128>}, {transform_indices = @transform_1, window_bounds = array<i64: 2000, 128>}, {transform_indices = @transform_2, window_bounds = array<i64: 2, 2000, 128>}, {pipeline_mode = #tpu.pipeline_mode<synchronous>, transform_indices = @transform_3, window_bounds = array<i64: 1, 128>}, {transform_indices = @transform_4, window_bounds = array<i64: 2000, 128>}]} {
    %get3A = arith.constant 0 : index
    %get3A_0 = arith.constant 0 : index
    %get3A_1 = arith.constant 0 : index
    %get3A_2 = vector.load %arg3[%get3A, %get3A_0, %get3A_1] : memref<2x2000x128xf32, #tpu.memory_space<vmem>>, vector<1x2000x1xf32>
    %get3A_3 = vector.shape_cast %get3A_2 : vector<1x2000x1xf32> to vector<2000x1xf32>
    %get3A_4 = arith.constant 1 : index
    %get3A_5 = arith.constant 0 : index
    %get3A_6 = arith.constant 0 : index
    %get3A_7 = vector.load %arg3[%get3A_4, %get3A_5, %get3A_6] : memref<2x2000x128xf32, #tpu.memory_space<vmem>>, vector<1x2000x1xf32>
    %get3A_8 = vector.shape_cast %get3A_7 : vector<1x2000x1xf32> to vector<2000x1xf32>
    %add3A = arith.addf %get3A_3, %get3A_8 : vector<2000x1xf32>
    %add3A_9 = arith.constant 1.000000e+00 : f32
    %add3A_10 = vector.broadcast %add3A_9 : f32 to vector<2000x1xf32>
    %add3A_11 = arith.addf %add3A, %add3A_10 : vector<2000x1xf32>
    %rsqrt3A = math.rsqrt %add3A_11 : vector<2000x1xf32>
    %get3A_12 = arith.constant 0 : index
    %get3A_13 = arith.constant 0 : index
    %get3A_14 = arith.constant 0 : index
    %get3A_15 = vector.load %arg1[%get3A_12, %get3A_13, %get3A_14] : memref<2x2000x128xf32, #tpu.memory_space<vmem>>, vector<1x2000x128xf32>
    %get3A_16 = vector.shape_cast %get3A_15 : vector<1x2000x128xf32> to vector<2000x128xf32>
    %get3A_17 = arith.constant 1 : index
    %get3A_18 = arith.constant 0 : index
    %get3A_19 = arith.constant 0 : index
    %get3A_20 = vector.load %arg1[%get3A_17, %get3A_18, %get3A_19] : memref<2x2000x128xf32, #tpu.memory_space<vmem>>, vector<1x2000x128xf32>
    %get3A_21 = vector.shape_cast %get3A_20 : vector<1x2000x128xf32> to vector<2000x128xf32>
    %add3A_22 = arith.addf %get3A_16, %get3A_21 : vector<2000x128xf32>
    %get3A_23 = arith.constant 0 : index
    %get3A_24 = arith.constant 0 : index
    %get3A_25 = vector.load %arg2[%get3A_23, %get3A_24] : memref<2000x128xf32, #tpu.memory_space<vmem>>, vector<2000x128xf32>
    %add3A_26 = arith.addf %add3A_22, %get3A_25 : vector<2000x128xf32>
    %mul3A = vector.broadcast %rsqrt3A : vector<2000x1xf32> to vector<2000x128xf32>
    %mul3A_27 = arith.mulf %add3A_26, %mul3A : vector<2000x128xf32>
    %get3A_28 = arith.constant 0 : index
    %get3A_29 = arith.constant 0 : index
    %get3A_30 = vector.load %arg4[%get3A_28, %get3A_29] : memref<1x128xf32, #tpu.memory_space<vmem>>, vector<1x128xf32>
    %add3A_31 = vector.broadcast %get3A_30 : vector<1x128xf32> to vector<2000x128xf32>
    %add3A_32 = arith.addf %mul3A_27, %add3A_31 : vector<2000x128xf32>
    %max3A = arith.constant 0.000000e+00 : f32
    %max3A_33 = vector.broadcast %max3A : f32 to vector<2000x128xf32>
    %max3A_34 = arith.maximumf %add3A_32, %max3A_33 : vector<2000x128xf32>
    %mul3A_35 = vector.broadcast %rsqrt3A : vector<2000x1xf32> to vector<2000x128xf32>
    %mul3A_36 = arith.mulf %max3A_34, %mul3A_35 : vector<2000x128xf32>
    %swap3A = arith.constant 0 : index
    %swap3A_37 = arith.constant 0 : index
    %swap3A_38 = vector.load %arg5[%swap3A, %swap3A_37] : memref<2000x128xf32, #tpu.memory_space<vmem>>, vector<2000x128xf32>
    tpu.vector_store %arg5[%swap3A, %swap3A_37], %mul3A_36 {strides = array<i32>} : memref<2000x128xf32, #tpu.memory_space<vmem>>, vector<2000x128xf32>,
    return
  }
  func.func @transform_0(%arg0: i32) -> (i32, i32, i32) {
    %c0_i32 = arith.constant 0 : i32
    %c0_i32_0 = arith.constant 0 : i32
    %c0_i32_1 = arith.constant 0 : i32
    return %c0_i32, %arg0, %c0_i32_0 : i32, i32, i32
  }
  func.func @transform_1(%arg0: i32) -> (i32, i32) {
    %c0_i32 = arith.constant 0 : i32
    %c0_i32_0 = arith.constant 0 : i32
    return %arg0, %c0_i32 : i32, i32
  }
  func.func @transform_2(%arg0: i32) -> (i32, i32, i32) {
    %c0_i32 = arith.constant 0 : i32
    %c0_i32_0 = arith.constant 0 : i32
    %c0_i32_1 = arith.constant 0 : i32
    return %c0_i32, %arg0, %c0_i32_0 : i32, i32, i32
  }
  func.func @transform_3(%arg0: i32) -> (i32, i32) {
    %c0_i32 = arith.constant 0 : i32
    %c0_i32_0 = arith.constant 0 : i32
    %c0_i32_1 = arith.constant 0 : i32
    return %c0_i32, %c0_i32_0 : i32, i32
  }
  func.func @transform_4(%arg0: i32) -> (i32, i32) {
    %c0_i32 = arith.constant 0 : i32
    %c0_i32_0 = arith.constant 0 : i32
    return %arg0, %c0_i32 : i32, i32
  }
}

module attributes {stable_mosaic.version = 14 : i64} {
  func.func @body(%arg0: i32, %arg1: memref<2x2000x128xf32, #tpu.memory_space<vmem>>, %arg2: memref<2000x128xf32, #tpu.memory_space<vmem>>, %arg3: memref<128x128xf32, #tpu.memory_space<vmem>>, %arg4: memref<2000x128xf32, #tpu.memory_space<vmem>>) attributes {dimension_semantics = [#tpu.dimension_semantics<arbitrary>], iteration_bounds = array<i64: 5>, scalar_prefetch = 0 : i64, scratch_operands = 0 : i64, tpu.core_type = #tpu.core_type<tc>, window_params = [{transform_indices = @transform_0, window_bounds = array<i64: 2, 2000, 128>}, {transform_indices = @transform_1, window_bounds = array<i64: 2000, 128>}, {pipeline_mode = #tpu.pipeline_mode<synchronous>, transform_indices = @transform_2, window_bounds = array<i64: 128, 128>}, {transform_indices = @transform_3, window_bounds = array<i64: 2000, 128>}]} {
    %get3A = arith.constant 0 : index
    %get3A_0 = arith.constant 0 : index
    %get3A_1 = arith.constant 0 : index
    %get3A_2 = vector.load %arg1[%get3A, %get3A_0, %get3A_1] : memref<2x2000x128xf32, #tpu.memory_space<vmem>>, vector<1x2000x1xf32>
    %get3A_3 = vector.shape_cast %get3A_2 : vector<1x2000x1xf32> to vector<2000x1xf32>
    %get3A_4 = arith.constant 1 : index
    %get3A_5 = arith.constant 0 : index
    %get3A_6 = arith.constant 0 : index
    %get3A_7 = vector.load %arg1[%get3A_4, %get3A_5, %get3A_6] : memref<2x2000x128xf32, #tpu.memory_space<vmem>>, vector<1x2000x1xf32>
    %get3A_8 = vector.shape_cast %get3A_7 : vector<1x2000x1xf32> to vector<2000x1xf32>
    %add3A = arith.addf %get3A_3, %get3A_8 : vector<2000x1xf32>
    %add3A_9 = arith.constant 1.000000e+00 : f32
    %add3A_10 = vector.broadcast %add3A_9 : f32 to vector<2000x1xf32>
    %add3A_11 = arith.addf %add3A, %add3A_10 : vector<2000x1xf32>
    %rsqrt3A = math.rsqrt %add3A_11 : vector<2000x1xf32>
    %get3A_12 = arith.constant 0 : index
    %get3A_13 = arith.constant 0 : index
    %get3A_14 = vector.load %arg2[%get3A_12, %get3A_13] : memref<2000x128xf32, #tpu.memory_space<vmem>>, vector<2000x128xf32>
    %mul3A = vector.broadcast %rsqrt3A : vector<2000x1xf32> to vector<2000x128xf32>
    %mul3A_15 = arith.mulf %get3A_14, %mul3A : vector<2000x128xf32>
    %get3A_16 = arith.constant 0 : index
    %get3A_17 = arith.constant 0 : index
    %get3A_18 = vector.load %arg3[%get3A_16, %get3A_17] : memref<128x128xf32, #tpu.memory_space<vmem>>, vector<128x128xf32>
    %dot_general3A = arith.constant dense<0.000000e+00> : vector<2000x128xf32>
    %dot_general3A_19 = tpu.matmul %mul3A_15, %get3A_18, %dot_general3A {dimension_numbers = #tpu.dot_dimension_numbers<[1], [0], [0], [1], [0, 0, 1, 1], [], []>, transpose_lhs_hint = false} : vector<2000x128xf32>, vector<128x128xf32>, vector<2000x128xf32> -> vector<2000x128xf32>
    %swap3A = arith.constant 0 : index
    %swap3A_20 = arith.constant 0 : index
    %swap3A_21 = vector.load %arg4[%swap3A, %swap3A_20] : memref<2000x128xf32, #tpu.memory_space<vmem>>, vector<2000x128xf32>
    tpu.vector_store %arg4[%swap3A, %swap3A_20], %dot_general3A_19 {strides = array<i32>} : memref<2000x128xf32, #tpu.memory_space<vmem>>, vector<2000x128xf32>,
    return
  }
  func.func @transform_0(%arg0: i32) -> (i32, i32, i32) {
    %c0_i32 = arith.constant 0 : i32
    %c0_i32_0 = arith.constant 0 : i32
    %c0_i32_1 = arith.constant 0 : i32
    return %c0_i32, %arg0, %c0_i32_0 : i32, i32, i32
  }
  func.func @transform_1(%arg0: i32) -> (i32, i32) {
    %c0_i32 = arith.constant 0 : i32
    %c0_i32_0 = arith.constant 0 : i32
    return %arg0, %c0_i32 : i32, i32
  }
  func.func @transform_2(%arg0: i32) -> (i32, i32) {
    %c0_i32 = arith.constant 0 : i32
    %c0_i32_0 = arith.constant 0 : i32
    %c0_i32_1 = arith.constant 0 : i32
    return %c0_i32, %c0_i32_0 : i32, i32
  }
  func.func @transform_3(%arg0: i32) -> (i32, i32) {
    %c0_i32 = arith.constant 0 : i32
    %c0_i32_0 = arith.constant 0 : i32
    return %arg0, %c0_i32 : i32, i32
  }
}

module attributes {stable_mosaic.version = 14 : i64} {
  func.func @body(%arg0: i32, %arg1: memref<2x2000x128xf32, #tpu.memory_space<vmem>>, %arg2: memref<2000x128xf32, #tpu.memory_space<vmem>>, %arg3: memref<2x2000x128xf32, #tpu.memory_space<vmem>>, %arg4: memref<1x64xf32, #tpu.memory_space<vmem>>, %arg5: memref<128x64xf32, #tpu.memory_space<vmem>>, %arg6: memref<2000x64xf32, #tpu.memory_space<vmem>>, %arg7: memref<2000x64xf32, #tpu.memory_space<vmem>>) attributes {dimension_semantics = [#tpu.dimension_semantics<arbitrary>], iteration_bounds = array<i64: 5>, scalar_prefetch = 0 : i64, scratch_operands = 0 : i64, tpu.core_type = #tpu.core_type<tc>, window_params = [{transform_indices = @transform_0, window_bounds = array<i64: 2, 2000, 128>}, {transform_indices = @transform_1, window_bounds = array<i64: 2000, 128>}, {transform_indices = @transform_2, window_bounds = array<i64: 2, 2000, 128>}, {pipeline_mode = #tpu.pipeline_mode<synchronous>, transform_indices = @transform_3, window_bounds = array<i64: 1, 64>}, {pipeline_mode = #tpu.pipeline_mode<synchronous>, transform_indices = @transform_4, window_bounds = array<i64: 128, 64>}, {transform_indices = @transform_5, window_bounds = array<i64: 2000, 64>}, {transform_indices = @transform_6, window_bounds = array<i64: 2000, 64>}]} {
    %get3A = arith.constant 0 : index
    %get3A_0 = arith.constant 0 : index
    %get3A_1 = arith.constant 0 : index
    %get3A_2 = vector.load %arg3[%get3A, %get3A_0, %get3A_1] : memref<2x2000x128xf32, #tpu.memory_space<vmem>>, vector<1x2000x1xf32>
    %get3A_3 = vector.shape_cast %get3A_2 : vector<1x2000x1xf32> to vector<2000x1xf32>
    %get3A_4 = arith.constant 1 : index
    %get3A_5 = arith.constant 0 : index
    %get3A_6 = arith.constant 0 : index
    %get3A_7 = vector.load %arg3[%get3A_4, %get3A_5, %get3A_6] : memref<2x2000x128xf32, #tpu.memory_space<vmem>>, vector<1x2000x1xf32>
    %get3A_8 = vector.shape_cast %get3A_7 : vector<1x2000x1xf32> to vector<2000x1xf32>
    %add3A = arith.addf %get3A_3, %get3A_8 : vector<2000x1xf32>
    %add3A_9 = arith.constant 1.000000e+00 : f32
    %add3A_10 = vector.broadcast %add3A_9 : f32 to vector<2000x1xf32>
    %add3A_11 = arith.addf %add3A, %add3A_10 : vector<2000x1xf32>
    %rsqrt3A = math.rsqrt %add3A_11 : vector<2000x1xf32>
    %get3A_12 = arith.constant 0 : index
    %get3A_13 = arith.constant 0 : index
    %get3A_14 = arith.constant 0 : index
    %get3A_15 = vector.load %arg1[%get3A_12, %get3A_13, %get3A_14] : memref<2x2000x128xf32, #tpu.memory_space<vmem>>, vector<1x2000x128xf32>
    %get3A_16 = vector.shape_cast %get3A_15 : vector<1x2000x128xf32> to vector<2000x128xf32>
    %get3A_17 = arith.constant 1 : index
    %get3A_18 = arith.constant 0 : index
    %get3A_19 = arith.constant 0 : index
    %get3A_20 = vector.load %arg1[%get3A_17, %get3A_18, %get3A_19] : memref<2x2000x128xf32, #tpu.memory_space<vmem>>, vector<1x2000x128xf32>
    %get3A_21 = vector.shape_cast %get3A_20 : vector<1x2000x128xf32> to vector<2000x128xf32>
    %add3A_22 = arith.addf %get3A_16, %get3A_21 : vector<2000x128xf32>
    %get3A_23 = arith.constant 0 : index
    %get3A_24 = arith.constant 0 : index
    %get3A_25 = vector.load %arg2[%get3A_23, %get3A_24] : memref<2000x128xf32, #tpu.memory_space<vmem>>, vector<2000x128xf32>
    %add3A_26 = arith.addf %add3A_22, %get3A_25 : vector<2000x128xf32>
    %mul3A = vector.broadcast %rsqrt3A : vector<2000x1xf32> to vector<2000x128xf32>
    %mul3A_27 = arith.mulf %add3A_26, %mul3A : vector<2000x128xf32>
    %get3A_28 = arith.constant 0 : index
    %get3A_29 = arith.constant 0 : index
    %get3A_30 = vector.load %arg5[%get3A_28, %get3A_29] : memref<128x64xf32, #tpu.memory_space<vmem>>, vector<128x64xf32>
    %dot_general3A = arith.constant dense<0.000000e+00> : vector<2000x64xf32>
    %dot_general3A_31 = tpu.matmul %mul3A_27, %get3A_30, %dot_general3A {dimension_numbers = #tpu.dot_dimension_numbers<[1], [0], [0], [1], [0, 0, 1, 1], [], []>, transpose_lhs_hint = false} : vector<2000x128xf32>, vector<128x64xf32>, vector<2000x64xf32> -> vector<2000x64xf32>
    %get3A_32 = arith.constant 0 : index
    %get3A_33 = arith.constant 0 : index
    %get3A_34 = vector.load %arg4[%get3A_32, %get3A_33] : memref<1x64xf32, #tpu.memory_space<vmem>>, vector<1x64xf32>
    %add3A_35 = vector.broadcast %get3A_34 : vector<1x64xf32> to vector<2000x64xf32>
    %add3A_36 = arith.addf %dot_general3A_31, %add3A_35 : vector<2000x64xf32>
    %reduce_max3A = arith.constant dense<0xFF800000> : vector<2000xf32>
    %reduce_max3A_37 = vector.multi_reduction <maximumf>, %add3A_36, %reduce_max3A [1] : vector<2000x64xf32> to vector<2000xf32>
    %broadcast_in_dim3A = vector.shape_cast %reduce_max3A_37 : vector<2000xf32> to vector<2000x1xf32>
    %sub3A = vector.broadcast %broadcast_in_dim3A : vector<2000x1xf32> to vector<2000x64xf32>
    %sub3A_38 = arith.subf %add3A_36, %sub3A : vector<2000x64xf32>
    %exp3A = math.exp %sub3A_38 : vector<2000x64xf32>
    %reduce_sum3A = arith.constant dense<0.000000e+00> : vector<2000xf32>
    %reduce_sum3A_39 = vector.multi_reduction <add>, %exp3A, %reduce_sum3A [1] : vector<2000x64xf32> to vector<2000xf32>
    %broadcast_in_dim3A_40 = vector.shape_cast %reduce_sum3A_39 : vector<2000xf32> to vector<2000x1xf32>
    %log3A = math.log %broadcast_in_dim3A_40 : vector<2000x1xf32>
    %add3A_41 = arith.addf %broadcast_in_dim3A, %log3A : vector<2000x1xf32>
    %swap3A = arith.constant 0 : index
    %swap3A_42 = arith.constant 0 : index
    %swap3A_43 = vector.load %arg7[%swap3A, %swap3A_42] : memref<2000x64xf32, #tpu.memory_space<vmem>>, vector<2000x64xf32>
    tpu.vector_store %arg7[%swap3A, %swap3A_42], %add3A_36 {strides = array<i32>} : memref<2000x64xf32, #tpu.memory_space<vmem>>, vector<2000x64xf32>,
    %sub3A_44 = vector.broadcast %add3A_41 : vector<2000x1xf32> to vector<2000x64xf32>
    %sub3A_45 = arith.subf %add3A_36, %sub3A_44 : vector<2000x64xf32>
    %swap3A_46 = arith.constant 0 : index
    %swap3A_47 = arith.constant 0 : index
    %swap3A_48 = vector.load %arg6[%swap3A_46, %swap3A_47] : memref<2000x64xf32, #tpu.memory_space<vmem>>, vector<2000x64xf32>
    tpu.vector_store %arg6[%swap3A_46, %swap3A_47], %sub3A_45 {strides = array<i32>} : memref<2000x64xf32, #tpu.memory_space<vmem>>, vector<2000x64xf32>,
    return
  }
  func.func @transform_0(%arg0: i32) -> (i32, i32, i32) {
    %c0_i32 = arith.constant 0 : i32
    %c0_i32_0 = arith.constant 0 : i32
    %c0_i32_1 = arith.constant 0 : i32
    return %c0_i32, %arg0, %c0_i32_0 : i32, i32, i32
  }
  func.func @transform_1(%arg0: i32) -> (i32, i32) {
    %c0_i32 = arith.constant 0 : i32
    %c0_i32_0 = arith.constant 0 : i32
    return %arg0, %c0_i32 : i32, i32
  }
  func.func @transform_2(%arg0: i32) -> (i32, i32, i32) {
    %c0_i32 = arith.constant 0 : i32
    %c0_i32_0 = arith.constant 0 : i32
    %c0_i32_1 = arith.constant 0 : i32
    return %c0_i32, %arg0, %c0_i32_0 : i32, i32, i32
  }
  func.func @transform_3(%arg0: i32) -> (i32, i32) {
    %c0_i32 = arith.constant 0 : i32
    %c0_i32_0 = arith.constant 0 : i32
    %c0_i32_1 = arith.constant 0 : i32
    return %c0_i32, %c0_i32_0 : i32, i32
  }
  func.func @transform_4(%arg0: i32) -> (i32, i32) {
    %c0_i32 = arith.constant 0 : i32
    %c0_i32_0 = arith.constant 0 : i32
    %c0_i32_1 = arith.constant 0 : i32
    return %c0_i32, %c0_i32_0 : i32, i32
  }
  func.func @transform_5(%arg0: i32) -> (i32, i32) {
    %c0_i32 = arith.constant 0 : i32
    %c0_i32_0 = arith.constant 0 : i32
    return %arg0, %c0_i32 : i32, i32
  }
  func.func @transform_6(%arg0: i32) -> (i32, i32) {
    %c0_i32 = arith.constant 0 : i32
    %c0_i32_0 = arith.constant 0 : i32
    return %arg0, %c0_i32 : i32, i32
  }
}

</mosaic_0001>

<sc_bundles>
// kernel: kernel.11.cloned.1.call-start
scs
__scs_entry_jumppad:
0x0: {  	(pc) =	sbr.rel $0x88, $3  }
0x1: {  	(tag) =	ssettag $0x0;
	lr =	simm.s32 $0x1  }
0x2: {  	[smem:$0x3F9B] =	sst lr;
	_ =	strace $0xD0000000  }
0x3: {  	_ = 	snop  }
0x4: {  	_ = 	snop  }
0x5: {  	_ = 	snop  }
0x6: {  	_ = 	snop  }
0x7: {  	_ = 	snop  }
__scs_overlays_trampoline_lowered:
0x8: {  	[smem:$0x3FAA] =	sst s0  }
0x9: {  	[smem:$0x3FAB] =	sst s1  }
0xa: {  	[smem:$0x3FAC] =	sst s2  }
0xb: {  	[smem:$0x3FAD] =	sst s3  }
0xc: {  	[smem:$0x3FAE] =	sst s4  }
0xd: {  	[smem:$0x3FAF] =	sst s5  }
0xe: {  	[smem:$0x3FB0] =	sst s6  }
0xf: {  	[smem:$0x3FB1] =	sst s7  }
0x10: {  	[smem:$0x3FB2] =	sst s8  }
0x11: {  	[smem:$0x3FB3] =	sst s9;
	s0 =	simm.s32 @!p0 $0x0  }
0x12: {  	s1 =	sld [smem:$0x3F99];
	s0 =	simm.s32 @p0 $0x1  }
0x13: {  	[smem:$0x3FB4] =	sst s0;
	s0 =	simm.s32 @!p1 $0x0  }
0x14: {  	s2 =	sld [smem:$0x3F98];
	s0 =	simm.s32 @p1 $0x1  }
0x15: {  	[smem:$0x3FB5] =	sst s0;
	s0 =	simm.s32 @!p2 $0x0  }
0x16: {  	s3 =	sld [smem:$0x3FDB];
	s0 =	simm.s32 @p2 $0x1  }
0x17: {  	s4 =	simm.s32 $0x1BF5;
	[smem:$0x3FB7] =	sst s0  }
0x18: {  	s0 =	sld [smem:$0x3F9A];
	_ =	swait.ge [sflag:s4], $0x0  }
0x19: {  	s7 =	sld [smem:$0x3F9B]  }
0x1a: {  	s8 =	sadd.s32 $0xFFFFE003, lr  }
0x1b: {  	s9 =	sadd.s32 $0xFFFFFEF7, lr;
	s5 =	simm.s32 $0xFFFFFFFF;
	p2 =	slt.u32 s8, $0xFFFFF086  }
0x1c: {  	p1 =	slt.u32 s9, $0xF7A;
	s5 =	simm.s32 @!p2 $0x0  }
0x1d: {  	s5 =	simm.s32 @p1 $0x1;
	p0 =	seq.s32 s7, s2  }
0x1e: {  	s7 =	smul.u32 @!p0 $0xF7A, s2;
	p2 =	seq.s32 @!p0 s5, $0x0  }
0x1f: {  	s9 =	smul.u32 $0xF7A, s1;
	s8 =	simm.s32 @!p0 $0x1BF5;
	p2 =	por !p2, p0  }
0x20: {  	[sflag:s8] =	ssyncset.s32 @!p0 $0xFFFFF086;
	s6 =	sadd.s32 @!p0 s3, s7;
	s7 =	simm.s32 @!p0 $0x108  }
0x21: {  	s3 =	sadd.s32 s3, s9;
	s6 =	sadd.s32 @!p0 $0x88, s6;
	s7 =	simm.s32 @p2 $0x1082  }
0x22: {  	[simem:s7], [sflag:s8] =	dma.local @!p0 [hbm:s6], $0xF7A  }
0x23: {  	s9 =	sor.u32 $0xD0000000, s2;
	s6 =	simm.s32 $0x108;
	_ =	swait.ge @!p0 [sflag:s8], $0x0  }
0x24: {  	s3 =	sadd.s32 $0x88, s3;
	s6 =	simm.s32 @!p1 $0x1082;
	[sflag:s4] =	ssyncset.s32 $0xFFFFF086  }
0x25: {  	[simem:s6], [sflag:s4] =	dma.local [hbm:s3], $0xF7A  }
0x26: {  	[smem:$0x3F9B] =	sst s1;
	(tag) =	ssettag s2;
	_ =	strace s9  }
0x27: {  	s1 =	sld [smem:$0x3FAB]  }
0x28: {  	s2 =	sld [smem:$0x3FAC]  }
0x29: {  	s4 =	sld [smem:$0x3FAE]  }
0x2a: {  	p0 =	seq.s32 s5, $0x0;
	s5 =	sld [smem:$0x3FAF]  }
0x2b: {  	s6 =	sld [smem:$0x3FB0]  }
0x2c: {  	s7 =	sld [smem:$0x3FB1]  }
0x2d: {  	s3 =	simm.s32 $0x108;
	s8 =	sld [smem:$0x3FB2]  }
0x2e: {  	s3 =	simm.s32 @!p0 $0x1082;
	s9 =	sld [smem:$0x3FB3]  }
0x2f: {  	lr =	sadd.s32 s0, s3;
	s0 =	sld [smem:$0x3FAA]  }
0x30: {  	s3 =	sld [smem:$0x3FAD]  }
0x31: {  	[smem:$0x3FB6] =	sst s10  }
0x32: {  	s10 =	sld [smem:$0x3FB4];
	_ =	sdelay $0x3  }
0x33: {  	p0 =	seq.s32 s10, $0x1;
	s10 =	sld [smem:$0x3FB6];
	_ =	sdelay $0x3  }
0x34: {  	[smem:$0x3FB6] =	sst s10  }
0x35: {  	s10 =	sld [smem:$0x3FB5];
	_ =	sdelay $0x3  }
0x36: {  	p1 =	seq.s32 s10, $0x1;
	s10 =	sld [smem:$0x3FB6];
	_ =	sdelay $0x3  }
0x37: {  	[smem:$0x3FB6] =	sst s10  }
0x38: {  	s10 =	sld [smem:$0x3FB7]  }
0x39: {  	_ = 	snop;
	(pc) =	sbr.ind lr, $3  }
0x3a: {  	_ = 	snop  }
0x3b: {  	_ = 	snop  }
0x3c: {  	p2 =	seq.s32 s10, $0x1;
	s10 =	sld [smem:$0x3FB6]  }
0x3d: {  	_ =	shalt  }
0x3e: {  	_ =	shalt  }
0x3f: {  	_ =	shalt  }
0x40: {  	_ =	shalt  }
0x41: {  	_ =	shalt  }
0x42: {  	_ =	shalt  }
0x43: {  	_ =	shalt  }
0x44: {  	_ =	shalt  }
0x45: {  	_ =	shalt  }
0x46: {  	_ =	shalt  }
0x47: {  	_ =	shalt  }
0x48: {  	_ =	shalt  }
0x49: {  	_ =	shalt  }
0x4a: {  	_ =	shalt  }
0x4b: {  	_ =	shalt  }
0x4c: {  	_ =	shalt  }
0x4d: {  	_ =	shalt  }
0x4e: {  	_ =	shalt  }
0x4f: {  	_ =	shalt  }
0x50: {  	_ =	shalt  }
0x51: {  	_ =	shalt  }
0x52: {  	_ =	shalt  }
0x53: {  	_ =	shalt  }
0x54: {  	_ =	shalt  }
0x55: {  	_ =	shalt  }
0x56: {  	_ =	shalt  }
0x57: {  	_ =	shalt  }
0x58: {  	_ =	shalt  }
0x59: {  	_ =	shalt  }
0x5a: {  	_ =	shalt  }
0x5b: {  	_ =	shalt  }
0x5c: {  	_ =	shalt  }
0x5d: {  	_ =	shalt  }
0x5e: {  	_ =	shalt  }
0x5f: {  	_ =	shalt  }
0x60: {  	_ =	shalt  }
0x61: {  	_ =	shalt  }
0x62: {  	_ =	shalt  }
0x63: {  	_ =	shalt  }
0x64: {  	_ =	shalt  }
0x65: {  	_ =	shalt  }
0x66: {  	_ =	shalt  }
0x67: {  	_ =	shalt  }
0x68: {  	_ =	shalt  }
0x69: {  	_ =	shalt  }
0x6a: {  	_ =	shalt  }
0x6b: {  	_ =	shalt  }
0x6c: {  	_ =	shalt  }
0x6d: {  	_ =	shalt  }
0x6e: {  	_ =	shalt  }
0x6f: {  	_ =	shalt  }
0x70: {  	_ =	shalt  }
0x71: {  	_ =	shalt  }
0x72: {  	_ =	shalt  }
0x73: {  	_ =	shalt  }
0x74: {  	_ =	shalt  }
0x75: {  	_ =	shalt  }
0x76: {  	_ =	shalt  }
0x77: {  	_ =	shalt  }
0x78: {  	_ =	shalt  }
0x79: {  	_ =	shalt  }
0x7a: {  	_ =	shalt  }
0x7b: {  	_ =	shalt  }
0x7c: {  	_ =	shalt  }
0x7d: {  	_ =	shalt  }
0x7e: {  	_ =	shalt  }
0x7f: {  	_ =	shalt  }
0x80: {  	_ =	shalt  }
0x81: {  	_ =	shalt  }
0x82: {  	_ =	shalt  }
0x83: {  	_ =	shalt  }
0x84: {  	_ =	shalt  }
0x85: {  	_ =	shalt  }
0x86: {  	_ =	shalt  }
0x87: {  	_ =	shalt  }
.Lfunc_end0:
.L_simem_size_0:
called_computation.1_lowered:
.L_overlay_start_0:
0x88: {  	s2 =	sld [smem:$0x3FD9]  }
0x89: {  	s3 =	sld [smem:$0x3FFE];
	_ =	sdelay $0x1  }
0x8a: {  	s1 =	srdreg.scid  }
0x8b: {  	s0 =	sand.u32 $0x1, s1  }
0x8c: {  	s14 =	sshll.u32 s0, $0xA;
	s2 =	sadd.s32 s3, s2  }
0x8d: {  	s2 =	sadd.s32 s2, s14  }
0x8e: {  	[smem:$0x3FC2] =	sst s2  }
0x8f: {  	_ = 	snop  }
0x90: {  	s2 =	sld [smem:$0x3FD0];
	_ =	sdelay $0x2  }
0x91: {  	s15 =	simm.s32 $0xA;
	s4 =	simm.s32 $0x10  }
0x92: {  	[smem:s4], [sflag:s15] =	dma.local [hbm:s2], $0x1  }
0x93: {  	_ =	swait.eq [sflag:s15], $0x1  }
0x94: {  	[sflag:s15] =	ssyncset.done $0x0  }
0x95: {  	s16 =	sld [smem:$0x10];
	[sflag:s15] =	ssyncadd.s32 $0xFFFFFFFF  }
0x96: {  	s17 =	sld [smem:$0x11];
	(tm) =	ssettm $0x1  }
0x97: {  	s18 =	sld [smem:$0x3FFB];
	_ =	sdelay $0x3  }
0x98: {  	_ =	strace s18  }
0x99: {  	s4 =	sld [smem:$0x3FFC];
	_ =	sdelay $0x3  }
0x9a: {  	_ =	strace s4  }
0x9b: {  	s4 =	sld [smem:$0x3FFD];
	_ =	sdelay $0x3  }
0x9c: {  	_ =	strace s4  }
0x9d: {  	_ =	strace $0x8FFFFFFF  }
0x9e: {  	s19 =	sld [smem:$0x3FDB];
	_ =	sdelay $0x1  }
0x9f: {  	s5 =	simm.s32 $_scs_section_size  }
0xa0: {  	s6 =	simm.s32 $_size__tile_overlayer_lowered;
	s7 =	simm.s32 $_tile_overlayer_lowered  }
0xa1: {  	s22 =	simm.s32 $0x1BFF;
	s21 =	sshll.u32 s7, $0x1;
	s4 =	sadd.s32 s5, s19  }
0xa2: {  	s8 =	simm.s32 $0x0;
	s20 =	sshll.u32 s6, $0x1;
	s6 =	sadd.s32 s21, s4  }
0xa3: {  	[timem:s8], [sflag:s22] =	dma.local [hbm:s6], s20  }
0xa4: {  	_ =	swait.ge [sflag:s22], s20  }
0xa5: {  	s5 =	ssub.s32 $0x0, s20;
	[sflag:s22] =	ssyncset.done $0x0  }
0xa6: {  	[sflag:s22] =	ssyncadd.s32 s5;
	_ =	sdelay $0x1  }
0xa7: {  	s23 =	simm.s32 $0x1B8B  }
0xa8: {  	_ =	swait.ge [sflag:s23], $0x1  }
0xa9: {  	[sflag:s23] =	ssyncset.done $0x0  }
0xaa: {  	s25 =	simm.s32 $0x1B8E;
	s24 =	sld [smem:$0x3FFE];
	[sflag:s23] =	ssyncadd.s32 $0xFFFFFFFF  }
0xab: {  	s26 =	simm.s32 $execute0_lowered;
	[smem:$0x3FD2] =	sst s25  }
0xac: {  	s6 =	sshll.u32 s26, $0x1;
	_ =	strace $0x80000049;
	[dreg:$0x1] =	wrdreg $0xFFFFFFFF  }
0xad: {  	s28 =	simm.s32 $_size_execute0_lowered;
	s4 =	sadd.s32 s4, s6;
	[dreg:$0x0] =	wrdreg $0x0  }
0xae: {  	s6 =	sshll.u32 s28, $0x1;
	[dreg:$0x2] =	wrdreg s4  }
0xaf: {  	[dreg:$0x3] =	wrdreg s6  }
0xb0: {  	[dreg:$0x4] =	wrdreg $0xC0  }
0xb1: {  	_ =	task [dreg:s8], $0x5FFFF  }
0xb2: {  	[dreg:$0x1] =	wrdreg $0xFFFFFFFF  }
0xb3: {  	[dreg:$0x0] =	wrdreg $0x60  }
0xb4: {  	[dreg:$0x2] =	wrdreg s24  }
0xb5: {  	[dreg:$0x3] =	wrdreg s17  }
0xb6: {  	[dreg:$0x4] =	wrdreg s16  }
0xb7: {  	[dreg:$0x5] =	wrdreg $0x54000  }
0xb8: {  	[dreg:$0x6] =	wrdreg $0x9  }
0xb9: {  	_ =	task.clear_ibuf [dreg:s8], $0x7FFFF;
	_ =	strace $0x90000049  }
0xba: {  	s29 =	simm.s32 $0x9;
	_ =	strace $0x8000004B  }
0xbb: {  	_ =	swait.ge [sflag:s29], $0x1  }
0xbc: {  	[sflag:s29] =	ssyncadd.s32 $0xFFFFFFFF  }
0xbd: {  	_ =	strace $0x9000004B  }
0xbe: {  	_ =	sfence  }
0xbf: {  	s30 =	sld [smem:$0x0];
	_ =	sdelay $0x2  }
0xc0: {  	s31 =	sshll.u32 s1, $0xD;
	s1 =	sshrl.u32 s1, $0x2  }
0xc1: {  	s3 =	sand.u32 $0x4000, s31;
	s1 =	sadd.s32 s1, s30  }
0xc2: {  	s0 =	sor.u32 s3, s0;
	s1 =	sshll.u32 s1, $0x11  }
0xc3: {  	s0 =	sor.u32 s1, s0  }
0xc4: {  	s0 =	sadd.s32 $0x8F2B, s0  }
0xc5: {  	[sflag:s0] =	ssyncadd.remote.s32 $0x1  }
0xc6: {  	_ =	sfence.sel $0xFFFF  }
0xc7: {  	[dreg:$0x0] =	wrdreg $0xFFFFFFFF;
	(pc) =	sbr.abs _section_cstart, $3  }
0xc8: {  	[dreg:$0x1] =	wrdreg $0xFFFFFFFF  }
0xc9: {  	_ =	task.clear_ibuf [dreg:s8], $0x2FFFF;
	_ =	strace $0x9FFFFFFF  }
0xca: {  	(tm) =	ssettm $0x7FFFFFFF  }
0xcb: {  	_ =	shalt  }
tec
execute0_lowered:
.L_overlay_start_1:
0x0: {  	(tag) =	ssettag $0x1  }
0x1: {  	s1 =	rddreg [dreg:$0x0]  }
0x2: {  	s0 =	rddreg [dreg:$0x1]  }
0x3: {  	s3 =	rddreg [dreg:$0x2];
	s2 =	srdreg.scid  }
0x4: {  	s4 =	rddreg [dreg:$0x3];
	s11 =	stileid.u32  }
0x5: {  	s5 =	simm.s32 $0x0;
	s28 =	simm.s32 $0x80;
	s29 =	simm.s32 $0x280  }
0x6: {  	s30 =	simm.s32 $0x1;
	s31 =	simm.s32 $0x50;
	s8 =	smul.u32 $0x14000, s11  }
0x7: {  	s2 =	sand.u32 $0x1, s2;
	[smem:$0x7FF] =	sst s5;
	s10 =	smul.u32 $0x50000, s11  }
0x8: {  	s6 =	sadd.s32 $0x55600, s1;
	s18 =	sadd.s32 $0x2E00, s1;
	s25 =	smul.u32 $0x4E20, s11  }
0x9: {  	s19 =	sshll.u32 s11, $0x1;
	s7 =	smul.u32 $0x140000, s2;
	s9 =	ssub.s32 $0x2, s2  }
0xa: {  	_ =	strace $0x8000004A;
	[dreg:$0x9] =	wrdreg s18;
	s20 =	sshrl.u32 s9, $0x1  }
0xb: {  	s7 =	sadd.s32 s8, s7;
	s8 =	sor.u32 s2, s19;
	s2 =	smul.u32 $0x2710, s2  }
0xc: {  	s21 =	sshrl.u32 s10, $0x2;
	s7 =	sshrl.u32 s7, $0x3;
	s8 =	smul.u32 $0x2710, s8  }
0xd: {  	s1 =	sadd.s32 s7, s1;
	s7 =	ssub.s32 s9, s20;
	s9 =	sadd.s32 s21, s4  }
0xe: {  	s22 =	sshll.u32 s11, $0x6;
	s2 =	sadd.s32 s2, s25;
	[dreg:$0xa] =	wrdreg s9  }
0xf: {  	s9 =	sor.u32 $0x1C04, s22;
	s8 =	sshrl.u32 s8, $0x3;
	s17 =	sadd.s32 $0x230, s2  }
0x10: {  	s20 =	sadd.s32 $0x1E0, s2;
	s1 =	sadd.s32 $0x7C800, s1;
	s25 =	sadd.s32 $0x190, s2  }
0x11: {  	s23 =	sadd.s32 s0, s8;
	s24 =	sadd.s32 s3, s8;
	[dreg:$0x15] =	wrdreg s1  }
0x12: {  	s26 =	sadd.s32 $0xA, s8;
	s12 =	sadd.s32 $0x14, s8;
	[dreg:$0xb] =	wrdreg s23  }
0x13: {  	s15 =	sadd.s32 $0x1E, s8;
	[dreg:$0xc] =	wrdreg s24;
	s13 =	sadd.s32 s0, s26  }
0x14: {  	s8 =	sadd.s32 $0x4D8, s8;
	s11 =	sadd.s32 s3, s26;
	[dreg:$0xd] =	wrdreg s13  }
0x15: {  	s10 =	sshrl.u32 s17, $0x3;
	s14 =	sadd.s32 s3, s12;
	[dreg:$0xe] =	wrdreg s11  }
0x16: {  	s22 =	sshrl.u32 s20, $0x3;
	s16 =	sadd.s32 s0, s15;
	[dreg:$0x10] =	wrdreg s14  }
0x17: {  	s1 =	simm.s32 $0x400;
	s18 =	sadd.s32 s0, s8;
	[dreg:$0x11] =	wrdreg s16  }
0x18: {  	s8 =	sadd.s32 s3, s8;
	s19 =	sadd.s32 s10, s3;
	[dreg:$0x13] =	wrdreg s18  }
0x19: {  	s21 =	sadd.s32 s10, s0;
	s23 =	sadd.s32 s22, s3;
	[dreg:$0x14] =	wrdreg s8  }
0x1a: {  	s24 =	sadd.s32 s22, s0;
	s26 =	sshrl.u32 s25, $0x3;
	[dreg:$0x5] =	wrdreg s19  }
0x1b: {  	s25 =	simm.s32 $0x4;
	s10 =	simm.s32 $0x2C00;
	[dreg:$0x6] =	wrdreg s21  }
0x1c: {  	s13 =	sadd.s32 s0, s12;
	s11 =	sadd.s32 s3, s15;
	[dreg:$0x7] =	wrdreg s23  }
0x1d: {  	s21 =	smax.u32 s7, $0x1;
	[dreg:$0x8] =	wrdreg s24;
	s22 =	sadd.s32 s26, s3  }
0x1e: {  	s23 =	sadd.s32 s26, s0;
	s24 =	sadd.s32 $0x140, s2;
	s26 =	simm.s32 $0x200  }
0x1f: {  	s2 =	simm.s32 $0x2;
	s7 =	simm.s32 $0x100;
	s8 =	simm.s32 $0x300  }
0x20: {  	s12 =	simm.s32 $0x180;
	s14 =	simm.s32 $0x0;
	[dreg:$0xf] =	wrdreg s13  }
0x21: {  	[dreg:$0x12] =	wrdreg s11;
	s11 =	simm.s32 $0x3;
	s13 =	simm.s32 $0x380  }
.LBB2_1:
0x22: {  	s15 =	rddreg [dreg:$0xa]  }
0x23: {  	s16 =	rddreg [dreg:$0x9];
	s15 =	sshrl.u32 s15, $0x3  }
0x24: {  	[spmem:s15], [sflag:s9] =	dma.local [hbm:s16], $0x2800  }
0x25: {  	_ =	swait.ge [sflag:s25], $0x2800  }
0x26: {  	[sflag:s25] =	ssyncset.done $0x0  }
0x27: {  	[sflag:s25] =	ssyncadd.s32 $0xFFFFD800  }
0x28: {  	[bflag:$0x0] =	sbarrier.arrive $0xFFFF  }
0x29: {  	s20 =	rddreg [dreg:$0xb]  }
0x2a: {  	[tilespmem:s5], [sflag:$0x1] =	stream.linear.gather [hbm4b:s20+s5], $0x50, $0x38;
	[tilespmem:$0x19400] =	vst v63  }
0x2b: {  	s17 =	rddreg [dreg:$0xc]  }
0x2c: {  	[tilespmem:s26], [sflag:$0x1] =	stream.linear.gather [hbm4b:s17+s5], $0x50, $0x38;
	[tilespmem:$0x19400] =	vst v63  }
0x2d: {  	s18 =	rddreg [dreg:$0xd]  }
0x2e: {  	[tilespmem:s28], [sflag:$0x1] =	stream.linear.gather [hbm4b:s18+s5], $0x50, $0x38;
	[tilespmem:$0x19400] =	vst v63  }
0x2f: {  	s19 =	rddreg [dreg:$0xe]  }
0x30: {  	[tilespmem:s29], [sflag:$0x1] =	stream.linear.gather [hbm4b:s19+s5], $0x50, $0x38;
	[tilespmem:$0x19400] =	vst v63  }
0x31: {  	_ =	swait.ge [sflag:s30], $0x50  }
0x32: {  	[sflag:s30] =	ssyncset.done $0x0  }
0x33: {  	[sflag:s30] =	ssyncadd.s32 $0xFFFFFFB0  }
0x34: {  	_ =	swait.ge [sflag:s30], $0x50  }
0x35: {  	[sflag:s30] =	ssyncset.done $0x0  }
0x36: {  	[sflag:s30] =	ssyncadd.s32 $0xFFFFFFB0  }
0x37: {  	[tilespmem:s1], [sflag:$0x2] =	stream.indirect.gather [hbm4b:s6+s31], $0x80, s5, s31, $0xb8;
	[tilespmem:$0x19400] =	vst v63  }
0x38: {  	_ =	swait.ge [sflag:s30], $0x50  }
0x39: {  	[sflag:s30] =	ssyncset.done $0x0  }
0x3a: {  	[sflag:s30] =	ssyncadd.s32 $0xFFFFFFB0  }
0x3b: {  	_ =	swait.ge [sflag:s30], $0x50  }
0x3c: {  	[sflag:s30] =	ssyncset.done $0x0  }
0x3d: {  	[sflag:s30] =	ssyncadd.s32 $0xFFFFFFB0  }
0x3e: {  	_ =	swait.ge [sflag:s2], $0x2800  }
0x3f: {  	[sflag:s2] =	ssyncset.done $0x0  }
0x40: {  	[sflag:s2] =	ssyncadd.s32 $0xFFFFD800  }
0x41: {  	[spmem:s4] =	stream.indirect.scatter.add.f32 [tilespmem:s1], [sflag:$0x3], $0x80, s26, s31, $0xb8;
	[tilespmem:$0x19400] =	vst v63  }
0x42: {  	s20 =	rddreg [dreg:$0xf]  }
0x43: {  	[tilespmem:s7], [sflag:$0x1] =	stream.linear.gather [hbm4b:s20+s5], $0x50, $0x38;
	[tilespmem:$0x19400] =	vst v63  }
0x44: {  	s17 =	rddreg [dreg:$0x10]  }
0x45: {  	[tilespmem:s8], [sflag:$0x1] =	stream.linear.gather [hbm4b:s17+s5], $0x50, $0x38;
	[tilespmem:$0x19400] =	vst v63  }
0x46: {  	_ = 	snop  }
0x47: {  	[tilespmem:s10], [sflag:$0x2] =	stream.indirect.gather [hbm4b:s6+s31], $0x80, s28, s31, $0xb8;
	[tilespmem:$0x19400] =	vst v63  }
0x48: {  	_ =	swait.ge [sflag:s30], $0x50  }
0x49: {  	[sflag:s30] =	ssyncset.done $0x0  }
0x4a: {  	[sflag:s30] =	ssyncadd.s32 $0xFFFFFFB0  }
0x4b: {  	_ =	swait.ge [sflag:s30], $0x50  }
0x4c: {  	[sflag:s30] =	ssyncset.done $0x0  }
0x4d: {  	[sflag:s30] =	ssyncadd.s32 $0xFFFFFFB0  }
0x4e: {  	_ =	swait.ge [sflag:s2], $0x2800  }
0x4f: {  	[sflag:s2] =	ssyncset.done $0x0  }
0x50: {  	[sflag:s2] =	ssyncadd.s32 $0xFFFFD800  }
0x51: {  	[spmem:s4] =	stream.indirect.scatter.add.f32 [tilespmem:s10], [sflag:$0x3], $0x80, s29, s31, $0xb8;
	[tilespmem:$0x19400] =	vst v63  }
0x52: {  	_ =	swait.ge [sflag:s11], $0x2800  }
0x53: {  	[sflag:s11] =	ssyncset.done $0x0  }
0x54: {  	s18 =	rddreg [dreg:$0x11];
	[sflag:s11] =	ssyncadd.s32 $0xFFFFD800  }
0x55: {  	[tilespmem:s12], [sflag:$0x1] =	stream.linear.gather [hbm4b:s18+s5], $0x50, $0x38;
	[tilespmem:$0x19400] =	vst v63  }
0x56: {  	s19 =	rddreg [dreg:$0x12]  }
0x57: {  	[tilespmem:s13], [sflag:$0x1] =	stream.linear.gather [hbm4b:s19+s5], $0x50, $0x38;
	[tilespmem:$0x19400] =	vst v63  }
0x58: {  	_ = 	snop  }
0x59: {  	[tilespmem:s1], [sflag:$0x2] =	stream.indirect.gather [hbm4b:s6+s31], $0x80, s7, s31, $0xb8;
	[tilespmem:$0x19400] =	vst v63  }
0x5a: {  	_ =	swait.ge [sflag:s30], $0x50  }
0x5b: {  	[sflag:s30] =	ssyncset.done $0x0  }
0x5c: {  	[sflag:s30] =	ssyncadd.s32 $0xFFFFFFB0  }
0x5d: {  	_ =	swait.ge [sflag:s30], $0x50  }
0x5e: {  	[sflag:s30] =	ssyncset.done $0x0  }
0x5f: {  	[sflag:s30] =	ssyncadd.s32 $0xFFFFFFB0  }
0x60: {  	_ =	swait.ge [sflag:s2], $0x2800  }
0x61: {  	[sflag:s2] =	ssyncset.done $0x0  }
0x62: {  	[sflag:s2] =	ssyncadd.s32 $0xFFFFD800  }
0x63: {  	[spmem:s4] =	stream.indirect.scatter.add.f32 [tilespmem:s1], [sflag:$0x3], $0x80, s8, s31, $0xb8;
	[tilespmem:$0x19400] =	vst v63  }
0x64: {  	_ =	swait.ge [sflag:s11], $0x2800  }
0x65: {  	s20 =	sshrl.u32 s24, $0x3;
	[sflag:s11] =	ssyncset.done $0x0  }
0x66: {  	s17 =	sadd.s32 s0, s20;
	[sflag:s11] =	ssyncadd.s32 $0xFFFFD800  }
0x67: {  	[tilespmem:s5], [sflag:$0x1] =	stream.linear.gather [hbm4b:s17+s5], $0x50, $0x38;
	[tilespmem:$0x19400] =	vst v63  }
0x68: {  	s16 =	sadd.s32 s3, s20  }
0x69: {  	[tilespmem:s26], [sflag:$0x1] =	stream.linear.gather [hbm4b:s16+s5], $0x50, $0x38;
	[tilespmem:$0x19400] =	vst v63  }
0x6a: {  	_ = 	snop  }
0x6b: {  	[tilespmem:s10], [sflag:$0x2] =	stream.indirect.gather [hbm4b:s6+s31], $0x80, s12, s31, $0xb8;
	[tilespmem:$0x19400] =	vst v63  }
0x6c: {  	_ =	swait.ge [sflag:s30], $0x50  }
0x6d: {  	[sflag:s30] =	ssyncset.done $0x0  }
0x6e: {  	[sflag:s30] =	ssyncadd.s32 $0xFFFFFFB0  }
0x6f: {  	_ =	swait.ge [sflag:s30], $0x50  }
0x70: {  	[sflag:s30] =	ssyncset.done $0x0  }
0x71: {  	[sflag:s30] =	ssyncadd.s32 $0xFFFFFFB0  }
0x72: {  	_ =	swait.ge [sflag:s2], $0x2800  }
0x73: {  	[sflag:s2] =	ssyncset.done $0x0  }
0x74: {  	[sflag:s2] =	ssyncadd.s32 $0xFFFFD800  }
0x75: {  	[spmem:s4] =	stream.indirect.scatter.add.f32 [tilespmem:s10], [sflag:$0x3], $0x80, s13, s31, $0xb8;
	[tilespmem:$0x19400] =	vst v63  }
0x76: {  	_ =	swait.ge [sflag:s11], $0x2800  }
0x77: {  	[sflag:s11] =	ssyncset.done $0x0  }
0x78: {  	s17 =	sadd.s32 $0x0, s23;
	[sflag:s11] =	ssyncadd.s32 $0xFFFFD800  }
0x79: {  	[tilespmem:s28], [sflag:$0x1] =	stream.linear.gather [hbm4b:s17+s5], $0x50, $0x38;
	[tilespmem:$0x19400] =	vst v63  }
0x7a: {  	s18 =	sadd.s32 $0x0, s22  }
0x7b: {  	[tilespmem:s29], [sflag:$0x1] =	stream.linear.gather [hbm4b:s18+s5], $0x50, $0x38;
	[tilespmem:$0x19400] =	vst v63  }
0x7c: {  	_ = 	snop  }
0x7d: {  	[tilespmem:s1], [sflag:$0x2] =	stream.indirect.gather [hbm4b:s6+s31], $0x80, s5, s31, $0xb8;
	[tilespmem:$0x19400] =	vst v63  }
0x7e: {  	_ =	swait.ge [sflag:s30], $0x50  }
0x7f: {  	[sflag:s30] =	ssyncset.done $0x0  }
0x80: {  	[sflag:s30] =	ssyncadd.s32 $0xFFFFFFB0  }
0x81: {  	_ =	swait.ge [sflag:s30], $0x50  }
0x82: {  	[sflag:s30] =	ssyncset.done $0x0  }
0x83: {  	[sflag:s30] =	ssyncadd.s32 $0xFFFFFFB0  }
0x84: {  	_ =	swait.ge [sflag:s2], $0x2800  }
0x85: {  	[sflag:s2] =	ssyncset.done $0x0  }
0x86: {  	[sflag:s2] =	ssyncadd.s32 $0xFFFFD800  }
0x87: {  	[spmem:s4] =	stream.indirect.scatter.add.f32 [tilespmem:s1], [sflag:$0x3], $0x80, s26, s31, $0xb8;
	[tilespmem:$0x19400] =	vst v63  }
0x88: {  	_ =	swait.ge [sflag:s11], $0x2800  }
0x89: {  	s19 =	rddreg [dreg:$0x8];
	[sflag:s11] =	ssyncset.done $0x0  }
0x8a: {  	s20 =	rddreg [dreg:$0x7];
	[sflag:s11] =	ssyncadd.s32 $0xFFFFD800;
	s16 =	sadd.s32 $0x0, s19  }
0x8b: {  	[tilespmem:s7], [sflag:$0x1] =	stream.linear.gather [hbm4b:s16+s5], $0x50, $0x38;
	[tilespmem:$0x19400] =	vst v63  }
0x8c: {  	s17 =	sadd.s32 $0x0, s20  }
0x8d: {  	[tilespmem:s8], [sflag:$0x1] =	stream.linear.gather [hbm4b:s17+s5], $0x50, $0x38;
	[tilespmem:$0x19400] =	vst v63  }
0x8e: {  	_ = 	snop  }
0x8f: {  	[tilespmem:s10], [sflag:$0x2] =	stream.indirect.gather [hbm4b:s6+s31], $0x80, s28, s31, $0xb8;
	[tilespmem:$0x19400] =	vst v63  }
0x90: {  	_ =	swait.ge [sflag:s30], $0x50  }
0x91: {  	[sflag:s30] =	ssyncset.done $0x0  }
0x92: {  	[sflag:s30] =	ssyncadd.s32 $0xFFFFFFB0  }
0x93: {  	_ =	swait.ge [sflag:s30], $0x50  }
0x94: {  	[sflag:s30] =	ssyncset.done $0x0  }
0x95: {  	[sflag:s30] =	ssyncadd.s32 $0xFFFFFFB0  }
0x96: {  	_ =	swait.ge [sflag:s2], $0x2800  }
0x97: {  	[sflag:s2] =	ssyncset.done $0x0  }
0x98: {  	[sflag:s2] =	ssyncadd.s32 $0xFFFFD800  }
0x99: {  	[spmem:s4] =	stream.indirect.scatter.add.f32 [tilespmem:s10], [sflag:$0x3], $0x80, s29, s31, $0xb8;
	[tilespmem:$0x19400] =	vst v63  }
0x9a: {  	_ =	swait.ge [sflag:s11], $0x2800  }
0x9b: {  	s18 =	rddreg [dreg:$0x6];
	[sflag:s11] =	ssyncset.done $0x0  }
0x9c: {  	s19 =	rddreg [dreg:$0x5];
	[sflag:s11] =	ssyncadd.s32 $0xFFFFD800;
	s16 =	sadd.s32 $0x0, s18  }
0x9d: {  	[tilespmem:s12], [sflag:$0x1] =	stream.linear.gather [hbm4b:s16+s5], $0x50, $0x38;
	[tilespmem:$0x19400] =	vst v63  }
0x9e: {  	s17 =	sadd.s32 $0x140, s24;
	s20 =	sadd.s32 $0x0, s19;
	s16 =	simm.s32 $0x28  }
0x9f: {  	[tilespmem:s13], [sflag:$0x1] =	stream.linear.gather [hbm4b:s20+s5], $0x50, $0x38;
	[tilespmem:$0x19400] =	vst v63  }
.LBB2_2:
0xa0: {  	[tilespmem:s1], [sflag:$0x2] =	stream.indirect.gather [hbm4b:s6+s31], $0x80, s7, s31, $0xb8;
	[tilespmem:$0x19400] =	vst v63  }
0xa1: {  	_ =	swait.ge [sflag:s30], $0x50  }
0xa2: {  	[sflag:s30] =	ssyncset.done $0x0  }
0xa3: {  	[sflag:s30] =	ssyncadd.s32 $0xFFFFFFB0  }
0xa4: {  	_ =	swait.ge [sflag:s30], $0x50  }
0xa5: {  	[sflag:s30] =	ssyncset.done $0x0  }
0xa6: {  	[sflag:s30] =	ssyncadd.s32 $0xFFFFFFB0  }
0xa7: {  	_ =	swait.ge [sflag:s2], $0x2800  }
0xa8: {  	[sflag:s2] =	ssyncset.done $0x0  }
0xa9: {  	[sflag:s2] =	ssyncadd.s32 $0xFFFFD800  }
0xaa: {  	[spmem:s4] =	stream.indirect.scatter.add.f32 [tilespmem:s1], [sflag:$0x3], $0x80, s8, s31, $0xb8;
	[tilespmem:$0x19400] =	vst v63  }
0xab: {  	_ =	swait.ge [sflag:s11], $0x2800  }
0xac: {  	s19 =	sshrl.u32 s17, $0x3;
	[sflag:s11] =	ssyncset.done $0x0  }
0xad: {  	s20 =	sadd.s32 s0, s19;
	[sflag:s11] =	ssyncadd.s32 $0xFFFFD800  }
0xae: {  	[tilespmem:s5], [sflag:$0x1] =	stream.linear.gather [hbm4b:s20+s5], $0x50, $0x38;
	[tilespmem:$0x19400] =	vst v63  }
0xaf: {  	s19 =	sadd.s32 s3, s19  }
0xb0: {  	[tilespmem:s26], [sflag:$0x1] =	stream.linear.gather [hbm4b:s19+s5], $0x50, $0x38;
	[tilespmem:$0x19400] =	vst v63  }
0xb1: {  	_ = 	snop  }
0xb2: {  	[tilespmem:s10], [sflag:$0x2] =	stream.indirect.gather [hbm4b:s6+s31], $0x80, s12, s31, $0xb8;
	[tilespmem:$0x19400] =	vst v63  }
0xb3: {  	_ =	swait.ge [sflag:s30], $0x50  }
0xb4: {  	[sflag:s30] =	ssyncset.done $0x0  }
0xb5: {  	[sflag:s30] =	ssyncadd.s32 $0xFFFFFFB0  }
0xb6: {  	_ =	swait.ge [sflag:s30], $0x50  }
0xb7: {  	[sflag:s30] =	ssyncset.done $0x0  }
0xb8: {  	[sflag:s30] =	ssyncadd.s32 $0xFFFFFFB0  }
0xb9: {  	_ =	swait.ge [sflag:s2], $0x2800  }
0xba: {  	[sflag:s2] =	ssyncset.done $0x0  }
0xbb: {  	[sflag:s2] =	ssyncadd.s32 $0xFFFFD800  }
0xbc: {  	[spmem:s4] =	stream.indirect.scatter.add.f32 [tilespmem:s10], [sflag:$0x3], $0x80, s13, s31, $0xb8;
	[tilespmem:$0x19400] =	vst v63  }
0xbd: {  	_ =	swait.ge [sflag:s11], $0x2800  }
0xbe: {  	s18 =	smov.u32 s16;
	[sflag:s11] =	ssyncset.done $0x0  }
0xbf: {  	s20 =	sadd.s32 s18, s23;
	[sflag:s11] =	ssyncadd.s32 $0xFFFFD800  }
0xc0: {  	[tilespmem:s28], [sflag:$0x1] =	stream.linear.gather [hbm4b:s20+s5], $0x50, $0x38;
	[tilespmem:$0x19400] =	vst v63  }
0xc1: {  	s20 =	sadd.s32 s18, s22  }
0xc2: {  	[tilespmem:s29], [sflag:$0x1] =	stream.linear.gather [hbm4b:s20+s5], $0x50, $0x38;
	[tilespmem:$0x19400] =	vst v63  }
0xc3: {  	_ = 	snop  }
0xc4: {  	[tilespmem:s1], [sflag:$0x2] =	stream.indirect.gather [hbm4b:s6+s31], $0x80, s5, s31, $0xb8;
	[tilespmem:$0x19400] =	vst v63  }
0xc5: {  	_ =	swait.ge [sflag:s30], $0x50  }
0xc6: {  	[sflag:s30] =	ssyncset.done $0x0  }
0xc7: {  	[sflag:s30] =	ssyncadd.s32 $0xFFFFFFB0  }
0xc8: {  	_ =	swait.ge [sflag:s30], $0x50  }
0xc9: {  	[sflag:s30] =	ssyncset.done $0x0  }
0xca: {  	[sflag:s30] =	ssyncadd.s32 $0xFFFFFFB0  }
0xcb: {  	_ =	swait.ge [sflag:s2], $0x2800  }
0xcc: {  	[sflag:s2] =	ssyncset.done $0x0  }
0xcd: {  	[sflag:s2] =	ssyncadd.s32 $0xFFFFD800  }
0xce: {  	[spmem:s4] =	stream.indirect.scatter.add.f32 [tilespmem:s1], [sflag:$0x3], $0x80, s26, s31, $0xb8;
	[tilespmem:$0x19400] =	vst v63  }
0xcf: {  	_ =	swait.ge [sflag:s11], $0x2800  }
0xd0: {  	s19 =	rddreg [dreg:$0x8];
	[sflag:s11] =	ssyncset.done $0x0  }
0xd1: {  	s20 =	rddreg [dreg:$0x7];
	[sflag:s11] =	ssyncadd.s32 $0xFFFFD800;
	s19 =	sadd.s32 s18, s19  }
0xd2: {  	[tilespmem:s7], [sflag:$0x1] =	stream.linear.gather [hbm4b:s19+s5], $0x50, $0x38;
	[tilespmem:$0x19400] =	vst v63  }
0xd3: {  	s20 =	sadd.s32 s18, s20  }
0xd4: {  	[tilespmem:s8], [sflag:$0x1] =	stream.linear.gather [hbm4b:s20+s5], $0x50, $0x38;
	[tilespmem:$0x19400] =	vst v63  }
0xd5: {  	_ = 	snop  }
0xd6: {  	[tilespmem:s10], [sflag:$0x2] =	stream.indirect.gather [hbm4b:s6+s31], $0x80, s28, s31, $0xb8;
	[tilespmem:$0x19400] =	vst v63  }
0xd7: {  	_ =	swait.ge [sflag:s30], $0x50  }
0xd8: {  	[sflag:s30] =	ssyncset.done $0x0  }
0xd9: {  	[sflag:s30] =	ssyncadd.s32 $0xFFFFFFB0  }
0xda: {  	_ =	swait.ge [sflag:s30], $0x50  }
0xdb: {  	[sflag:s30] =	ssyncset.done $0x0  }
0xdc: {  	[sflag:s30] =	ssyncadd.s32 $0xFFFFFFB0  }
0xdd: {  	_ =	swait.ge [sflag:s2], $0x2800  }
0xde: {  	[sflag:s2] =	ssyncset.done $0x0  }
0xdf: {  	[sflag:s2] =	ssyncadd.s32 $0xFFFFD800  }
0xe0: {  	[spmem:s4] =	stream.indirect.scatter.add.f32 [tilespmem:s10], [sflag:$0x3], $0x80, s29, s31, $0xb8;
	[tilespmem:$0x19400] =	vst v63  }
0xe1: {  	p0 =	sne.s32 s16, $0x488;
	_ =	swait.ge [sflag:s11], $0x2800  }
.Ltmp0:
0xe2: {  	s19 =	rddreg [dreg:$0x6];
	[sflag:s11] =	ssyncset.done $0x0;
	(pc) =	sbr.rel @p0 .LBB2_2-.Ltmp0, $4  }
0xe3: {  	s20 =	rddreg [dreg:$0x5];
	[sflag:s11] =	ssyncadd.s32 $0xFFFFD800;
	s19 =	sadd.s32 s18, s19  }
0xe4: {  	[tilespmem:s12], [sflag:$0x1] =	stream.linear.gather [hbm4b:s19+s5], $0x50, $0x38;
	[tilespmem:$0x19400] =	vst v63  }
0xe5: {  	s16 =	sadd.s32 $0x28, s16;
	s17 =	sadd.s32 $0x140, s17;
	s18 =	sadd.s32 s18, s20  }
0xe6: {  	[tilespmem:s13], [sflag:$0x1] =	stream.linear.gather [hbm4b:s18+s5], $0x50, $0x38;
	[tilespmem:$0x19400] =	vst v63  }
0xe7: {  	[tilespmem:s1], [sflag:$0x2] =	stream.indirect.gather [hbm4b:s6+s31], $0x80, s7, s31, $0xb8;
	[tilespmem:$0x19400] =	vst v63  }
0xe8: {  	_ =	swait.ge [sflag:s30], $0x50  }
0xe9: {  	[sflag:s30] =	ssyncset.done $0x0  }
0xea: {  	[sflag:s30] =	ssyncadd.s32 $0xFFFFFFB0  }
0xeb: {  	_ =	swait.ge [sflag:s30], $0x50  }
0xec: {  	[sflag:s30] =	ssyncset.done $0x0  }
0xed: {  	[sflag:s30] =	ssyncadd.s32 $0xFFFFFFB0  }
0xee: {  	_ =	swait.ge [sflag:s2], $0x2800  }
0xef: {  	[sflag:s2] =	ssyncset.done $0x0  }
0xf0: {  	[sflag:s2] =	ssyncadd.s32 $0xFFFFD800  }
0xf1: {  	[spmem:s4] =	stream.indirect.scatter.add.f32 [tilespmem:s1], [sflag:$0x3], $0x80, s8, s31, $0xb8;
	[tilespmem:$0x19400] =	vst v63  }
0xf2: {  	_ =	swait.ge [sflag:s11], $0x2800  }
0xf3: {  	[sflag:s11] =	ssyncset.done $0x0  }
0xf4: {  	s16 =	rddreg [dreg:$0x13];
	[sflag:s11] =	ssyncadd.s32 $0xFFFFD800  }
0xf5: {  	[tilespmem:s5], [sflag:$0x1] =	stream.linear.gather [hbm4b:s16+s5], $0x50, $0x38;
	[tilespmem:$0x19400] =	vst v63  }
0xf6: {  	s19 =	rddreg [dreg:$0x14]  }
0xf7: {  	[tilespmem:s26], [sflag:$0x1] =	stream.linear.gather [hbm4b:s19+s5], $0x50, $0x38;
	[tilespmem:$0x19400] =	vst v63  }
0xf8: {  	_ = 	snop  }
0xf9: {  	[tilespmem:s10], [sflag:$0x2] =	stream.indirect.gather [hbm4b:s6+s31], $0x80, s12, s31, $0xb8;
	[tilespmem:$0x19400] =	vst v63  }
0xfa: {  	_ =	swait.ge [sflag:s30], $0x50  }
0xfb: {  	[sflag:s30] =	ssyncset.done $0x0  }
0xfc: {  	[sflag:s30] =	ssyncadd.s32 $0xFFFFFFB0  }
0xfd: {  	_ =	swait.ge [sflag:s30], $0x50  }
0xfe: {  	[sflag:s30] =	ssyncset.done $0x0  }
0xff: {  	[sflag:s30] =	ssyncadd.s32 $0xFFFFFFB0  }
0x100: {  	_ =	swait.ge [sflag:s2], $0x2800  }
0x101: {  	[sflag:s2] =	ssyncset.done $0x0  }
0x102: {  	[sflag:s2] =	ssyncadd.s32 $0xFFFFD800  }
0x103: {  	[spmem:s4] =	stream.indirect.scatter.add.f32 [tilespmem:s10], [sflag:$0x3], $0x80, s13, s31, $0xb8;
	[tilespmem:$0x19400] =	vst v63  }
0x104: {  	_ =	swait.ge [sflag:s11], $0x2800  }
0x105: {  	[sflag:s11] =	ssyncset.done $0x0  }
0x106: {  	[sflag:s11] =	ssyncadd.s32 $0xFFFFD800  }
0x107: {  	[tilespmem:s1], [sflag:$0x2] =	stream.indirect.gather [hbm4b:s6+s31], $0x80, s5, s31, $0xb8;
	[tilespmem:$0x19400] =	vst v63  }
0x108: {  	_ =	swait.ge [sflag:s2], $0x2800  }
0x109: {  	[sflag:s2] =	ssyncset.done $0x0  }
0x10a: {  	[sflag:s2] =	ssyncadd.s32 $0xFFFFD800  }
0x10b: {  	[spmem:s4] =	stream.indirect.scatter.add.f32 [tilespmem:s1], [sflag:$0x3], $0x80, s26, s31, $0xb8;
	[tilespmem:$0x19400] =	vst v63  }
0x10c: {  	_ =	swait.ge [sflag:s11], $0x2800  }
0x10d: {  	[sflag:s11] =	ssyncset.done $0x0  }
0x10e: {  	[sflag:s11] =	ssyncadd.s32 $0xFFFFD800  }
0x10f: {  	_ =	swait.ge [sflag:s11], $0x2800  }
0x110: {  	[sflag:s11] =	ssyncset.done $0x0  }
0x111: {  	s14 =	sadd.s32 $0x1, s14;
	[sflag:s11] =	ssyncadd.s32 $0xFFFFD800  }
0x112: {  	p0 =	sne.s32 s14, s21;
	[bflag:$0x0] =	sbarrier.arrive $0xFFFF  }
.Ltmp1:
0x113: {  	s20 =	rddreg [dreg:$0x15];
	(pc) =	sbr.rel @p0 .LBB2_1-.Ltmp1, $4  }
0x114: {  	[hbm:s20], [sflag:s9] =	dma.local [spmem:s15], $0x2800  }
0x115: {  	_ =	swait.ge [sflag:s25], $0x2800  }
0x116: {  	[sflag:s25] =	ssyncset.done $0x0  }
0x117: {  	[sflag:s25] =	ssyncadd.s32 $0xFFFFD800  }
0x118: {  	_ =	sfence.sel $0x180000  }
0x119: {  	[bflag:$0x0] =	sbarrier.arrive $0xFFFF  }
0x11a: {  	_ =	strace $0x9000004A  }
0x11b: {  	s0 =	stileid.u32;
	[bflag:$0x2] =	sbarrier.arrive $0xFFFF  }
0x11c: {  	p0 =	sne.s32 s0, $0x0;
	s0 =	rddreg [dreg:$0x4]  }
0x11d: {  	s0 =	sadd.s32 @!p0 $0x100000, s0  }
0x11e: {  	[sflag:s0] =	ssyncadd.tile.s32 @!p0 $0x1;
	_ =	shalt  }
.Lfunc_end2:
_tile_overlayer_lowered:
.L_overlay_start_2:
0x11f: {  	(tag) =	ssettag $0x2  }
0x120: {  	s0 =	rddreg [dreg:$0x0];
	s2 =	stileid.u32  }
0x121: {  	s1 =	rddreg [dreg:$0x1];
	p0 =	sne.s32 s2, $0x0  }
0x122: {  	s3 =	rddreg [dreg:$0x2];
	[bflag:$0x3] =	sbarrier.arrive $0xFFFF;
	s2 =	simm.s32 @!p0 $0x1C04  }
0x123: {  	[timem:s3], [sflag:s2] =	dma.local @!p0 [hbm:s0], s1  }
0x124: {  	s0 =	simm.s32 @!p0 $0x4  }
0x125: {  	_ =	swait.ge @!p0 [sflag:s0], s1  }
0x126: {  	s1 =	ssub.s32 @!p0 $0x0, s1;
	[sflag:s0] =	ssyncset.done @!p0 $0x0  }
0x127: {  	[sflag:s0] =	ssyncadd.s32 @!p0 s1  }
0x128: {  	[bflag:$0x3] =	sbarrier.arrive $0xFFFF  }
0x129: {  	_ =	shalt  }

// kernel: kernel.14.cloned.1.call-start
scs
__scs_entry_jumppad:
0x0: {  	(pc) =	sbr.rel $0x88, $3  }
0x1: {  	(tag) =	ssettag $0x0;
	lr =	simm.s32 $0x1  }
0x2: {  	[smem:$0x3F9B] =	sst lr;
	_ =	strace $0xD0000000  }
0x3: {  	_ = 	snop  }
0x4: {  	_ = 	snop  }
0x5: {  	_ = 	snop  }
0x6: {  	_ = 	snop  }
0x7: {  	_ = 	snop  }
__scs_overlays_trampoline_lowered:
0x8: {  	[smem:$0x3FAA] =	sst s0  }
0x9: {  	[smem:$0x3FAB] =	sst s1  }
0xa: {  	[smem:$0x3FAC] =	sst s2  }
0xb: {  	[smem:$0x3FAD] =	sst s3  }
0xc: {  	[smem:$0x3FAE] =	sst s4  }
0xd: {  	[smem:$0x3FAF] =	sst s5  }
0xe: {  	[smem:$0x3FB0] =	sst s6  }
0xf: {  	[smem:$0x3FB1] =	sst s7  }
0x10: {  	[smem:$0x3FB2] =	sst s8  }
0x11: {  	[smem:$0x3FB3] =	sst s9;
	s0 =	simm.s32 @!p0 $0x0  }
0x12: {  	s1 =	sld [smem:$0x3F99];
	s0 =	simm.s32 @p0 $0x1  }
0x13: {  	[smem:$0x3FB4] =	sst s0;
	s0 =	simm.s32 @!p1 $0x0  }
0x14: {  	s2 =	sld [smem:$0x3F98];
	s0 =	simm.s32 @p1 $0x1  }
0x15: {  	[smem:$0x3FB5] =	sst s0;
	s0 =	simm.s32 @!p2 $0x0  }
0x16: {  	s3 =	sld [smem:$0x3FDB];
	s0 =	simm.s32 @p2 $0x1  }
0x17: {  	s4 =	simm.s32 $0x1BF5;
	[smem:$0x3FB7] =	sst s0  }
0x18: {  	s0 =	sld [smem:$0x3F9A];
	_ =	swait.ge [sflag:s4], $0x0  }
0x19: {  	s7 =	sld [smem:$0x3F9B]  }
0x1a: {  	s8 =	sadd.s32 $0xFFFFE003, lr  }
0x1b: {  	s9 =	sadd.s32 $0xFFFFFEF7, lr;
	s5 =	simm.s32 $0xFFFFFFFF;
	p2 =	slt.u32 s8, $0xFFFFF086  }
0x1c: {  	p1 =	slt.u32 s9, $0xF7A;
	s5 =	simm.s32 @!p2 $0x0  }
0x1d: {  	s5 =	simm.s32 @p1 $0x1;
	p0 =	seq.s32 s7, s2  }
0x1e: {  	s7 =	smul.u32 @!p0 $0xF7A, s2;
	p2 =	seq.s32 @!p0 s5, $0x0  }
0x1f: {  	s9 =	smul.u32 $0xF7A, s1;
	s8 =	simm.s32 @!p0 $0x1BF5;
	p2 =	por !p2, p0  }
0x20: {  	[sflag:s8] =	ssyncset.s32 @!p0 $0xFFFFF086;
	s6 =	sadd.s32 @!p0 s3, s7;
	s7 =	simm.s32 @!p0 $0x108  }
0x21: {  	s3 =	sadd.s32 s3, s9;
	s6 =	sadd.s32 @!p0 $0x88, s6;
	s7 =	simm.s32 @p2 $0x1082  }
0x22: {  	[simem:s7], [sflag:s8] =	dma.local @!p0 [hbm:s6], $0xF7A  }
0x23: {  	s9 =	sor.u32 $0xD0000000, s2;
	s6 =	simm.s32 $0x108;
	_ =	swait.ge @!p0 [sflag:s8], $0x0  }
0x24: {  	s3 =	sadd.s32 $0x88, s3;
	s6 =	simm.s32 @!p1 $0x1082;
	[sflag:s4] =	ssyncset.s32 $0xFFFFF086  }
0x25: {  	[simem:s6], [sflag:s4] =	dma.local [hbm:s3], $0xF7A  }
0x26: {  	[smem:$0x3F9B] =	sst s1;
	(tag) =	ssettag s2;
	_ =	strace s9  }
0x27: {  	s1 =	sld [smem:$0x3FAB]  }
0x28: {  	s2 =	sld [smem:$0x3FAC]  }
0x29: {  	s4 =	sld [smem:$0x3FAE]  }
0x2a: {  	p0 =	seq.s32 s5, $0x0;
	s5 =	sld [smem:$0x3FAF]  }
0x2b: {  	s6 =	sld [smem:$0x3FB0]  }
0x2c: {  	s7 =	sld [smem:$0x3FB1]  }
0x2d: {  	s3 =	simm.s32 $0x108;
	s8 =	sld [smem:$0x3FB2]  }
0x2e: {  	s3 =	simm.s32 @!p0 $0x1082;
	s9 =	sld [smem:$0x3FB3]  }
0x2f: {  	lr =	sadd.s32 s0, s3;
	s0 =	sld [smem:$0x3FAA]  }
0x30: {  	s3 =	sld [smem:$0x3FAD]  }
0x31: {  	[smem:$0x3FB6] =	sst s10  }
0x32: {  	s10 =	sld [smem:$0x3FB4];
	_ =	sdelay $0x3  }
0x33: {  	p0 =	seq.s32 s10, $0x1;
	s10 =	sld [smem:$0x3FB6];
	_ =	sdelay $0x3  }
0x34: {  	[smem:$0x3FB6] =	sst s10  }
0x35: {  	s10 =	sld [smem:$0x3FB5];
	_ =	sdelay $0x3  }
0x36: {  	p1 =	seq.s32 s10, $0x1;
	s10 =	sld [smem:$0x3FB6];
	_ =	sdelay $0x3  }
0x37: {  	[smem:$0x3FB6] =	sst s10  }
0x38: {  	s10 =	sld [smem:$0x3FB7]  }
0x39: {  	_ = 	snop;
	(pc) =	sbr.ind lr, $3  }
0x3a: {  	_ = 	snop  }
0x3b: {  	_ = 	snop  }
0x3c: {  	p2 =	seq.s32 s10, $0x1;
	s10 =	sld [smem:$0x3FB6]  }
0x3d: {  	_ =	shalt  }
0x3e: {  	_ =	shalt  }
0x3f: {  	_ =	shalt  }
0x40: {  	_ =	shalt  }
0x41: {  	_ =	shalt  }
0x42: {  	_ =	shalt  }
0x43: {  	_ =	shalt  }
0x44: {  	_ =	shalt  }
0x45: {  	_ =	shalt  }
0x46: {  	_ =	shalt  }
0x47: {  	_ =	shalt  }
0x48: {  	_ =	shalt  }
0x49: {  	_ =	shalt  }
0x4a: {  	_ =	shalt  }
0x4b: {  	_ =	shalt  }
0x4c: {  	_ =	shalt  }
0x4d: {  	_ =	shalt  }
0x4e: {  	_ =	shalt  }
0x4f: {  	_ =	shalt  }
0x50: {  	_ =	shalt  }
0x51: {  	_ =	shalt  }
0x52: {  	_ =	shalt  }
0x53: {  	_ =	shalt  }
0x54: {  	_ =	shalt  }
0x55: {  	_ =	shalt  }
0x56: {  	_ =	shalt  }
0x57: {  	_ =	shalt  }
0x58: {  	_ =	shalt  }
0x59: {  	_ =	shalt  }
0x5a: {  	_ =	shalt  }
0x5b: {  	_ =	shalt  }
0x5c: {  	_ =	shalt  }
0x5d: {  	_ =	shalt  }
0x5e: {  	_ =	shalt  }
0x5f: {  	_ =	shalt  }
0x60: {  	_ =	shalt  }
0x61: {  	_ =	shalt  }
0x62: {  	_ =	shalt  }
0x63: {  	_ =	shalt  }
0x64: {  	_ =	shalt  }
0x65: {  	_ =	shalt  }
0x66: {  	_ =	shalt  }
0x67: {  	_ =	shalt  }
0x68: {  	_ =	shalt  }
0x69: {  	_ =	shalt  }
0x6a: {  	_ =	shalt  }
0x6b: {  	_ =	shalt  }
0x6c: {  	_ =	shalt  }
0x6d: {  	_ =	shalt  }
0x6e: {  	_ =	shalt  }
0x6f: {  	_ =	shalt  }
0x70: {  	_ =	shalt  }
0x71: {  	_ =	shalt  }
0x72: {  	_ =	shalt  }
0x73: {  	_ =	shalt  }
0x74: {  	_ =	shalt  }
0x75: {  	_ =	shalt  }
0x76: {  	_ =	shalt  }
0x77: {  	_ =	shalt  }
0x78: {  	_ =	shalt  }
0x79: {  	_ =	shalt  }
0x7a: {  	_ =	shalt  }
0x7b: {  	_ =	shalt  }
0x7c: {  	_ =	shalt  }
0x7d: {  	_ =	shalt  }
0x7e: {  	_ =	shalt  }
0x7f: {  	_ =	shalt  }
0x80: {  	_ =	shalt  }
0x81: {  	_ =	shalt  }
0x82: {  	_ =	shalt  }
0x83: {  	_ =	shalt  }
0x84: {  	_ =	shalt  }
0x85: {  	_ =	shalt  }
0x86: {  	_ =	shalt  }
0x87: {  	_ =	shalt  }
.Lfunc_end0:
.L_simem_size_0:
called_computation.2_lowered:
.L_overlay_start_0:
0x88: {  	s2 =	sld [smem:$0x3FD9]  }
0x89: {  	s3 =	sld [smem:$0x3FFE];
	_ =	sdelay $0x1  }
0x8a: {  	s1 =	srdreg.scid  }
0x8b: {  	s0 =	sand.u32 $0x1, s1  }
0x8c: {  	s14 =	sshll.u32 s0, $0xA;
	s2 =	sadd.s32 s3, s2  }
0x8d: {  	s2 =	sadd.s32 s2, s14  }
0x8e: {  	[smem:$0x3FC2] =	sst s2  }
0x8f: {  	_ = 	snop  }
0x90: {  	s2 =	sld [smem:$0x3FD0];
	_ =	sdelay $0x2  }
0x91: {  	s15 =	simm.s32 $0xA;
	s4 =	simm.s32 $0x10  }
0x92: {  	[smem:s4], [sflag:s15] =	dma.local [hbm:s2], $0x1  }
0x93: {  	_ =	swait.eq [sflag:s15], $0x1  }
0x94: {  	[sflag:s15] =	ssyncset.done $0x0  }
0x95: {  	s16 =	sld [smem:$0x10];
	[sflag:s15] =	ssyncadd.s32 $0xFFFFFFFF  }
0x96: {  	s17 =	sld [smem:$0x11];
	(tm) =	ssettm $0x1  }
0x97: {  	s18 =	sld [smem:$0x3FFB];
	_ =	sdelay $0x3  }
0x98: {  	_ =	strace s18  }
0x99: {  	s4 =	sld [smem:$0x3FFC];
	_ =	sdelay $0x3  }
0x9a: {  	_ =	strace s4  }
0x9b: {  	s4 =	sld [smem:$0x3FFD];
	_ =	sdelay $0x3  }
0x9c: {  	_ =	strace s4  }
0x9d: {  	_ =	strace $0x8FFFFFFF  }
0x9e: {  	s19 =	sld [smem:$0x3FDB];
	_ =	sdelay $0x1  }
0x9f: {  	s5 =	simm.s32 $_scs_section_size  }
0xa0: {  	s6 =	simm.s32 $_size__tile_overlayer_lowered;
	s7 =	simm.s32 $_tile_overlayer_lowered  }
0xa1: {  	s22 =	simm.s32 $0x1BFF;
	s21 =	sshll.u32 s7, $0x1;
	s4 =	sadd.s32 s5, s19  }
0xa2: {  	s8 =	simm.s32 $0x0;
	s20 =	sshll.u32 s6, $0x1;
	s6 =	sadd.s32 s21, s4  }
0xa3: {  	[timem:s8], [sflag:s22] =	dma.local [hbm:s6], s20  }
0xa4: {  	_ =	swait.ge [sflag:s22], s20  }
0xa5: {  	s5 =	ssub.s32 $0x0, s20;
	[sflag:s22] =	ssyncset.done $0x0  }
0xa6: {  	[sflag:s22] =	ssyncadd.s32 s5;
	_ =	sdelay $0x1  }
0xa7: {  	s23 =	simm.s32 $0x1B8B  }
0xa8: {  	_ =	swait.ge [sflag:s23], $0x1  }
0xa9: {  	[sflag:s23] =	ssyncset.done $0x0  }
0xaa: {  	s25 =	simm.s32 $0x1B8E;
	s24 =	sld [smem:$0x3FFE];
	[sflag:s23] =	ssyncadd.s32 $0xFFFFFFFF  }
0xab: {  	s26 =	simm.s32 $execute0_lowered;
	[smem:$0x3FD2] =	sst s25  }
0xac: {  	s6 =	sshll.u32 s26, $0x1;
	_ =	strace $0x8000004C;
	[dreg:$0x1] =	wrdreg $0xFFFFFFFF  }
0xad: {  	s28 =	simm.s32 $_size_execute0_lowered;
	s4 =	sadd.s32 s4, s6;
	[dreg:$0x0] =	wrdreg $0x0  }
0xae: {  	s6 =	sshll.u32 s28, $0x1;
	[dreg:$0x2] =	wrdreg s4  }
0xaf: {  	[dreg:$0x3] =	wrdreg s6  }
0xb0: {  	[dreg:$0x4] =	wrdreg $0xC0  }
0xb1: {  	_ =	task [dreg:s8], $0x5FFFF  }
0xb2: {  	[dreg:$0x1] =	wrdreg $0xFFFFFFFF  }
0xb3: {  	[dreg:$0x0] =	wrdreg $0x60  }
0xb4: {  	[dreg:$0x2] =	wrdreg s24  }
0xb5: {  	[dreg:$0x3] =	wrdreg s17  }
0xb6: {  	[dreg:$0x4] =	wrdreg s16  }
0xb7: {  	[dreg:$0x5] =	wrdreg $0x54000  }
0xb8: {  	[dreg:$0x6] =	wrdreg $0x9  }
0xb9: {  	_ =	task.clear_ibuf [dreg:s8], $0x7FFFF;
	_ =	strace $0x9000004C  }
0xba: {  	s29 =	simm.s32 $0x9;
	_ =	strace $0x8000004E  }
0xbb: {  	_ =	swait.ge [sflag:s29], $0x1  }
0xbc: {  	[sflag:s29] =	ssyncadd.s32 $0xFFFFFFFF  }
0xbd: {  	_ =	strace $0x9000004E  }
0xbe: {  	_ =	sfence  }
0xbf: {  	s30 =	sld [smem:$0x0];
	_ =	sdelay $0x2  }
0xc0: {  	s31 =	sshll.u32 s1, $0xD;
	s1 =	sshrl.u32 s1, $0x2  }
0xc1: {  	s3 =	sand.u32 $0x4000, s31;
	s1 =	sadd.s32 s1, s30  }
0xc2: {  	s0 =	sor.u32 s3, s0;
	s1 =	sshll.u32 s1, $0x11  }
0xc3: {  	s0 =	sor.u32 s1, s0  }
0xc4: {  	s0 =	sadd.s32 $0x8F2B, s0  }
0xc5: {  	[sflag:s0] =	ssyncadd.remote.s32 $0x1  }
0xc6: {  	_ =	sfence.sel $0xFFFF  }
0xc7: {  	[dreg:$0x0] =	wrdreg $0xFFFFFFFF;
	(pc) =	sbr.abs _section_cstart, $3  }
0xc8: {  	[dreg:$0x1] =	wrdreg $0xFFFFFFFF  }
0xc9: {  	_ =	task.clear_ibuf [dreg:s8], $0x2FFFF;
	_ =	strace $0x9FFFFFFF  }
0xca: {  	(tm) =	ssettm $0x7FFFFFFF  }
0xcb: {  	_ =	shalt  }
tec
execute0_lowered:
.L_overlay_start_1:
0x0: {  	(tag) =	ssettag $0x1  }
0x1: {  	s1 =	rddreg [dreg:$0x0]  }
0x2: {  	s0 =	rddreg [dreg:$0x1]  }
0x3: {  	s3 =	rddreg [dreg:$0x2];
	s2 =	srdreg.scid  }
0x4: {  	s4 =	rddreg [dreg:$0x3];
	s11 =	stileid.u32  }
0x5: {  	s5 =	simm.s32 $0x0;
	s28 =	simm.s32 $0x80;
	s29 =	simm.s32 $0x280  }
0x6: {  	s30 =	simm.s32 $0x1;
	s31 =	simm.s32 $0x50;
	s8 =	smul.u32 $0x14000, s11  }
0x7: {  	s2 =	sand.u32 $0x1, s2;
	[smem:$0x7FF] =	sst s5;
	s10 =	smul.u32 $0x50000, s11  }
0x8: {  	s6 =	sadd.s32 $0x55600, s1;
	s18 =	sadd.s32 $0x2E00, s1;
	s25 =	smul.u32 $0x4E20, s11  }
0x9: {  	s19 =	sshll.u32 s11, $0x1;
	s7 =	smul.u32 $0x140000, s2;
	s9 =	ssub.s32 $0x2, s2  }
0xa: {  	_ =	strace $0x8000004D;
	[dreg:$0x9] =	wrdreg s18;
	s20 =	sshrl.u32 s9, $0x1  }
0xb: {  	s7 =	sadd.s32 s8, s7;
	s8 =	sor.u32 s2, s19;
	s2 =	smul.u32 $0x2710, s2  }
0xc: {  	s21 =	sshrl.u32 s10, $0x2;
	s7 =	sshrl.u32 s7, $0x3;
	s8 =	smul.u32 $0x2710, s8  }
0xd: {  	s1 =	sadd.s32 s7, s1;
	s7 =	ssub.s32 s9, s20;
	s9 =	sadd.s32 s21, s4  }
0xe: {  	s22 =	sshll.u32 s11, $0x6;
	s2 =	sadd.s32 s2, s25;
	[dreg:$0xa] =	wrdreg s9  }
0xf: {  	s9 =	sor.u32 $0x1C04, s22;
	s8 =	sshrl.u32 s8, $0x3;
	s17 =	sadd.s32 $0x230, s2  }
0x10: {  	s20 =	sadd.s32 $0x1E0, s2;
	s1 =	sadd.s32 $0x7C800, s1;
	s25 =	sadd.s32 $0x190, s2  }
0x11: {  	s23 =	sadd.s32 s0, s8;
	s24 =	sadd.s32 s3, s8;
	[dreg:$0x15] =	wrdreg s1  }
0x12: {  	s26 =	sadd.s32 $0xA, s8;
	s12 =	sadd.s32 $0x14, s8;
	[dreg:$0xb] =	wrdreg s23  }
0x13: {  	s15 =	sadd.s32 $0x1E, s8;
	[dreg:$0xc] =	wrdreg s24;
	s13 =	sadd.s32 s0, s26  }
0x14: {  	s8 =	sadd.s32 $0x4D8, s8;
	s11 =	sadd.s32 s3, s26;
	[dreg:$0xd] =	wrdreg s13  }
0x15: {  	s10 =	sshrl.u32 s17, $0x3;
	s14 =	sadd.s32 s3, s12;
	[dreg:$0xe] =	wrdreg s11  }
0x16: {  	s22 =	sshrl.u32 s20, $0x3;
	s16 =	sadd.s32 s0, s15;
	[dreg:$0x10] =	wrdreg s14  }
0x17: {  	s1 =	simm.s32 $0x400;
	s18 =	sadd.s32 s0, s8;
	[dreg:$0x11] =	wrdreg s16  }
0x18: {  	s8 =	sadd.s32 s3, s8;
	s19 =	sadd.s32 s10, s3;
	[dreg:$0x13] =	wrdreg s18  }
0x19: {  	s21 =	sadd.s32 s10, s0;
	s23 =	sadd.s32 s22, s3;
	[dreg:$0x14] =	wrdreg s8  }
0x1a: {  	s24 =	sadd.s32 s22, s0;
	s26 =	sshrl.u32 s25, $0x3;
	[dreg:$0x5] =	wrdreg s19  }
0x1b: {  	s25 =	simm.s32 $0x4;
	s10 =	simm.s32 $0x2C00;
	[dreg:$0x6] =	wrdreg s21  }
0x1c: {  	s13 =	sadd.s32 s0, s12;
	s11 =	sadd.s32 s3, s15;
	[dreg:$0x7] =	wrdreg s23  }
0x1d: {  	s21 =	smax.u32 s7, $0x1;
	[dreg:$0x8] =	wrdreg s24;
	s22 =	sadd.s32 s26, s3  }
0x1e: {  	s23 =	sadd.s32 s26, s0;
	s24 =	sadd.s32 $0x140, s2;
	s26 =	simm.s32 $0x200  }
0x1f: {  	s2 =	simm.s32 $0x2;
	s7 =	simm.s32 $0x100;
	s8 =	simm.s32 $0x300  }
0x20: {  	s12 =	simm.s32 $0x180;
	s14 =	simm.s32 $0x0;
	[dreg:$0xf] =	wrdreg s13  }
0x21: {  	[dreg:$0x12] =	wrdreg s11;
	s11 =	simm.s32 $0x3;
	s13 =	simm.s32 $0x380  }
.LBB2_1:
0x22: {  	s15 =	rddreg [dreg:$0xa]  }
0x23: {  	s16 =	rddreg [dreg:$0x9];
	s15 =	sshrl.u32 s15, $0x3  }
0x24: {  	[spmem:s15], [sflag:s9] =	dma.local [hbm:s16], $0x2800  }
0x25: {  	_ =	swait.ge [sflag:s25], $0x2800  }
0x26: {  	[sflag:s25] =	ssyncset.done $0x0  }
0x27: {  	[sflag:s25] =	ssyncadd.s32 $0xFFFFD800  }
0x28: {  	[bflag:$0x0] =	sbarrier.arrive $0xFFFF  }
0x29: {  	s20 =	rddreg [dreg:$0xb]  }
0x2a: {  	[tilespmem:s5], [sflag:$0x1] =	stream.linear.gather [hbm4b:s20+s5], $0x50, $0x38;
	[tilespmem:$0x19400] =	vst v63  }
0x2b: {  	s17 =	rddreg [dreg:$0xc]  }
0x2c: {  	[tilespmem:s26], [sflag:$0x1] =	stream.linear.gather [hbm4b:s17+s5], $0x50, $0x38;
	[tilespmem:$0x19400] =	vst v63  }
0x2d: {  	s18 =	rddreg [dreg:$0xd]  }
0x2e: {  	[tilespmem:s28], [sflag:$0x1] =	stream.linear.gather [hbm4b:s18+s5], $0x50, $0x38;
	[tilespmem:$0x19400] =	vst v63  }
0x2f: {  	s19 =	rddreg [dreg:$0xe]  }
0x30: {  	[tilespmem:s29], [sflag:$0x1] =	stream.linear.gather [hbm4b:s19+s5], $0x50, $0x38;
	[tilespmem:$0x19400] =	vst v63  }
0x31: {  	_ =	swait.ge [sflag:s30], $0x50  }
0x32: {  	[sflag:s30] =	ssyncset.done $0x0  }
0x33: {  	[sflag:s30] =	ssyncadd.s32 $0xFFFFFFB0  }
0x34: {  	_ =	swait.ge [sflag:s30], $0x50  }
0x35: {  	[sflag:s30] =	ssyncset.done $0x0  }
0x36: {  	[sflag:s30] =	ssyncadd.s32 $0xFFFFFFB0  }
0x37: {  	[tilespmem:s1], [sflag:$0x2] =	stream.indirect.gather [hbm4b:s6+s31], $0x80, s5, s31, $0xb8;
	[tilespmem:$0x19400] =	vst v63  }
0x38: {  	_ =	swait.ge [sflag:s30], $0x50  }
0x39: {  	[sflag:s30] =	ssyncset.done $0x0  }
0x3a: {  	[sflag:s30] =	ssyncadd.s32 $0xFFFFFFB0  }
0x3b: {  	_ =	swait.ge [sflag:s30], $0x50  }
0x3c: {  	[sflag:s30] =	ssyncset.done $0x0  }
0x3d: {  	[sflag:s30] =	ssyncadd.s32 $0xFFFFFFB0  }
0x3e: {  	_ =	swait.ge [sflag:s2], $0x2800  }
0x3f: {  	[sflag:s2] =	ssyncset.done $0x0  }
0x40: {  	[sflag:s2] =	ssyncadd.s32 $0xFFFFD800  }
0x41: {  	[spmem:s4] =	stream.indirect.scatter.add.f32 [tilespmem:s1], [sflag:$0x3], $0x80, s26, s31, $0xb8;
	[tilespmem:$0x19400] =	vst v63  }
0x42: {  	s20 =	rddreg [dreg:$0xf]  }
0x43: {  	[tilespmem:s7], [sflag:$0x1] =	stream.linear.gather [hbm4b:s20+s5], $0x50, $0x38;
	[tilespmem:$0x19400] =	vst v63  }
0x44: {  	s17 =	rddreg [dreg:$0x10]  }
0x45: {  	[tilespmem:s8], [sflag:$0x1] =	stream.linear.gather [hbm4b:s17+s5], $0x50, $0x38;
	[tilespmem:$0x19400] =	vst v63  }
0x46: {  	_ = 	snop  }
0x47: {  	[tilespmem:s10], [sflag:$0x2] =	stream.indirect.gather [hbm4b:s6+s31], $0x80, s28, s31, $0xb8;
	[tilespmem:$0x19400] =	vst v63  }
0x48: {  	_ =	swait.ge [sflag:s30], $0x50  }
0x49: {  	[sflag:s30] =	ssyncset.done $0x0  }
0x4a: {  	[sflag:s30] =	ssyncadd.s32 $0xFFFFFFB0  }
0x4b: {  	_ =	swait.ge [sflag:s30], $0x50  }
0x4c: {  	[sflag:s30] =	ssyncset.done $0x0  }
0x4d: {  	[sflag:s30] =	ssyncadd.s32 $0xFFFFFFB0  }
0x4e: {  	_ =	swait.ge [sflag:s2], $0x2800  }
0x4f: {  	[sflag:s2] =	ssyncset.done $0x0  }
0x50: {  	[sflag:s2] =	ssyncadd.s32 $0xFFFFD800  }
0x51: {  	[spmem:s4] =	stream.indirect.scatter.add.f32 [tilespmem:s10], [sflag:$0x3], $0x80, s29, s31, $0xb8;
	[tilespmem:$0x19400] =	vst v63  }
0x52: {  	_ =	swait.ge [sflag:s11], $0x2800  }
0x53: {  	[sflag:s11] =	ssyncset.done $0x0  }
0x54: {  	s18 =	rddreg [dreg:$0x11];
	[sflag:s11] =	ssyncadd.s32 $0xFFFFD800  }
0x55: {  	[tilespmem:s12], [sflag:$0x1] =	stream.linear.gather [hbm4b:s18+s5], $0x50, $0x38;
	[tilespmem:$0x19400] =	vst v63  }
0x56: {  	s19 =	rddreg [dreg:$0x12]  }
0x57: {  	[tilespmem:s13], [sflag:$0x1] =	stream.linear.gather [hbm4b:s19+s5], $0x50, $0x38;
	[tilespmem:$0x19400] =	vst v63  }
0x58: {  	_ = 	snop  }
0x59: {  	[tilespmem:s1], [sflag:$0x2] =	stream.indirect.gather [hbm4b:s6+s31], $0x80, s7, s31, $0xb8;
	[tilespmem:$0x19400] =	vst v63  }
0x5a: {  	_ =	swait.ge [sflag:s30], $0x50  }
0x5b: {  	[sflag:s30] =	ssyncset.done $0x0  }
0x5c: {  	[sflag:s30] =	ssyncadd.s32 $0xFFFFFFB0  }
0x5d: {  	_ =	swait.ge [sflag:s30], $0x50  }
0x5e: {  	[sflag:s30] =	ssyncset.done $0x0  }
0x5f: {  	[sflag:s30] =	ssyncadd.s32 $0xFFFFFFB0  }
0x60: {  	_ =	swait.ge [sflag:s2], $0x2800  }
0x61: {  	[sflag:s2] =	ssyncset.done $0x0  }
0x62: {  	[sflag:s2] =	ssyncadd.s32 $0xFFFFD800  }
0x63: {  	[spmem:s4] =	stream.indirect.scatter.add.f32 [tilespmem:s1], [sflag:$0x3], $0x80, s8, s31, $0xb8;
	[tilespmem:$0x19400] =	vst v63  }
0x64: {  	_ =	swait.ge [sflag:s11], $0x2800  }
0x65: {  	s20 =	sshrl.u32 s24, $0x3;
	[sflag:s11] =	ssyncset.done $0x0  }
0x66: {  	s17 =	sadd.s32 s0, s20;
	[sflag:s11] =	ssyncadd.s32 $0xFFFFD800  }
0x67: {  	[tilespmem:s5], [sflag:$0x1] =	stream.linear.gather [hbm4b:s17+s5], $0x50, $0x38;
	[tilespmem:$0x19400] =	vst v63  }
0x68: {  	s16 =	sadd.s32 s3, s20  }
0x69: {  	[tilespmem:s26], [sflag:$0x1] =	stream.linear.gather [hbm4b:s16+s5], $0x50, $0x38;
	[tilespmem:$0x19400] =	vst v63  }
0x6a: {  	_ = 	snop  }
0x6b: {  	[tilespmem:s10], [sflag:$0x2] =	stream.indirect.gather [hbm4b:s6+s31], $0x80, s12, s31, $0xb8;
	[tilespmem:$0x19400] =	vst v63  }
0x6c: {  	_ =	swait.ge [sflag:s30], $0x50  }
0x6d: {  	[sflag:s30] =	ssyncset.done $0x0  }
0x6e: {  	[sflag:s30] =	ssyncadd.s32 $0xFFFFFFB0  }
0x6f: {  	_ =	swait.ge [sflag:s30], $0x50  }
0x70: {  	[sflag:s30] =	ssyncset.done $0x0  }
0x71: {  	[sflag:s30] =	ssyncadd.s32 $0xFFFFFFB0  }
0x72: {  	_ =	swait.ge [sflag:s2], $0x2800  }
0x73: {  	[sflag:s2] =	ssyncset.done $0x0  }
0x74: {  	[sflag:s2] =	ssyncadd.s32 $0xFFFFD800  }
0x75: {  	[spmem:s4] =	stream.indirect.scatter.add.f32 [tilespmem:s10], [sflag:$0x3], $0x80, s13, s31, $0xb8;
	[tilespmem:$0x19400] =	vst v63  }
0x76: {  	_ =	swait.ge [sflag:s11], $0x2800  }
0x77: {  	[sflag:s11] =	ssyncset.done $0x0  }
0x78: {  	s17 =	sadd.s32 $0x0, s23;
	[sflag:s11] =	ssyncadd.s32 $0xFFFFD800  }
0x79: {  	[tilespmem:s28], [sflag:$0x1] =	stream.linear.gather [hbm4b:s17+s5], $0x50, $0x38;
	[tilespmem:$0x19400] =	vst v63  }
0x7a: {  	s18 =	sadd.s32 $0x0, s22  }
0x7b: {  	[tilespmem:s29], [sflag:$0x1] =	stream.linear.gather [hbm4b:s18+s5], $0x50, $0x38;
	[tilespmem:$0x19400] =	vst v63  }
0x7c: {  	_ = 	snop  }
0x7d: {  	[tilespmem:s1], [sflag:$0x2] =	stream.indirect.gather [hbm4b:s6+s31], $0x80, s5, s31, $0xb8;
	[tilespmem:$0x19400] =	vst v63  }
0x7e: {  	_ =	swait.ge [sflag:s30], $0x50  }
0x7f: {  	[sflag:s30] =	ssyncset.done $0x0  }
0x80: {  	[sflag:s30] =	ssyncadd.s32 $0xFFFFFFB0  }
0x81: {  	_ =	swait.ge [sflag:s30], $0x50  }
0x82: {  	[sflag:s30] =	ssyncset.done $0x0  }
0x83: {  	[sflag:s30] =	ssyncadd.s32 $0xFFFFFFB0  }
0x84: {  	_ =	swait.ge [sflag:s2], $0x2800  }
0x85: {  	[sflag:s2] =	ssyncset.done $0x0  }
0x86: {  	[sflag:s2] =	ssyncadd.s32 $0xFFFFD800  }
0x87: {  	[spmem:s4] =	stream.indirect.scatter.add.f32 [tilespmem:s1], [sflag:$0x3], $0x80, s26, s31, $0xb8;
	[tilespmem:$0x19400] =	vst v63  }
0x88: {  	_ =	swait.ge [sflag:s11], $0x2800  }
0x89: {  	s19 =	rddreg [dreg:$0x8];
	[sflag:s11] =	ssyncset.done $0x0  }
0x8a: {  	s20 =	rddreg [dreg:$0x7];
	[sflag:s11] =	ssyncadd.s32 $0xFFFFD800;
	s16 =	sadd.s32 $0x0, s19  }
0x8b: {  	[tilespmem:s7], [sflag:$0x1] =	stream.linear.gather [hbm4b:s16+s5], $0x50, $0x38;
	[tilespmem:$0x19400] =	vst v63  }
0x8c: {  	s17 =	sadd.s32 $0x0, s20  }
0x8d: {  	[tilespmem:s8], [sflag:$0x1] =	stream.linear.gather [hbm4b:s17+s5], $0x50, $0x38;
	[tilespmem:$0x19400] =	vst v63  }
0x8e: {  	_ = 	snop  }
0x8f: {  	[tilespmem:s10], [sflag:$0x2] =	stream.indirect.gather [hbm4b:s6+s31], $0x80, s28, s31, $0xb8;
	[tilespmem:$0x19400] =	vst v63  }
0x90: {  	_ =	swait.ge [sflag:s30], $0x50  }
0x91: {  	[sflag:s30] =	ssyncset.done $0x0  }
0x92: {  	[sflag:s30] =	ssyncadd.s32 $0xFFFFFFB0  }
0x93: {  	_ =	swait.ge [sflag:s30], $0x50  }
0x94: {  	[sflag:s30] =	ssyncset.done $0x0  }
0x95: {  	[sflag:s30] =	ssyncadd.s32 $0xFFFFFFB0  }
0x96: {  	_ =	swait.ge [sflag:s2], $0x2800  }
0x97: {  	[sflag:s2] =	ssyncset.done $0x0  }
0x98: {  	[sflag:s2] =	ssyncadd.s32 $0xFFFFD800  }
0x99: {  	[spmem:s4] =	stream.indirect.scatter.add.f32 [tilespmem:s10], [sflag:$0x3], $0x80, s29, s31, $0xb8;
	[tilespmem:$0x19400] =	vst v63  }
0x9a: {  	_ =	swait.ge [sflag:s11], $0x2800  }
0x9b: {  	s18 =	rddreg [dreg:$0x6];
	[sflag:s11] =	ssyncset.done $0x0  }
0x9c: {  	s19 =	rddreg [dreg:$0x5];
	[sflag:s11] =	ssyncadd.s32 $0xFFFFD800;
	s16 =	sadd.s32 $0x0, s18  }
0x9d: {  	[tilespmem:s12], [sflag:$0x1] =	stream.linear.gather [hbm4b:s16+s5], $0x50, $0x38;
	[tilespmem:$0x19400] =	vst v63  }
0x9e: {  	s17 =	sadd.s32 $0x140, s24;
	s20 =	sadd.s32 $0x0, s19;
	s16 =	simm.s32 $0x28  }
0x9f: {  	[tilespmem:s13], [sflag:$0x1] =	stream.linear.gather [hbm4b:s20+s5], $0x50, $0x38;
	[tilespmem:$0x19400] =	vst v63  }
.LBB2_2:
0xa0: {  	[tilespmem:s1], [sflag:$0x2] =	stream.indirect.gather [hbm4b:s6+s31], $0x80, s7, s31, $0xb8;
	[tilespmem:$0x19400] =	vst v63  }
0xa1: {  	_ =	swait.ge [sflag:s30], $0x50  }
0xa2: {  	[sflag:s30] =	ssyncset.done $0x0  }
0xa3: {  	[sflag:s30] =	ssyncadd.s32 $0xFFFFFFB0  }
0xa4: {  	_ =	swait.ge [sflag:s30], $0x50  }
0xa5: {  	[sflag:s30] =	ssyncset.done $0x0  }
0xa6: {  	[sflag:s30] =	ssyncadd.s32 $0xFFFFFFB0  }
0xa7: {  	_ =	swait.ge [sflag:s2], $0x2800  }
0xa8: {  	[sflag:s2] =	ssyncset.done $0x0  }
0xa9: {  	[sflag:s2] =	ssyncadd.s32 $0xFFFFD800  }
0xaa: {  	[spmem:s4] =	stream.indirect.scatter.add.f32 [tilespmem:s1], [sflag:$0x3], $0x80, s8, s31, $0xb8;
	[tilespmem:$0x19400] =	vst v63  }
0xab: {  	_ =	swait.ge [sflag:s11], $0x2800  }
0xac: {  	s19 =	sshrl.u32 s17, $0x3;
	[sflag:s11] =	ssyncset.done $0x0  }
0xad: {  	s20 =	sadd.s32 s0, s19;
	[sflag:s11] =	ssyncadd.s32 $0xFFFFD800  }
0xae: {  	[tilespmem:s5], [sflag:$0x1] =	stream.linear.gather [hbm4b:s20+s5], $0x50, $0x38;
	[tilespmem:$0x19400] =	vst v63  }
0xaf: {  	s19 =	sadd.s32 s3, s19  }
0xb0: {  	[tilespmem:s26], [sflag:$0x1] =	stream.linear.gather [hbm4b:s19+s5], $0x50, $0x38;
	[tilespmem:$0x19400] =	vst v63  }
0xb1: {  	_ = 	snop  }
0xb2: {  	[tilespmem:s10], [sflag:$0x2] =	stream.indirect.gather [hbm4b:s6+s31], $0x80, s12, s31, $0xb8;
	[tilespmem:$0x19400] =	vst v63  }
0xb3: {  	_ =	swait.ge [sflag:s30], $0x50  }
0xb4: {  	[sflag:s30] =	ssyncset.done $0x0  }
0xb5: {  	[sflag:s30] =	ssyncadd.s32 $0xFFFFFFB0  }
0xb6: {  	_ =	swait.ge [sflag:s30], $0x50  }
0xb7: {  	[sflag:s30] =	ssyncset.done $0x0  }
0xb8: {  	[sflag:s30] =	ssyncadd.s32 $0xFFFFFFB0  }
0xb9: {  	_ =	swait.ge [sflag:s2], $0x2800  }
0xba: {  	[sflag:s2] =	ssyncset.done $0x0  }
0xbb: {  	[sflag:s2] =	ssyncadd.s32 $0xFFFFD800  }
0xbc: {  	[spmem:s4] =	stream.indirect.scatter.add.f32 [tilespmem:s10], [sflag:$0x3], $0x80, s13, s31, $0xb8;
	[tilespmem:$0x19400] =	vst v63  }
0xbd: {  	_ =	swait.ge [sflag:s11], $0x2800  }
0xbe: {  	s18 =	smov.u32 s16;
	[sflag:s11] =	ssyncset.done $0x0  }
0xbf: {  	s20 =	sadd.s32 s18, s23;
	[sflag:s11] =	ssyncadd.s32 $0xFFFFD800  }
0xc0: {  	[tilespmem:s28], [sflag:$0x1] =	stream.linear.gather [hbm4b:s20+s5], $0x50, $0x38;
	[tilespmem:$0x19400] =	vst v63  }
0xc1: {  	s20 =	sadd.s32 s18, s22  }
0xc2: {  	[tilespmem:s29], [sflag:$0x1] =	stream.linear.gather [hbm4b:s20+s5], $0x50, $0x38;
	[tilespmem:$0x19400] =	vst v63  }
0xc3: {  	_ = 	snop  }
0xc4: {  	[tilespmem:s1], [sflag:$0x2] =	stream.indirect.gather [hbm4b:s6+s31], $0x80, s5, s31, $0xb8;
	[tilespmem:$0x19400] =	vst v63  }
0xc5: {  	_ =	swait.ge [sflag:s30], $0x50  }
0xc6: {  	[sflag:s30] =	ssyncset.done $0x0  }
0xc7: {  	[sflag:s30] =	ssyncadd.s32 $0xFFFFFFB0  }
0xc8: {  	_ =	swait.ge [sflag:s30], $0x50  }
0xc9: {  	[sflag:s30] =	ssyncset.done $0x0  }
0xca: {  	[sflag:s30] =	ssyncadd.s32 $0xFFFFFFB0  }
0xcb: {  	_ =	swait.ge [sflag:s2], $0x2800  }
0xcc: {  	[sflag:s2] =	ssyncset.done $0x0  }
0xcd: {  	[sflag:s2] =	ssyncadd.s32 $0xFFFFD800  }
0xce: {  	[spmem:s4] =	stream.indirect.scatter.add.f32 [tilespmem:s1], [sflag:$0x3], $0x80, s26, s31, $0xb8;
	[tilespmem:$0x19400] =	vst v63  }
0xcf: {  	_ =	swait.ge [sflag:s11], $0x2800  }
0xd0: {  	s19 =	rddreg [dreg:$0x8];
	[sflag:s11] =	ssyncset.done $0x0  }
0xd1: {  	s20 =	rddreg [dreg:$0x7];
	[sflag:s11] =	ssyncadd.s32 $0xFFFFD800;
	s19 =	sadd.s32 s18, s19  }
0xd2: {  	[tilespmem:s7], [sflag:$0x1] =	stream.linear.gather [hbm4b:s19+s5], $0x50, $0x38;
	[tilespmem:$0x19400] =	vst v63  }
0xd3: {  	s20 =	sadd.s32 s18, s20  }
0xd4: {  	[tilespmem:s8], [sflag:$0x1] =	stream.linear.gather [hbm4b:s20+s5], $0x50, $0x38;
	[tilespmem:$0x19400] =	vst v63  }
0xd5: {  	_ = 	snop  }
0xd6: {  	[tilespmem:s10], [sflag:$0x2] =	stream.indirect.gather [hbm4b:s6+s31], $0x80, s28, s31, $0xb8;
	[tilespmem:$0x19400] =	vst v63  }
0xd7: {  	_ =	swait.ge [sflag:s30], $0x50  }
0xd8: {  	[sflag:s30] =	ssyncset.done $0x0  }
0xd9: {  	[sflag:s30] =	ssyncadd.s32 $0xFFFFFFB0  }
0xda: {  	_ =	swait.ge [sflag:s30], $0x50  }
0xdb: {  	[sflag:s30] =	ssyncset.done $0x0  }
0xdc: {  	[sflag:s30] =	ssyncadd.s32 $0xFFFFFFB0  }
0xdd: {  	_ =	swait.ge [sflag:s2], $0x2800  }
0xde: {  	[sflag:s2] =	ssyncset.done $0x0  }
0xdf: {  	[sflag:s2] =	ssyncadd.s32 $0xFFFFD800  }
0xe0: {  	[spmem:s4] =	stream.indirect.scatter.add.f32 [tilespmem:s10], [sflag:$0x3], $0x80, s29, s31, $0xb8;
	[tilespmem:$0x19400] =	vst v63  }
0xe1: {  	p0 =	sne.s32 s16, $0x488;
	_ =	swait.ge [sflag:s11], $0x2800  }
.Ltmp0:
0xe2: {  	s19 =	rddreg [dreg:$0x6];
	[sflag:s11] =	ssyncset.done $0x0;
	(pc) =	sbr.rel @p0 .LBB2_2-.Ltmp0, $4  }
0xe3: {  	s20 =	rddreg [dreg:$0x5];
	[sflag:s11] =	ssyncadd.s32 $0xFFFFD800;
	s19 =	sadd.s32 s18, s19  }
0xe4: {  	[tilespmem:s12], [sflag:$0x1] =	stream.linear.gather [hbm4b:s19+s5], $0x50, $0x38;
	[tilespmem:$0x19400] =	vst v63  }
0xe5: {  	s16 =	sadd.s32 $0x28, s16;
	s17 =	sadd.s32 $0x140, s17;
	s18 =	sadd.s32 s18, s20  }
0xe6: {  	[tilespmem:s13], [sflag:$0x1] =	stream.linear.gather [hbm4b:s18+s5], $0x50, $0x38;
	[tilespmem:$0x19400] =	vst v63  }
0xe7: {  	[tilespmem:s1], [sflag:$0x2] =	stream.indirect.gather [hbm4b:s6+s31], $0x80, s7, s31, $0xb8;
	[tilespmem:$0x19400] =	vst v63  }
0xe8: {  	_ =	swait.ge [sflag:s30], $0x50  }
0xe9: {  	[sflag:s30] =	ssyncset.done $0x0  }
0xea: {  	[sflag:s30] =	ssyncadd.s32 $0xFFFFFFB0  }
0xeb: {  	_ =	swait.ge [sflag:s30], $0x50  }
0xec: {  	[sflag:s30] =	ssyncset.done $0x0  }
0xed: {  	[sflag:s30] =	ssyncadd.s32 $0xFFFFFFB0  }
0xee: {  	_ =	swait.ge [sflag:s2], $0x2800  }
0xef: {  	[sflag:s2] =	ssyncset.done $0x0  }
0xf0: {  	[sflag:s2] =	ssyncadd.s32 $0xFFFFD800  }
0xf1: {  	[spmem:s4] =	stream.indirect.scatter.add.f32 [tilespmem:s1], [sflag:$0x3], $0x80, s8, s31, $0xb8;
	[tilespmem:$0x19400] =	vst v63  }
0xf2: {  	_ =	swait.ge [sflag:s11], $0x2800  }
0xf3: {  	[sflag:s11] =	ssyncset.done $0x0  }
0xf4: {  	s16 =	rddreg [dreg:$0x13];
	[sflag:s11] =	ssyncadd.s32 $0xFFFFD800  }
0xf5: {  	[tilespmem:s5], [sflag:$0x1] =	stream.linear.gather [hbm4b:s16+s5], $0x50, $0x38;
	[tilespmem:$0x19400] =	vst v63  }
0xf6: {  	s19 =	rddreg [dreg:$0x14]  }
0xf7: {  	[tilespmem:s26], [sflag:$0x1] =	stream.linear.gather [hbm4b:s19+s5], $0x50, $0x38;
	[tilespmem:$0x19400] =	vst v63  }
0xf8: {  	_ = 	snop  }
0xf9: {  	[tilespmem:s10], [sflag:$0x2] =	stream.indirect.gather [hbm4b:s6+s31], $0x80, s12, s31, $0xb8;
	[tilespmem:$0x19400] =	vst v63  }
0xfa: {  	_ =	swait.ge [sflag:s30], $0x50  }
0xfb: {  	[sflag:s30] =	ssyncset.done $0x0  }
0xfc: {  	[sflag:s30] =	ssyncadd.s32 $0xFFFFFFB0  }
0xfd: {  	_ =	swait.ge [sflag:s30], $0x50  }
0xfe: {  	[sflag:s30] =	ssyncset.done $0x0  }
0xff: {  	[sflag:s30] =	ssyncadd.s32 $0xFFFFFFB0  }
0x100: {  	_ =	swait.ge [sflag:s2], $0x2800  }
0x101: {  	[sflag:s2] =	ssyncset.done $0x0  }
0x102: {  	[sflag:s2] =	ssyncadd.s32 $0xFFFFD800  }
0x103: {  	[spmem:s4] =	stream.indirect.scatter.add.f32 [tilespmem:s10], [sflag:$0x3], $0x80, s13, s31, $0xb8;
	[tilespmem:$0x19400] =	vst v63  }
0x104: {  	_ =	swait.ge [sflag:s11], $0x2800  }
0x105: {  	[sflag:s11] =	ssyncset.done $0x0  }
0x106: {  	[sflag:s11] =	ssyncadd.s32 $0xFFFFD800  }
0x107: {  	[tilespmem:s1], [sflag:$0x2] =	stream.indirect.gather [hbm4b:s6+s31], $0x80, s5, s31, $0xb8;
	[tilespmem:$0x19400] =	vst v63  }
0x108: {  	_ =	swait.ge [sflag:s2], $0x2800  }
0x109: {  	[sflag:s2] =	ssyncset.done $0x0  }
0x10a: {  	[sflag:s2] =	ssyncadd.s32 $0xFFFFD800  }
0x10b: {  	[spmem:s4] =	stream.indirect.scatter.add.f32 [tilespmem:s1], [sflag:$0x3], $0x80, s26, s31, $0xb8;
	[tilespmem:$0x19400] =	vst v63  }
0x10c: {  	_ =	swait.ge [sflag:s11], $0x2800  }
0x10d: {  	[sflag:s11] =	ssyncset.done $0x0  }
0x10e: {  	[sflag:s11] =	ssyncadd.s32 $0xFFFFD800  }
0x10f: {  	_ =	swait.ge [sflag:s11], $0x2800  }
0x110: {  	[sflag:s11] =	ssyncset.done $0x0  }
0x111: {  	s14 =	sadd.s32 $0x1, s14;
	[sflag:s11] =	ssyncadd.s32 $0xFFFFD800  }
0x112: {  	p0 =	sne.s32 s14, s21;
	[bflag:$0x0] =	sbarrier.arrive $0xFFFF  }
.Ltmp1:
0x113: {  	s20 =	rddreg [dreg:$0x15];
	(pc) =	sbr.rel @p0 .LBB2_1-.Ltmp1, $4  }
0x114: {  	[hbm:s20], [sflag:s9] =	dma.local [spmem:s15], $0x2800  }
0x115: {  	_ =	swait.ge [sflag:s25], $0x2800  }
0x116: {  	[sflag:s25] =	ssyncset.done $0x0  }
0x117: {  	[sflag:s25] =	ssyncadd.s32 $0xFFFFD800  }
0x118: {  	_ =	sfence.sel $0x180000  }
0x119: {  	[bflag:$0x0] =	sbarrier.arrive $0xFFFF  }
0x11a: {  	_ =	strace $0x9000004D  }
0x11b: {  	s0 =	stileid.u32;
	[bflag:$0x2] =	sbarrier.arrive $0xFFFF  }
0x11c: {  	p0 =	sne.s32 s0, $0x0;
	s0 =	rddreg [dreg:$0x4]  }
0x11d: {  	s0 =	sadd.s32 @!p0 $0x100000, s0  }
0x11e: {  	[sflag:s0] =	ssyncadd.tile.s32 @!p0 $0x1;
	_ =	shalt  }
.Lfunc_end2:
_tile_overlayer_lowered:
.L_overlay_start_2:
0x11f: {  	(tag) =	ssettag $0x2  }
0x120: {  	s0 =	rddreg [dreg:$0x0];
	s2 =	stileid.u32  }
0x121: {  	s1 =	rddreg [dreg:$0x1];
	p0 =	sne.s32 s2, $0x0  }
0x122: {  	s3 =	rddreg [dreg:$0x2];
	[bflag:$0x3] =	sbarrier.arrive $0xFFFF;
	s2 =	simm.s32 @!p0 $0x1C04  }
0x123: {  	[timem:s3], [sflag:s2] =	dma.local @!p0 [hbm:s0], s1  }
0x124: {  	s0 =	simm.s32 @!p0 $0x4  }
0x125: {  	_ =	swait.ge @!p0 [sflag:s0], s1  }
0x126: {  	s1 =	ssub.s32 @!p0 $0x0, s1;
	[sflag:s0] =	ssyncset.done @!p0 $0x0  }
0x127: {  	[sflag:s0] =	ssyncadd.s32 @!p0 s1  }
0x128: {  	[bflag:$0x3] =	sbarrier.arrive $0xFFFF  }
0x129: {  	_ =	shalt  }

// kernel: kernel.8.cloned.1.call-start
scs
__scs_entry_jumppad:
0x0: {  	(pc) =	sbr.rel $0x88, $3  }
0x1: {  	(tag) =	ssettag $0x0;
	lr =	simm.s32 $0x1  }
0x2: {  	[smem:$0x3F9B] =	sst lr;
	_ =	strace $0xD0000000  }
0x3: {  	_ = 	snop  }
0x4: {  	_ = 	snop  }
0x5: {  	_ = 	snop  }
0x6: {  	_ = 	snop  }
0x7: {  	_ = 	snop  }
__scs_overlays_trampoline_lowered:
0x8: {  	[smem:$0x3FAA] =	sst s0  }
0x9: {  	[smem:$0x3FAB] =	sst s1  }
0xa: {  	[smem:$0x3FAC] =	sst s2  }
0xb: {  	[smem:$0x3FAD] =	sst s3  }
0xc: {  	[smem:$0x3FAE] =	sst s4  }
0xd: {  	[smem:$0x3FAF] =	sst s5  }
0xe: {  	[smem:$0x3FB0] =	sst s6  }
0xf: {  	[smem:$0x3FB1] =	sst s7  }
0x10: {  	[smem:$0x3FB2] =	sst s8  }
0x11: {  	[smem:$0x3FB3] =	sst s9;
	s0 =	simm.s32 @!p0 $0x0  }
0x12: {  	s1 =	sld [smem:$0x3F99];
	s0 =	simm.s32 @p0 $0x1  }
0x13: {  	[smem:$0x3FB4] =	sst s0;
	s0 =	simm.s32 @!p1 $0x0  }
0x14: {  	s2 =	sld [smem:$0x3F98];
	s0 =	simm.s32 @p1 $0x1  }
0x15: {  	[smem:$0x3FB5] =	sst s0;
	s0 =	simm.s32 @!p2 $0x0  }
0x16: {  	s3 =	sld [smem:$0x3FDB];
	s0 =	simm.s32 @p2 $0x1  }
0x17: {  	s4 =	simm.s32 $0x1BF5;
	[smem:$0x3FB7] =	sst s0  }
0x18: {  	s0 =	sld [smem:$0x3F9A];
	_ =	swait.ge [sflag:s4], $0x0  }
0x19: {  	s7 =	sld [smem:$0x3F9B]  }
0x1a: {  	s8 =	sadd.s32 $0xFFFFE003, lr  }
0x1b: {  	s9 =	sadd.s32 $0xFFFFFEF7, lr;
	s5 =	simm.s32 $0xFFFFFFFF;
	p2 =	slt.u32 s8, $0xFFFFF086  }
0x1c: {  	p1 =	slt.u32 s9, $0xF7A;
	s5 =	simm.s32 @!p2 $0x0  }
0x1d: {  	s5 =	simm.s32 @p1 $0x1;
	p0 =	seq.s32 s7, s2  }
0x1e: {  	s7 =	smul.u32 @!p0 $0xF7A, s2;
	p2 =	seq.s32 @!p0 s5, $0x0  }
0x1f: {  	s9 =	smul.u32 $0xF7A, s1;
	s8 =	simm.s32 @!p0 $0x1BF5;
	p2 =	por !p2, p0  }
0x20: {  	[sflag:s8] =	ssyncset.s32 @!p0 $0xFFFFF086;
	s6 =	sadd.s32 @!p0 s3, s7;
	s7 =	simm.s32 @!p0 $0x108  }
0x21: {  	s3 =	sadd.s32 s3, s9;
	s6 =	sadd.s32 @!p0 $0x88, s6;
	s7 =	simm.s32 @p2 $0x1082  }
0x22: {  	[simem:s7], [sflag:s8] =	dma.local @!p0 [hbm:s6], $0xF7A  }
0x23: {  	s9 =	sor.u32 $0xD0000000, s2;
	s6 =	simm.s32 $0x108;
	_ =	swait.ge @!p0 [sflag:s8], $0x0  }
0x24: {  	s3 =	sadd.s32 $0x88, s3;
	s6 =	simm.s32 @!p1 $0x1082;
	[sflag:s4] =	ssyncset.s32 $0xFFFFF086  }
0x25: {  	[simem:s6], [sflag:s4] =	dma.local [hbm:s3], $0xF7A  }
0x26: {  	[smem:$0x3F9B] =	sst s1;
	(tag) =	ssettag s2;
	_ =	strace s9  }
0x27: {  	s1 =	sld [smem:$0x3FAB]  }
0x28: {  	s2 =	sld [smem:$0x3FAC]  }
0x29: {  	s4 =	sld [smem:$0x3FAE]  }
0x2a: {  	p0 =	seq.s32 s5, $0x0;
	s5 =	sld [smem:$0x3FAF]  }
0x2b: {  	s6 =	sld [smem:$0x3FB0]  }
0x2c: {  	s7 =	sld [smem:$0x3FB1]  }
0x2d: {  	s3 =	simm.s32 $0x108;
	s8 =	sld [smem:$0x3FB2]  }
0x2e: {  	s3 =	simm.s32 @!p0 $0x1082;
	s9 =	sld [smem:$0x3FB3]  }
0x2f: {  	lr =	sadd.s32 s0, s3;
	s0 =	sld [smem:$0x3FAA]  }
0x30: {  	s3 =	sld [smem:$0x3FAD]  }
0x31: {  	[smem:$0x3FB6] =	sst s10  }
0x32: {  	s10 =	sld [smem:$0x3FB4];
	_ =	sdelay $0x3  }
0x33: {  	p0 =	seq.s32 s10, $0x1;
	s10 =	sld [smem:$0x3FB6];
	_ =	sdelay $0x3  }
0x34: {  	[smem:$0x3FB6] =	sst s10  }
0x35: {  	s10 =	sld [smem:$0x3FB5];
	_ =	sdelay $0x3  }
0x36: {  	p1 =	seq.s32 s10, $0x1;
	s10 =	sld [smem:$0x3FB6];
	_ =	sdelay $0x3  }
0x37: {  	[smem:$0x3FB6] =	sst s10  }
0x38: {  	s10 =	sld [smem:$0x3FB7]  }
0x39: {  	_ = 	snop;
	(pc) =	sbr.ind lr, $3  }
0x3a: {  	_ = 	snop  }
0x3b: {  	_ = 	snop  }
0x3c: {  	p2 =	seq.s32 s10, $0x1;
	s10 =	sld [smem:$0x3FB6]  }
0x3d: {  	_ =	shalt  }
0x3e: {  	_ =	shalt  }
0x3f: {  	_ =	shalt  }
0x40: {  	_ =	shalt  }
0x41: {  	_ =	shalt  }
0x42: {  	_ =	shalt  }
0x43: {  	_ =	shalt  }
0x44: {  	_ =	shalt  }
0x45: {  	_ =	shalt  }
0x46: {  	_ =	shalt  }
0x47: {  	_ =	shalt  }
0x48: {  	_ =	shalt  }
0x49: {  	_ =	shalt  }
0x4a: {  	_ =	shalt  }
0x4b: {  	_ =	shalt  }
0x4c: {  	_ =	shalt  }
0x4d: {  	_ =	shalt  }
0x4e: {  	_ =	shalt  }
0x4f: {  	_ =	shalt  }
0x50: {  	_ =	shalt  }
0x51: {  	_ =	shalt  }
0x52: {  	_ =	shalt  }
0x53: {  	_ =	shalt  }
0x54: {  	_ =	shalt  }
0x55: {  	_ =	shalt  }
0x56: {  	_ =	shalt  }
0x57: {  	_ =	shalt  }
0x58: {  	_ =	shalt  }
0x59: {  	_ =	shalt  }
0x5a: {  	_ =	shalt  }
0x5b: {  	_ =	shalt  }
0x5c: {  	_ =	shalt  }
0x5d: {  	_ =	shalt  }
0x5e: {  	_ =	shalt  }
0x5f: {  	_ =	shalt  }
0x60: {  	_ =	shalt  }
0x61: {  	_ =	shalt  }
0x62: {  	_ =	shalt  }
0x63: {  	_ =	shalt  }
0x64: {  	_ =	shalt  }
0x65: {  	_ =	shalt  }
0x66: {  	_ =	shalt  }
0x67: {  	_ =	shalt  }
0x68: {  	_ =	shalt  }
0x69: {  	_ =	shalt  }
0x6a: {  	_ =	shalt  }
0x6b: {  	_ =	shalt  }
0x6c: {  	_ =	shalt  }
0x6d: {  	_ =	shalt  }
0x6e: {  	_ =	shalt  }
0x6f: {  	_ =	shalt  }
0x70: {  	_ =	shalt  }
0x71: {  	_ =	shalt  }
0x72: {  	_ =	shalt  }
0x73: {  	_ =	shalt  }
0x74: {  	_ =	shalt  }
0x75: {  	_ =	shalt  }
0x76: {  	_ =	shalt  }
0x77: {  	_ =	shalt  }
0x78: {  	_ =	shalt  }
0x79: {  	_ =	shalt  }
0x7a: {  	_ =	shalt  }
0x7b: {  	_ =	shalt  }
0x7c: {  	_ =	shalt  }
0x7d: {  	_ =	shalt  }
0x7e: {  	_ =	shalt  }
0x7f: {  	_ =	shalt  }
0x80: {  	_ =	shalt  }
0x81: {  	_ =	shalt  }
0x82: {  	_ =	shalt  }
0x83: {  	_ =	shalt  }
0x84: {  	_ =	shalt  }
0x85: {  	_ =	shalt  }
0x86: {  	_ =	shalt  }
0x87: {  	_ =	shalt  }
.Lfunc_end0:
.L_simem_size_0:
called_computation_lowered:
.L_overlay_start_0:
0x88: {  	s2 =	sld [smem:$0x3FD9]  }
0x89: {  	s3 =	sld [smem:$0x3FFE];
	_ =	sdelay $0x1  }
0x8a: {  	s1 =	srdreg.scid  }
0x8b: {  	s0 =	sand.u32 $0x1, s1  }
0x8c: {  	s14 =	sshll.u32 s0, $0xA;
	s2 =	sadd.s32 s3, s2  }
0x8d: {  	s2 =	sadd.s32 s2, s14  }
0x8e: {  	[smem:$0x3FC2] =	sst s2  }
0x8f: {  	_ = 	snop  }
0x90: {  	s2 =	sld [smem:$0x3FD0];
	_ =	sdelay $0x2  }
0x91: {  	s15 =	simm.s32 $0xA;
	s4 =	simm.s32 $0x10  }
0x92: {  	[smem:s4], [sflag:s15] =	dma.local [hbm:s2], $0x1  }
0x93: {  	_ =	swait.eq [sflag:s15], $0x1  }
0x94: {  	[sflag:s15] =	ssyncset.done $0x0  }
0x95: {  	[sflag:s15] =	ssyncadd.s32 $0xFFFFFFFF  }
0x96: {  	s16 =	sld [smem:$0x10];
	(tm) =	ssettm $0x1  }
0x97: {  	s17 =	sld [smem:$0x3FFB];
	_ =	sdelay $0x3  }
0x98: {  	_ =	strace s17  }
0x99: {  	s3 =	sld [smem:$0x3FFC];
	_ =	sdelay $0x3  }
0x9a: {  	_ =	strace s3  }
0x9b: {  	s3 =	sld [smem:$0x3FFD];
	_ =	sdelay $0x3  }
0x9c: {  	_ =	strace s3  }
0x9d: {  	_ =	strace $0x8FFFFFFF  }
0x9e: {  	s18 =	sld [smem:$0x3FDB];
	_ =	sdelay $0x1  }
0x9f: {  	s19 =	simm.s32 $_scs_section_size  }
0xa0: {  	s5 =	simm.s32 $_size__tile_overlayer_lowered;
	s6 =	simm.s32 $_tile_overlayer_lowered  }
0xa1: {  	s22 =	simm.s32 $0x1BFF;
	s21 =	sshll.u32 s6, $0x1;
	s3 =	sadd.s32 s19, s18  }
0xa2: {  	s7 =	simm.s32 $0x0;
	s20 =	sshll.u32 s5, $0x1;
	s5 =	sadd.s32 s21, s3  }
0xa3: {  	[timem:s7], [sflag:s22] =	dma.local [hbm:s5], s20  }
0xa4: {  	_ =	swait.ge [sflag:s22], s20  }
0xa5: {  	s4 =	ssub.s32 $0x0, s20;
	[sflag:s22] =	ssyncset.done $0x0  }
0xa6: {  	[sflag:s22] =	ssyncadd.s32 s4;
	_ =	sdelay $0x1  }
0xa7: {  	s23 =	simm.s32 $0x1B8B  }
0xa8: {  	_ =	swait.ge [sflag:s23], $0x1  }
0xa9: {  	[sflag:s23] =	ssyncset.done $0x0  }
0xaa: {  	s25 =	simm.s32 $0x1B8E;
	s24 =	sld [smem:$0x3FFE];
	[sflag:s23] =	ssyncadd.s32 $0xFFFFFFFF  }
0xab: {  	s26 =	simm.s32 $execute0_lowered;
	[smem:$0x3FD2] =	sst s25  }
0xac: {  	s5 =	sshll.u32 s26, $0x1;
	_ =	strace $0x80000046;
	[dreg:$0x1] =	wrdreg $0xFFFFFFFF  }
0xad: {  	s28 =	simm.s32 $_size_execute0_lowered;
	s3 =	sadd.s32 s3, s5;
	[dreg:$0x0] =	wrdreg $0x0  }
0xae: {  	s5 =	sshll.u32 s28, $0x1;
	[dreg:$0x2] =	wrdreg s3  }
0xaf: {  	[dreg:$0x3] =	wrdreg s5  }
0xb0: {  	[dreg:$0x4] =	wrdreg $0xC0  }
0xb1: {  	_ =	task [dreg:s7], $0x5FFFF  }
0xb2: {  	[dreg:$0x1] =	wrdreg $0xFFFFFFFF  }
0xb3: {  	[dreg:$0x0] =	wrdreg $0x60  }
0xb4: {  	[dreg:$0x2] =	wrdreg s16  }
0xb5: {  	[dreg:$0x3] =	wrdreg s24  }
0xb6: {  	[dreg:$0x4] =	wrdreg $0x2A000  }
0xb7: {  	[dreg:$0x5] =	wrdreg $0x9  }
0xb8: {  	_ =	task.clear_ibuf [dreg:s7], $0x6FFFF;
	_ =	strace $0x90000046  }
0xb9: {  	s29 =	simm.s32 $0x9;
	_ =	strace $0x80000048  }
0xba: {  	_ =	swait.ge [sflag:s29], $0x1  }
0xbb: {  	[sflag:s29] =	ssyncadd.s32 $0xFFFFFFFF  }
0xbc: {  	_ =	strace $0x90000048  }
0xbd: {  	_ =	sfence  }
0xbe: {  	s30 =	sld [smem:$0x0];
	_ =	sdelay $0x2  }
0xbf: {  	s31 =	sshll.u32 s1, $0xD;
	s1 =	sshrl.u32 s1, $0x2  }
0xc0: {  	s3 =	sand.u32 $0x4000, s31;
	s1 =	sadd.s32 s1, s30  }
0xc1: {  	s0 =	sor.u32 s3, s0;
	s1 =	sshll.u32 s1, $0x11  }
0xc2: {  	s0 =	sor.u32 s1, s0  }
0xc3: {  	s0 =	sadd.s32 $0x8F2B, s0  }
0xc4: {  	[sflag:s0] =	ssyncadd.remote.s32 $0x1  }
0xc5: {  	_ =	sfence.sel $0xFFFF  }
0xc6: {  	[dreg:$0x0] =	wrdreg $0xFFFFFFFF;
	(pc) =	sbr.abs _section_cstart, $3  }
0xc7: {  	[dreg:$0x1] =	wrdreg $0xFFFFFFFF  }
0xc8: {  	_ =	task.clear_ibuf [dreg:s7], $0x2FFFF;
	_ =	strace $0x9FFFFFFF  }
0xc9: {  	(tm) =	ssettm $0x7FFFFFFF  }
tec
execute0_lowered:
.L_overlay_start_1:
0x0: {  	(tag) =	ssettag $0x1  }
0x1: {  	s1 =	rddreg [dreg:$0x0]  }
0x2: {  	s0 =	rddreg [dreg:$0x1]  }
0x3: {  	s2 =	rddreg [dreg:$0x2];
	s3 =	srdreg.scid  }
0x4: {  	s4 =	simm.s32 $0x0;
	s20 =	stileid.u32;
	s18 =	simm.s32 $0x200  }
0x5: {  	s19 =	simm.s32 $0x3;
	s28 =	simm.s32 $0x180;
	s29 =	simm.s32 $0x0  }
0x6: {  	s8 =	sand.u32 $0x1, s3;
	[smem:$0x7FF] =	sst s4;
	s9 =	smul.u32 $0x14000, s20  }
0x7: {  	s5 =	sadd.s32 $0x2800, s0;
	s10 =	sshll.u32 s20, $0x1;
	s11 =	smul.u32 $0x50000, s20  }
0x8: {  	s6 =	sadd.s32 $0x2E00, s0;
	s12 =	smul.u32 $0x4E20, s20;
	s31 =	sshll.u32 s20, $0x6  }
0x9: {  	s7 =	smul.u32 $0x140000, s8;
	_ =	strace $0x80000047;
	s21 =	sor.u32 s8, s10  }
0xa: {  	s22 =	ssub.s32 $0x2, s8;
	s14 =	smul.u32 $0x2710, s8;
	s20 =	sor.u32 $0x1C03, s31  }
0xb: {  	s23 =	sshrl.u32 s22, $0x1;
	s25 =	sshrl.u32 s11, $0x2;
	s7 =	sadd.s32 s9, s7  }
0xc: {  	s9 =	smul.u32 $0x2710, s21;
	s13 =	ssub.s32 s22, s23;
	s21 =	sadd.s32 s25, s2  }
0xd: {  	s17 =	sadd.s32 s14, s12;
	s22 =	simm.s32 $0x80;
	s23 =	simm.s32 $0x1  }
0xe: {  	s25 =	simm.s32 $0x100;
	s7 =	sshrl.u32 s7, $0x3;
	s13 =	smax.u32 s13, $0x1  }
0xf: {  	s26 =	sadd.s32 $0x230, s17;
	s15 =	sadd.s32 $0x1E0, s17;
	s16 =	sadd.s32 $0x190, s17  }
0x10: {  	s17 =	sadd.s32 $0x140, s17;
	s21 =	sshrl.u32 s21, $0x3;
	s0 =	sadd.s32 s7, s0  }
0x11: {  	s24 =	sshrl.u32 s9, $0x3;
	s30 =	sshrl.u32 s15, $0x3;
	s16 =	sshrl.u32 s16, $0x3  }
0x12: {  	s7 =	sadd.s32 s1, s24;
	s12 =	sadd.s32 $0x5600, s0;
	s0 =	sshrl.u32 s26, $0x3  }
0x13: {  	s15 =	sadd.s32 s30, s1;
	s16 =	sadd.s32 s16, s1;
	s24 =	simm.s32 $0x50  }
0x14: {  	s26 =	simm.s32 $0x2;
	s8 =	sadd.s32 $0xA, s7;
	s9 =	sadd.s32 $0x14, s7  }
0x15: {  	s10 =	sadd.s32 $0x1E, s7;
	s11 =	sadd.s32 $0x4D8, s7;
	s14 =	sadd.s32 s0, s1  }
.LBB2_1:
0x16: {  	[tilespmem:s18], [sflag:$0x3] =	stream.linear.gather [hbm4b:s5+s4], $0x2800, $0x38;
	[tilespmem:$0x16A00] =	vst v63  }
0x17: {  	_ =	swait.ge [sflag:s19], $0x2800  }
0x18: {  	[sflag:s19] =	ssyncset.done $0x0  }
0x19: {  	[sflag:s19] =	ssyncadd.s32 $0xFFFFD800  }
0x1a: {  	[spmem:s21], [sflag:s20] =	dma.local [hbm:s6], $0x2800  }
0x1b: {  	_ =	swait.ge [sflag:s19], $0x2800  }
0x1c: {  	[sflag:s19] =	ssyncset.done $0x0  }
0x1d: {  	[sflag:s19] =	ssyncadd.s32 $0xFFFFD800  }
0x1e: {  	[bflag:$0x0] =	sbarrier.arrive $0xFFFF  }
0x1f: {  	[tilespmem:s4], [sflag:$0x1] =	stream.linear.gather [hbm4b:s7+s4], $0x50, $0x38;
	[tilespmem:$0x16A00] =	vst v63  }
0x20: {  	_ = 	snop  }
0x21: {  	[tilespmem:s22], [sflag:$0x1] =	stream.linear.gather [hbm4b:s8+s4], $0x50, $0x38;
	[tilespmem:$0x16A00] =	vst v63  }
0x22: {  	_ =	swait.ge [sflag:s23], $0x50  }
0x23: {  	[sflag:s23] =	ssyncset.done $0x0  }
0x24: {  	[sflag:s23] =	ssyncadd.s32 $0xFFFFFFB0  }
0x25: {  	[spmem:s2] =	stream.indirect.scatter.add.f32 [tilespmem:s18], [sflag:$0x2], $0x80, s4, s24, $0xb8;
	[tilespmem:$0x16A00] =	vst v63  }
0x26: {  	_ = 	snop  }
0x27: {  	[tilespmem:s25], [sflag:$0x1] =	stream.linear.gather [hbm4b:s9+s4], $0x50, $0x38;
	[tilespmem:$0x16A00] =	vst v63  }
0x28: {  	_ =	swait.ge [sflag:s23], $0x50  }
0x29: {  	[sflag:s23] =	ssyncset.done $0x0  }
0x2a: {  	[sflag:s23] =	ssyncadd.s32 $0xFFFFFFB0  }
0x2b: {  	[spmem:s2] =	stream.indirect.scatter.add.f32 [tilespmem:s18], [sflag:$0x2], $0x80, s22, s24, $0xb8;
	[tilespmem:$0x16A00] =	vst v63  }
0x2c: {  	_ =	swait.ge [sflag:s26], $0x2800  }
0x2d: {  	[sflag:s26] =	ssyncset.done $0x0  }
0x2e: {  	[sflag:s26] =	ssyncadd.s32 $0xFFFFD800  }
0x2f: {  	[tilespmem:s28], [sflag:$0x1] =	stream.linear.gather [hbm4b:s10+s4], $0x50, $0x38;
	[tilespmem:$0x16A00] =	vst v63  }
0x30: {  	_ =	swait.ge [sflag:s23], $0x50  }
0x31: {  	[sflag:s23] =	ssyncset.done $0x0  }
0x32: {  	[sflag:s23] =	ssyncadd.s32 $0xFFFFFFB0  }
0x33: {  	[spmem:s2] =	stream.indirect.scatter.add.f32 [tilespmem:s18], [sflag:$0x2], $0x80, s25, s24, $0xb8;
	[tilespmem:$0x16A00] =	vst v63  }
0x34: {  	_ =	swait.ge [sflag:s26], $0x2800  }
0x35: {  	s0 =	sshrl.u32 s17, $0x3;
	[sflag:s26] =	ssyncset.done $0x0  }
0x36: {  	s0 =	sadd.s32 s1, s0;
	[sflag:s26] =	ssyncadd.s32 $0xFFFFD800  }
0x37: {  	[tilespmem:s4], [sflag:$0x1] =	stream.linear.gather [hbm4b:s0+s4], $0x50, $0x38;
	[tilespmem:$0x16A00] =	vst v63  }
0x38: {  	_ =	swait.ge [sflag:s23], $0x50  }
0x39: {  	[sflag:s23] =	ssyncset.done $0x0  }
0x3a: {  	[sflag:s23] =	ssyncadd.s32 $0xFFFFFFB0  }
0x3b: {  	[spmem:s2] =	stream.indirect.scatter.add.f32 [tilespmem:s18], [sflag:$0x2], $0x80, s28, s24, $0xb8;
	[tilespmem:$0x16A00] =	vst v63  }
0x3c: {  	_ =	swait.ge [sflag:s26], $0x2800  }
0x3d: {  	[sflag:s26] =	ssyncset.done $0x0  }
0x3e: {  	s3 =	sadd.s32 $0x0, s16;
	[sflag:s26] =	ssyncadd.s32 $0xFFFFD800  }
0x3f: {  	[tilespmem:s22], [sflag:$0x1] =	stream.linear.gather [hbm4b:s3+s4], $0x50, $0x38;
	[tilespmem:$0x16A00] =	vst v63  }
0x40: {  	_ =	swait.ge [sflag:s23], $0x50  }
0x41: {  	[sflag:s23] =	ssyncset.done $0x0  }
0x42: {  	[sflag:s23] =	ssyncadd.s32 $0xFFFFFFB0  }
0x43: {  	[spmem:s2] =	stream.indirect.scatter.add.f32 [tilespmem:s18], [sflag:$0x2], $0x80, s4, s24, $0xb8;
	[tilespmem:$0x16A00] =	vst v63  }
0x44: {  	_ =	swait.ge [sflag:s26], $0x2800  }
0x45: {  	[sflag:s26] =	ssyncset.done $0x0  }
0x46: {  	s3 =	sadd.s32 $0x0, s15;
	[sflag:s26] =	ssyncadd.s32 $0xFFFFD800  }
0x47: {  	[tilespmem:s25], [sflag:$0x1] =	stream.linear.gather [hbm4b:s3+s4], $0x50, $0x38;
	[tilespmem:$0x16A00] =	vst v63  }
0x48: {  	_ =	swait.ge [sflag:s23], $0x50  }
0x49: {  	[sflag:s23] =	ssyncset.done $0x0  }
0x4a: {  	[sflag:s23] =	ssyncadd.s32 $0xFFFFFFB0  }
0x4b: {  	[spmem:s2] =	stream.indirect.scatter.add.f32 [tilespmem:s18], [sflag:$0x2], $0x80, s22, s24, $0xb8;
	[tilespmem:$0x16A00] =	vst v63  }
0x4c: {  	_ =	swait.ge [sflag:s26], $0x2800  }
0x4d: {  	s30 =	simm.s32 $0x28;
	[sflag:s26] =	ssyncset.done $0x0  }
0x4e: {  	s31 =	sadd.s32 $0x140, s17;
	s0 =	sadd.s32 $0x0, s14;
	[sflag:s26] =	ssyncadd.s32 $0xFFFFD800  }
.LBB2_2:
0x4f: {  	[tilespmem:s28], [sflag:$0x1] =	stream.linear.gather [hbm4b:s0+s4], $0x50, $0x38;
	[tilespmem:$0x16A00] =	vst v63  }
0x50: {  	s0 =	smov.u32 s30  }
0x51: {  	p0 =	sne.s32 s30, $0x488;
	s30 =	sadd.s32 $0x28, s30;
	_ =	swait.ge [sflag:s23], $0x50  }
0x52: {  	[sflag:s23] =	ssyncset.done $0x0  }
0x53: {  	[sflag:s23] =	ssyncadd.s32 $0xFFFFFFB0  }
0x54: {  	[spmem:s2] =	stream.indirect.scatter.add.f32 [tilespmem:s18], [sflag:$0x2], $0x80, s25, s24, $0xb8;
	[tilespmem:$0x16A00] =	vst v63  }
0x55: {  	_ =	swait.ge [sflag:s26], $0x2800  }
0x56: {  	s3 =	sshrl.u32 s31, $0x3;
	[sflag:s26] =	ssyncset.done $0x0  }
0x57: {  	s3 =	sadd.s32 s1, s3;
	[sflag:s26] =	ssyncadd.s32 $0xFFFFD800  }
0x58: {  	[tilespmem:s4], [sflag:$0x1] =	stream.linear.gather [hbm4b:s3+s4], $0x50, $0x38;
	[tilespmem:$0x16A00] =	vst v63  }
0x59: {  	_ =	swait.ge [sflag:s23], $0x50  }
0x5a: {  	[sflag:s23] =	ssyncset.done $0x0  }
0x5b: {  	[sflag:s23] =	ssyncadd.s32 $0xFFFFFFB0  }
0x5c: {  	[spmem:s2] =	stream.indirect.scatter.add.f32 [tilespmem:s18], [sflag:$0x2], $0x80, s28, s24, $0xb8;
	[tilespmem:$0x16A00] =	vst v63  }
0x5d: {  	_ =	swait.ge [sflag:s26], $0x2800  }
0x5e: {  	[sflag:s26] =	ssyncset.done $0x0  }
0x5f: {  	s3 =	sadd.s32 s0, s16;
	[sflag:s26] =	ssyncadd.s32 $0xFFFFD800  }
0x60: {  	[tilespmem:s22], [sflag:$0x1] =	stream.linear.gather [hbm4b:s3+s4], $0x50, $0x38;
	[tilespmem:$0x16A00] =	vst v63  }
0x61: {  	_ =	swait.ge [sflag:s23], $0x50  }
0x62: {  	[sflag:s23] =	ssyncset.done $0x0  }
0x63: {  	[sflag:s23] =	ssyncadd.s32 $0xFFFFFFB0  }
0x64: {  	[spmem:s2] =	stream.indirect.scatter.add.f32 [tilespmem:s18], [sflag:$0x2], $0x80, s4, s24, $0xb8;
	[tilespmem:$0x16A00] =	vst v63  }
0x65: {  	_ =	swait.ge [sflag:s26], $0x2800  }
0x66: {  	[sflag:s26] =	ssyncset.done $0x0  }
0x67: {  	s3 =	sadd.s32 s0, s15;
	[sflag:s26] =	ssyncadd.s32 $0xFFFFD800  }
0x68: {  	[tilespmem:s25], [sflag:$0x1] =	stream.linear.gather [hbm4b:s3+s4], $0x50, $0x38;
	[tilespmem:$0x16A00] =	vst v63  }
0x69: {  	_ =	swait.ge [sflag:s23], $0x50  }
0x6a: {  	[sflag:s23] =	ssyncset.done $0x0  }
.Ltmp0:
0x6b: {  	[sflag:s23] =	ssyncadd.s32 $0xFFFFFFB0;
	(pc) =	sbr.rel @p0 .LBB2_2-.Ltmp0, $4  }
0x6c: {  	[spmem:s2] =	stream.indirect.scatter.add.f32 [tilespmem:s18], [sflag:$0x2], $0x80, s22, s24, $0xb8;
	[tilespmem:$0x16A00] =	vst v63  }
0x6d: {  	_ =	swait.ge [sflag:s26], $0x2800  }
0x6e: {  	[sflag:s26] =	ssyncset.done $0x0  }
0x6f: {  	s31 =	sadd.s32 $0x140, s31;
	s0 =	sadd.s32 s0, s14;
	[sflag:s26] =	ssyncadd.s32 $0xFFFFD800  }
0x70: {  	[tilespmem:s28], [sflag:$0x1] =	stream.linear.gather [hbm4b:s0+s4], $0x50, $0x38;
	[tilespmem:$0x16A00] =	vst v63  }
0x71: {  	_ =	swait.ge [sflag:s23], $0x50  }
0x72: {  	[sflag:s23] =	ssyncset.done $0x0  }
0x73: {  	[sflag:s23] =	ssyncadd.s32 $0xFFFFFFB0  }
0x74: {  	[spmem:s2] =	stream.indirect.scatter.add.f32 [tilespmem:s18], [sflag:$0x2], $0x80, s25, s24, $0xb8;
	[tilespmem:$0x16A00] =	vst v63  }
0x75: {  	_ =	swait.ge [sflag:s26], $0x2800  }
0x76: {  	[sflag:s26] =	ssyncset.done $0x0  }
0x77: {  	[sflag:s26] =	ssyncadd.s32 $0xFFFFD800  }
0x78: {  	[tilespmem:s4], [sflag:$0x1] =	stream.linear.gather [hbm4b:s11+s4], $0x50, $0x38;
	[tilespmem:$0x16A00] =	vst v63  }
0x79: {  	_ =	swait.ge [sflag:s23], $0x50  }
0x7a: {  	[sflag:s23] =	ssyncset.done $0x0  }
0x7b: {  	[sflag:s23] =	ssyncadd.s32 $0xFFFFFFB0  }
0x7c: {  	[spmem:s2] =	stream.indirect.scatter.add.f32 [tilespmem:s18], [sflag:$0x2], $0x80, s28, s24, $0xb8;
	[tilespmem:$0x16A00] =	vst v63  }
0x7d: {  	_ =	swait.ge [sflag:s26], $0x2800  }
0x7e: {  	[sflag:s26] =	ssyncset.done $0x0  }
0x7f: {  	[sflag:s26] =	ssyncadd.s32 $0xFFFFD800  }
0x80: {  	_ =	swait.ge [sflag:s23], $0x50  }
0x81: {  	[sflag:s23] =	ssyncset.done $0x0  }
0x82: {  	[sflag:s23] =	ssyncadd.s32 $0xFFFFFFB0  }
0x83: {  	[spmem:s2] =	stream.indirect.scatter.add.f32 [tilespmem:s18], [sflag:$0x2], $0x80, s4, s24, $0xb8;
	[tilespmem:$0x16A00] =	vst v63  }
0x84: {  	_ =	swait.ge [sflag:s26], $0x2800  }
0x85: {  	[sflag:s26] =	ssyncset.done $0x0  }
0x86: {  	[sflag:s26] =	ssyncadd.s32 $0xFFFFD800  }
0x87: {  	_ =	swait.ge [sflag:s26], $0x2800  }
0x88: {  	s29 =	sadd.s32 $0x1, s29;
	[sflag:s26] =	ssyncset.done $0x0  }
0x89: {  	p0 =	sne.s32 s29, s13;
	[sflag:s26] =	ssyncadd.s32 $0xFFFFD800  }
.Ltmp1:
0x8a: {  	[bflag:$0x0] =	sbarrier.arrive $0xFFFF;
	(pc) =	sbr.rel @p0 .LBB2_1-.Ltmp1, $4  }
0x8b: {  	[hbm:s12], [sflag:s20] =	dma.local [spmem:s21], $0x2800  }
0x8c: {  	_ =	swait.ge [sflag:s19], $0x2800  }
0x8d: {  	[sflag:s19] =	ssyncset.done $0x0  }
0x8e: {  	[sflag:s19] =	ssyncadd.s32 $0xFFFFD800  }
0x8f: {  	_ =	sfence.sel $0x180000  }
0x90: {  	[bflag:$0x0] =	sbarrier.arrive $0xFFFF  }
0x91: {  	_ =	strace $0x90000047  }
0x92: {  	s0 =	stileid.u32;
	[bflag:$0x2] =	sbarrier.arrive $0xFFFF  }
0x93: {  	p0 =	sne.s32 s0, $0x0;
	s0 =	rddreg [dreg:$0x3]  }
0x94: {  	s0 =	sadd.s32 @!p0 $0x100000, s0  }
0x95: {  	[sflag:s0] =	ssyncadd.tile.s32 @!p0 $0x1;
	_ =	shalt  }
.Lfunc_end2:
_tile_overlayer_lowered:
.L_overlay_start_2:
0x96: {  	(tag) =	ssettag $0x2  }
0x97: {  	s0 =	rddreg [dreg:$0x0];
	s2 =	stileid.u32  }
0x98: {  	s1 =	rddreg [dreg:$0x1];
	p0 =	sne.s32 s2, $0x0  }
0x99: {  	s3 =	rddreg [dreg:$0x2];
	[bflag:$0x3] =	sbarrier.arrive $0xFFFF;
	s2 =	simm.s32 @!p0 $0x1C03  }
0x9a: {  	[timem:s3], [sflag:s2] =	dma.local @!p0 [hbm:s0], s1  }
0x9b: {  	s0 =	simm.s32 @!p0 $0x3  }
0x9c: {  	_ =	swait.ge @!p0 [sflag:s0], s1  }
0x9d: {  	s1 =	ssub.s32 @!p0 $0x0, s1;
	[sflag:s0] =	ssyncset.done @!p0 $0x0  }
0x9e: {  	[sflag:s0] =	ssyncadd.s32 @!p0 s1  }
0x9f: {  	[bflag:$0x3] =	sbarrier.arrive $0xFFFF  }
0xa0: {  	_ =	shalt  }

</sc_bundles>
